<compile_context>
chip_gen: v7x
topology: tpu7x:2x2x1
jax: 0.10.2.dev20260603
libtpu: 0.0.44.dev20260713+nightly
codegen_flags: <defaults>
</compile_context>

<pallas_src>
import functools

import jax
import jax.numpy as jnp
from jax import lax
from jax.experimental import pallas as pl
from jax.experimental.pallas import tpu as pltpu
from jax.experimental.pallas import tpu_sc as plsc

B = 4
NQ = 8192
M = 2048
K = 3
L = 16
NC = 2
NS = 16
NW = NC * NS
WPB = NW // B

NQ_SC = 3072
NQ_TC = NQ - NQ_SC
TQ = 256
NGT = NQ_TC // TQ

QPW = NQ_SC // WPB
NG = QPW // L

_EPS2 = 1e-20
_BIGW = 1e10


def _bf16_round(x):
  u = lax.bitcast_convert_type(x, jnp.int32)
  r = (u + 0x7FFF + (lax.shift_right_logical(u, 16) & 1)) & jnp.int32(-65536)
  return lax.bitcast_convert_type(r, jnp.float32)


def _rsqrt_f32(x):
  i = lax.bitcast_convert_type(x, jnp.int32)
  i = 0x5F3759DF - lax.shift_right_logical(i, 1)
  y = lax.bitcast_convert_type(i, jnp.float32)
  for _ in range(3):
    y = y * (1.5 - 0.5 * x * y * y)
  return y



def _tec_body(qx_h, qy_h, qz_h, kx_h, ky_h, kz_h,
              i0_h, i1_h, i2_h, w0_h, w1_h, w2_h,
              qx_v, qy_v, qz_v, kx_v, ky_v, kz_v, h_v,
              i0_s, i1_s, i2_s, w0_s, w1_s, w2_s):
  wid = lax.axis_index("s") * NC + lax.axis_index("c")
  b = wid // WPB
  q0 = (wid % WPB) * QPW

  pltpu.sync_copy(qx_h.at[b, pl.ds(q0, QPW)], qx_v)
  pltpu.sync_copy(qy_h.at[b, pl.ds(q0, QPW)], qy_v)
  pltpu.sync_copy(qz_h.at[b, pl.ds(q0, QPW)], qz_v)
  pltpu.sync_copy(kx_h.at[b], kx_v)
  pltpu.sync_copy(ky_h.at[b], ky_v)
  pltpu.sync_copy(kz_h.at[b], kz_v)

  def h_body(i, carry):
    sl = pl.ds(i * L, L)
    kx = kx_v[sl]
    ky = ky_v[sl]
    kz = kz_v[sl]
    h_v[sl] = kx * kx + ky * ky + kz * kz
    kx_v[sl] = 2.0 * _bf16_round(kx)
    ky_v[sl] = 2.0 * _bf16_round(ky)
    kz_v[sl] = 2.0 * _bf16_round(kz)
    return carry
  lax.fori_loop(0, M // L, h_body, 0)

  lanes = lax.iota(jnp.int32, L)
  inf_v = jnp.full((L,), jnp.inf, jnp.float32)
  zero_i = jnp.zeros((L,), jnp.int32)

  def g_body(g, carry):
    qx = qx_v[pl.ds(g * L, L)]
    qy = qy_v[pl.ds(g * L, L)]
    qz = qz_v[pl.ds(g * L, L)]
    qxr = _bf16_round(qx)
    qyr = _bf16_round(qy)
    qzr = _bf16_round(qz)
    t1 = qx * qx + qy * qy + qz * qz

    def jb_body(jb, c):
      s0, s1, s2, i0, i1, i2 = c
      base = jb * (2 * L)
      for half in range(2):
        off = base + half * L
        kxv = kx_v[pl.ds(off, L)]
        kyv = ky_v[pl.ds(off, L)]
        kzv = kz_v[pl.ds(off, L)]
        hv = h_v[pl.ds(off, L)]
        for m in range(L):
          t3d = qxr * kxv[m] + qyr * kyv[m] + qzr * kzv[m]
          s = jnp.maximum((t1 + hv[m]) - t3d, 0.0)
          jv = zero_i + (off + m)
          c0 = s < s0
          c1 = s < s1
          c2 = s < s2
          n1 = jnp.where(c0, s0, jnp.minimum(s, s1))
          m1 = jnp.where(c0, i0, jnp.where(c1, jv, i1))
          s2 = jnp.where(c1, s1, jnp.minimum(s, s2))
          i2 = jnp.where(c1, i1, jnp.where(c2, jv, i2))
          s0 = jnp.minimum(s, s0)
          i0 = jnp.where(c0, jv, i0)
          s1, i1 = n1, m1
      return (s0, s1, s2, i0, i1, i2)

    s0, s1, s2, i0, i1, i2 = lax.fori_loop(
        0, M // (2 * L), jb_body,
        (inf_v, inf_v, inf_v, zero_i, zero_i, zero_i))

    ws = []
    for sm in (s0, s1, s2):
      d2 = jnp.maximum(sm, 0.0)
      w = jnp.where(d2 < _EPS2, _BIGW, _rsqrt_f32(d2))
      ws.append(w)
    wsum = ws[0] + ws[1] + ws[2]

    sl = pl.ds(g * L, L)
    i0_s[sl] = i0
    i1_s[sl] = i1
    i2_s[sl] = i2
    w0_s[sl] = ws[0] / wsum
    w1_s[sl] = ws[1] / wsum
    w2_s[sl] = ws[2] / wsum
    return carry

  lax.fori_loop(0, NG, g_body, 0)

  sl = pl.ds(q0, QPW)
  pltpu.sync_copy(i0_s, i0_h.at[b, sl])
  pltpu.sync_copy(i1_s, i1_h.at[b, sl])
  pltpu.sync_copy(i2_s, i2_h.at[b, sl])
  pltpu.sync_copy(w0_s, w0_h.at[b, sl])
  pltpu.sync_copy(w1_s, w1_h.at[b, sl])
  pltpu.sync_copy(w2_s, w2_h.at[b, sl])


_mesh = plsc.VectorSubcoreMesh(core_axis_name="c", subcore_axis_name="s")

_sc_knn = functools.partial(
    pl.kernel,
    mesh=_mesh,
    out_type=[jax.ShapeDtypeStruct((B, NQ_SC), jnp.int32)] * 3
    + [jax.ShapeDtypeStruct((B, NQ_SC), jnp.float32)] * 3,
    scratch_types=[
        pltpu.VMEM((QPW,), jnp.float32),
        pltpu.VMEM((QPW,), jnp.float32),
        pltpu.VMEM((QPW,), jnp.float32),
        pltpu.VMEM((M,), jnp.float32),
        pltpu.VMEM((M,), jnp.float32),
        pltpu.VMEM((M,), jnp.float32),
        pltpu.VMEM((M,), jnp.float32),
        pltpu.VMEM((QPW,), jnp.int32),
        pltpu.VMEM((QPW,), jnp.int32),
        pltpu.VMEM((QPW,), jnp.int32),
        pltpu.VMEM((QPW,), jnp.float32),
        pltpu.VMEM((QPW,), jnp.float32),
        pltpu.VMEM((QPW,), jnp.float32),
    ],
)(_tec_body)



def _tc_body(qx_r, qy_r, qz_r, kx_r, ky_r, kz_r,
             i0_r, i1_r, i2_r, w0_r, w1_r, w2_r):
  qx = qx_r[0, 0]
  qy = qy_r[0, 0]
  qz = qz_r[0, 0]
  kx = kx_r[0]
  ky = ky_r[0]
  kz = kz_r[0]

  t1 = qx * qx + qy * qy + qz * qz
  t2 = kx * kx + ky * ky + kz * kz
  kmat = jnp.concatenate((
      (2.0 * kx).astype(jnp.bfloat16),
      (2.0 * ky).astype(jnp.bfloat16),
      (2.0 * kz).astype(jnp.bfloat16)), axis=1)
  qmat = jnp.concatenate((
      qx.astype(jnp.bfloat16),
      qy.astype(jnp.bfloat16),
      qz.astype(jnp.bfloat16)), axis=0)
  t3d = jnp.dot(kmat, qmat, preferred_element_type=jnp.float32)
  s = jnp.maximum((t1 + t2) - t3d, 0.0)
  iota = lax.broadcasted_iota(jnp.int32, (M, TQ), 0)
  inf = jnp.float32(jnp.inf)

  idxs, d2s = [], []
  for r in range(K):
    mn = jnp.min(s, axis=0, keepdims=True)
    ir = jnp.min(jnp.where(s == mn, iota, M), axis=0, keepdims=True)
    idxs.append(ir)
    d2s.append(mn)
    if r < K - 1:
      s = jnp.where(iota == ir, inf, s)

  ws = [jnp.where(d2 < _EPS2, _BIGW, 1.0 / jnp.sqrt(d2)) for d2 in d2s]
  wsum = ws[0] + ws[1] + ws[2]

  i0_r[0, 0] = idxs[0]
  i1_r[0, 0] = idxs[1]
  i2_r[0, 0] = idxs[2]
  w0_r[0, 0] = ws[0] / wsum
  w1_r[0, 0] = ws[1] / wsum
  w2_r[0, 0] = ws[2] / wsum


_q_spec = pl.BlockSpec((1, 1, 1, TQ), lambda b, t: (b, t, 0, 0))
_k_spec = pl.BlockSpec((1, M, 1), lambda b, t: (b, 0, 0))
_o_spec = pl.BlockSpec((1, 1, 1, TQ), lambda b, t: (b, t, 0, 0))

_tc_knn = pl.pallas_call(
    _tc_body,
    grid=(B, NGT),
    in_specs=[_q_spec] * 3 + [_k_spec] * 3,
    out_specs=[_o_spec] * 6,
    out_shape=[jax.ShapeDtypeStruct((B, NGT, 1, TQ), jnp.int32)] * 3
    + [jax.ShapeDtypeStruct((B, NGT, 1, TQ), jnp.float32)] * 3,
)


@jax.jit
def kernel(x_unsampled, x_sampled):
  qx = x_unsampled[:, :, 0]
  qy = x_unsampled[:, :, 1]
  qz = x_unsampled[:, :, 2]
  kx = x_sampled[:, :, 0]
  ky = x_sampled[:, :, 1]
  kz = x_sampled[:, :, 2]

  sc_out = _sc_knn(qx[:, :NQ_SC], qy[:, :NQ_SC], qz[:, :NQ_SC], kx, ky, kz)

  def tile4(a):
    return a[:, NQ_SC:].reshape(B, NGT, 1, TQ)
  kcol = lambda a: a.reshape(B, M, 1)
  tc_out = _tc_knn(tile4(qx), tile4(qy), tile4(qz), kcol(kx), kcol(ky),
                   kcol(kz))

  parts = []
  for p_sc, p_tc in zip(sc_out, tc_out):
    parts.append(jnp.concatenate((p_sc, p_tc.reshape(B, NQ_TC)), axis=1))
  ia, ib, ic, wa, wb, wc = parts
  idx = jnp.stack((ia, ib, ic), axis=-1)
  w = jnp.stack((wa, wb, wc), axis=-1)[..., None]
  return idx, w

# --- scband reference (transcript-rebuilt; emitter-appended) ---
"""Pipeline reference for scband-interpolating-27041114096414 (READ-ONLY COPY).

The authoritative reference and input builder live on the scoring server;
editing this copy changes nothing except your own understanding.
"""

import jax, jax.numpy as jnp
import numpy as np

NB_INTERPOLATING_POINTS = 3
EPSILON = 1e-10


def square_distance(matrix1, matrix2):
    # ||x-y||^2 = ||x||^2 + ||y||^2 - 2 x.y
    term1 = jnp.sum(matrix1 ** 2, axis=2, keepdims=True)
    term2 = jnp.transpose(jnp.sum(matrix2 ** 2, axis=2, keepdims=True), (0, 2, 1))
    term3 = jnp.matmul(matrix1, jnp.transpose(matrix2, (0, 2, 1)))
    distance = term1 + term2 - 2.0 * term3
    distance = jnp.maximum(distance, 0.0)
    distance = jnp.sqrt(distance)
    return distance


def setup_inputs(seed: int = 0) -> dict:
    key = jax.random.key(seed)
    k1, k2 = jax.random.split(key)
    x_unsampled = jax.random.normal(k1, (4, 8192, 3), dtype=jnp.float32)
    x_sampled = jax.random.normal(k2, (4, 2048, 3), dtype=jnp.float32)
    return {"x_unsampled": x_unsampled, "x_sampled": x_sampled}


def reference(x_unsampled, x_sampled):
    # num_points = 2048 > 1 and > nb_interpolating_points, so we take the sorted-distance branch
    distances = square_distance(x_unsampled, x_sampled)  # [B, Nq, M]
    indexes_full = jnp.argsort(distances, axis=2)
    distances_sorted = jnp.take_along_axis(distances, indexes_full, axis=2)
    distances_k = distances_sorted[:, :, :NB_INTERPOLATING_POINTS]
    indexes = indexes_full[:, :, :NB_INTERPOLATING_POINTS]
    # distances[mask] = epsilon for distances < epsilon
    distances_k = jnp.where(distances_k < EPSILON, EPSILON, distances_k)
    weights = 1.0 / distances_k
    normalization = jnp.sum(weights, axis=2, keepdims=True)
    weights = weights / normalization
    weights = weights[:, :, :, None]  # unsqueeze(3)
    return (indexes, weights)

if __name__ == "__main__":
    import jax
    _d = setup_inputs()
    print(jax.jit(kernel)(*tuple(_d.values())))

</pallas_src>

<mosaic_0001>
#map = affine_map<(d0, d1) -> (0, 0)>
module attributes {stable_mosaic.version = 14 : i64} {
  func.func @_tec_body(%arg0: i32, %arg1: i32, %arg2: memref<4x3072xf32, #tpu.memory_space<hbm>>, %arg3: memref<4x3072xf32, #tpu.memory_space<hbm>>, %arg4: memref<4x3072xf32, #tpu.memory_space<hbm>>, %arg5: memref<4x2048xf32, #tpu.memory_space<hbm>>, %arg6: memref<4x2048xf32, #tpu.memory_space<hbm>>, %arg7: memref<4x2048xf32, #tpu.memory_space<hbm>>, %arg8: memref<4x3072xi32, #tpu.memory_space<hbm>>, %arg9: memref<4x3072xi32, #tpu.memory_space<hbm>>, %arg10: memref<4x3072xi32, #tpu.memory_space<hbm>>, %arg11: memref<4x3072xf32, #tpu.memory_space<hbm>>, %arg12: memref<4x3072xf32, #tpu.memory_space<hbm>>, %arg13: memref<4x3072xf32, #tpu.memory_space<hbm>>, %arg14: memref<384xf32, #tpu.memory_space<vmem>>, %arg15: memref<384xf32, #tpu.memory_space<vmem>>, %arg16: memref<384xf32, #tpu.memory_space<vmem>>, %arg17: memref<2048xf32, #tpu.memory_space<vmem>>, %arg18: memref<2048xf32, #tpu.memory_space<vmem>>, %arg19: memref<2048xf32, #tpu.memory_space<vmem>>, %arg20: memref<2048xf32, #tpu.memory_space<vmem>>, %arg21: memref<384xi32, #tpu.memory_space<vmem>>, %arg22: memref<384xi32, #tpu.memory_space<vmem>>, %arg23: memref<384xi32, #tpu.memory_space<vmem>>, %arg24: memref<384xf32, #tpu.memory_space<vmem>>, %arg25: memref<384xf32, #tpu.memory_space<vmem>>, %arg26: memref<384xf32, #tpu.memory_space<vmem>>) attributes {dimension_semantics = [#tpu.dimension_semantics<core_parallel>, #tpu.dimension_semantics<subcore_parallel>], iteration_bounds = array<i64: 2, 16>, scalar_prefetch = 0 : i64, scratch_operands = 13 : i64, tpu.core_type = #tpu.core_type<sc_vector_subcore>, window_params = [{transform_indices = #map}, {transform_indices = #map}, {transform_indices = #map}, {transform_indices = #map}, {transform_indices = #map}, {transform_indices = #map}, {transform_indices = #map}, {transform_indices = #map}, {transform_indices = #map}, {transform_indices = #map}, {transform_indices = #map}, {transform_indices = #map}]} {
    %mul3A = arith.constant 2 : i32
    %mul3A_0 = arith.muli %arg1, %mul3A : i32
    %add3A = arith.addi %mul3A_0, %arg0 : i32
    %jit3A = arith.constant 8 : i32
    %div3A = arith.divsi %add3A, %jit3A : i32
    %sign3A = arith.constant 0 : i32
    %sign3A_1 = arith.cmpi sgt, %add3A, %sign3A : i32
    %sign3A_2 = arith.extui %sign3A_1 : i1 to i32
    %sign3A_3 = arith.constant 0 : i32
    %sign3A_4 = arith.cmpi slt, %add3A, %sign3A_3 : i32
    %sign3A_5 = arith.extui %sign3A_4 : i1 to i32
    %sign3A_6 = arith.subi %sign3A_2, %sign3A_5 : i32
    %sign3A_7 = arith.constant 0 : i32
    %sign3A_8 = arith.cmpi sgt, %jit3A, %sign3A_7 : i32
    %sign3A_9 = arith.extui %sign3A_8 : i1 to i32
    %sign3A_10 = arith.constant 0 : i32
    %sign3A_11 = arith.cmpi slt, %jit3A, %sign3A_10 : i32
    %sign3A_12 = arith.extui %sign3A_11 : i1 to i32
    %sign3A_13 = arith.subi %sign3A_9, %sign3A_12 : i32
    %ne3A = arith.cmpi ne, %sign3A_6, %sign3A_13 : i32
    %rem3A = arith.remsi %add3A, %jit3A : i32
    %ne3A_14 = arith.constant 0 : i32
    %ne3A_15 = arith.cmpi ne, %rem3A, %ne3A_14 : i32
    %and3A = arith.andi %ne3A, %ne3A_15 : i1
    %sub3A = arith.constant 1 : i32
    %sub3A_16 = arith.subi %div3A, %sub3A : i32
    %select_n3A = arith.select %and3A, %sub3A_16, %div3A : i32
    %jit3A_17 = arith.constant 8 : i32
    %eq3A = arith.constant 0 : i32
    %eq3A_18 = arith.cmpi eq, %jit3A_17, %eq3A : i32
    %jit3A_19 = arith.constant 1 : i32
    %select_n3A_20 = arith.select %eq3A_18, %jit3A_19, %jit3A_17 : i32
    %rem3A_21 = arith.remsi %add3A, %select_n3A_20 : i32
    %ne3A_22 = arith.constant 0 : i32
    %ne3A_23 = arith.cmpi ne, %rem3A_21, %ne3A_22 : i32
    %lt3A = arith.constant 0 : i32
    %lt3A_24 = arith.cmpi slt, %rem3A_21, %lt3A : i32
    %lt3A_25 = arith.constant 0 : i32
    %lt3A_26 = arith.cmpi slt, %select_n3A_20, %lt3A_25 : i32
    %ne3A_27 = arith.xori %lt3A_24, %lt3A_26 : i1
    %and3A_28 = arith.andi %ne3A_27, %ne3A_23 : i1
    %add3A_29 = arith.addi %rem3A_21, %select_n3A_20 : i32
    %select_n3A_30 = arith.select %and3A_28, %add3A_29, %rem3A_21 : i32
    %mul3A_31 = arith.constant 384 : i32
    %mul3A_32 = arith.muli %select_n3A_30, %mul3A_31 : i32
    "tpu.region"() ({
      %run_scoped3A = tpu.sem_alloc : memref<!tpu.dma_semaphore, #tpu.memory_space<semaphore_mem>>
      %dma_start3A = tpu.memref_slice %arg2[%select_n3A, %mul3A_32] : memref<4x3072xf32, #tpu.memory_space<hbm>> -> memref<1x384xf32, #tpu.memory_space<hbm>>
      %dma_start3A_47 = tpu.memref_squeeze %dma_start3A : memref<1x384xf32, #tpu.memory_space<hbm>> -> memref<384xf32, #tpu.memory_space<hbm>>
      %dma_start3A_48 = tpu.memref_slice %arg2[%select_n3A, %mul3A_32] : memref<4x3072xf32, #tpu.memory_space<hbm>> -> memref<1x384xf32, #tpu.memory_space<hbm>>
      %dma_start3A_49 = tpu.memref_squeeze %dma_start3A_48 : memref<1x384xf32, #tpu.memory_space<hbm>> -> memref<384xf32, #tpu.memory_space<hbm>>
      tpu.enqueue_dma source(%dma_start3A_49 : memref<384xf32, #tpu.memory_space<hbm>>) target(%arg14 : memref<384xf32, #tpu.memory_space<vmem>>) target_semaphore(%run_scoped3A : memref<!tpu.dma_semaphore, #tpu.memory_space<semaphore_mem>>)
      %dma_wait3A = tpu.memref_slice %arg2[%select_n3A, %mul3A_32] : memref<4x3072xf32, #tpu.memory_space<hbm>> -> memref<1x384xf32, #tpu.memory_space<hbm>>
      %dma_wait3A_50 = tpu.memref_squeeze %dma_wait3A : memref<1x384xf32, #tpu.memory_space<hbm>> -> memref<384xf32, #tpu.memory_space<hbm>>
      %dma_wait3A_51 = tpu.memref_slice %arg2[%select_n3A, %mul3A_32] : memref<4x3072xf32, #tpu.memory_space<hbm>> -> memref<1x384xf32, #tpu.memory_space<hbm>>
      %dma_wait3A_52 = tpu.memref_squeeze %dma_wait3A_51 : memref<1x384xf32, #tpu.memory_space<hbm>> -> memref<384xf32, #tpu.memory_space<hbm>>
      tpu.wait_dma2 semaphore(%run_scoped3A : memref<!tpu.dma_semaphore, #tpu.memory_space<semaphore_mem>>) src(%dma_wait3A_52 : memref<384xf32, #tpu.memory_space<hbm>>) dst(%arg14 : memref<384xf32, #tpu.memory_space<vmem>>)
      tpu.yield
    }) : () -> ()
    "tpu.region"() ({
      %run_scoped3A = tpu.sem_alloc : memref<!tpu.dma_semaphore, #tpu.memory_space<semaphore_mem>>
      %dma_start3A = tpu.memref_slice %arg3[%select_n3A, %mul3A_32] : memref<4x3072xf32, #tpu.memory_space<hbm>> -> memref<1x384xf32, #tpu.memory_space<hbm>>
      %dma_start3A_47 = tpu.memref_squeeze %dma_start3A : memref<1x384xf32, #tpu.memory_space<hbm>> -> memref<384xf32, #tpu.memory_space<hbm>>
      %dma_start3A_48 = tpu.memref_slice %arg3[%select_n3A, %mul3A_32] : memref<4x3072xf32, #tpu.memory_space<hbm>> -> memref<1x384xf32, #tpu.memory_space<hbm>>
      %dma_start3A_49 = tpu.memref_squeeze %dma_start3A_48 : memref<1x384xf32, #tpu.memory_space<hbm>> -> memref<384xf32, #tpu.memory_space<hbm>>
      tpu.enqueue_dma source(%dma_start3A_49 : memref<384xf32, #tpu.memory_space<hbm>>) target(%arg15 : memref<384xf32, #tpu.memory_space<vmem>>) target_semaphore(%run_scoped3A : memref<!tpu.dma_semaphore, #tpu.memory_space<semaphore_mem>>)
      %dma_wait3A = tpu.memref_slice %arg3[%select_n3A, %mul3A_32] : memref<4x3072xf32, #tpu.memory_space<hbm>> -> memref<1x384xf32, #tpu.memory_space<hbm>>
      %dma_wait3A_50 = tpu.memref_squeeze %dma_wait3A : memref<1x384xf32, #tpu.memory_space<hbm>> -> memref<384xf32, #tpu.memory_space<hbm>>
      %dma_wait3A_51 = tpu.memref_slice %arg3[%select_n3A, %mul3A_32] : memref<4x3072xf32, #tpu.memory_space<hbm>> -> memref<1x384xf32, #tpu.memory_space<hbm>>
      %dma_wait3A_52 = tpu.memref_squeeze %dma_wait3A_51 : memref<1x384xf32, #tpu.memory_space<hbm>> -> memref<384xf32, #tpu.memory_space<hbm>>
      tpu.wait_dma2 semaphore(%run_scoped3A : memref<!tpu.dma_semaphore, #tpu.memory_space<semaphore_mem>>) src(%dma_wait3A_52 : memref<384xf32, #tpu.memory_space<hbm>>) dst(%arg15 : memref<384xf32, #tpu.memory_space<vmem>>)
      tpu.yield
    }) : () -> ()
    "tpu.region"() ({
      %run_scoped3A = tpu.sem_alloc : memref<!tpu.dma_semaphore, #tpu.memory_space<semaphore_mem>>
      %dma_start3A = tpu.memref_slice %arg4[%select_n3A, %mul3A_32] : memref<4x3072xf32, #tpu.memory_space<hbm>> -> memref<1x384xf32, #tpu.memory_space<hbm>>
      %dma_start3A_47 = tpu.memref_squeeze %dma_start3A : memref<1x384xf32, #tpu.memory_space<hbm>> -> memref<384xf32, #tpu.memory_space<hbm>>
      %dma_start3A_48 = tpu.memref_slice %arg4[%select_n3A, %mul3A_32] : memref<4x3072xf32, #tpu.memory_space<hbm>> -> memref<1x384xf32, #tpu.memory_space<hbm>>
      %dma_start3A_49 = tpu.memref_squeeze %dma_start3A_48 : memref<1x384xf32, #tpu.memory_space<hbm>> -> memref<384xf32, #tpu.memory_space<hbm>>
      tpu.enqueue_dma source(%dma_start3A_49 : memref<384xf32, #tpu.memory_space<hbm>>) target(%arg16 : memref<384xf32, #tpu.memory_space<vmem>>) target_semaphore(%run_scoped3A : memref<!tpu.dma_semaphore, #tpu.memory_space<semaphore_mem>>)
      %dma_wait3A = tpu.memref_slice %arg4[%select_n3A, %mul3A_32] : memref<4x3072xf32, #tpu.memory_space<hbm>> -> memref<1x384xf32, #tpu.memory_space<hbm>>
      %dma_wait3A_50 = tpu.memref_squeeze %dma_wait3A : memref<1x384xf32, #tpu.memory_space<hbm>> -> memref<384xf32, #tpu.memory_space<hbm>>
      %dma_wait3A_51 = tpu.memref_slice %arg4[%select_n3A, %mul3A_32] : memref<4x3072xf32, #tpu.memory_space<hbm>> -> memref<1x384xf32, #tpu.memory_space<hbm>>
      %dma_wait3A_52 = tpu.memref_squeeze %dma_wait3A_51 : memref<1x384xf32, #tpu.memory_space<hbm>> -> memref<384xf32, #tpu.memory_space<hbm>>
      tpu.wait_dma2 semaphore(%run_scoped3A : memref<!tpu.dma_semaphore, #tpu.memory_space<semaphore_mem>>) src(%dma_wait3A_52 : memref<384xf32, #tpu.memory_space<hbm>>) dst(%arg16 : memref<384xf32, #tpu.memory_space<vmem>>)
      tpu.yield
    }) : () -> ()
    "tpu.region"() ({
      %run_scoped3A = tpu.sem_alloc : memref<!tpu.dma_semaphore, #tpu.memory_space<semaphore_mem>>
      %dma_start3A = arith.constant 0 : i32
      %dma_start3A_47 = tpu.memref_slice %arg5[%select_n3A, %dma_start3A] : memref<4x2048xf32, #tpu.memory_space<hbm>> -> memref<1x2048xf32, #tpu.memory_space<hbm>>
      %dma_start3A_48 = tpu.memref_squeeze %dma_start3A_47 : memref<1x2048xf32, #tpu.memory_space<hbm>> -> memref<2048xf32, #tpu.memory_space<hbm>>
      %dma_start3A_49 = arith.constant 0 : i32
      %dma_start3A_50 = tpu.memref_slice %arg5[%select_n3A, %dma_start3A_49] : memref<4x2048xf32, #tpu.memory_space<hbm>> -> memref<1x2048xf32, #tpu.memory_space<hbm>>
      %dma_start3A_51 = tpu.memref_squeeze %dma_start3A_50 : memref<1x2048xf32, #tpu.memory_space<hbm>> -> memref<2048xf32, #tpu.memory_space<hbm>>
      tpu.enqueue_dma source(%dma_start3A_51 : memref<2048xf32, #tpu.memory_space<hbm>>) target(%arg17 : memref<2048xf32, #tpu.memory_space<vmem>>) target_semaphore(%run_scoped3A : memref<!tpu.dma_semaphore, #tpu.memory_space<semaphore_mem>>)
      %dma_wait3A = arith.constant 0 : i32
      %dma_wait3A_52 = tpu.memref_slice %arg5[%select_n3A, %dma_wait3A] : memref<4x2048xf32, #tpu.memory_space<hbm>> -> memref<1x2048xf32, #tpu.memory_space<hbm>>
      %dma_wait3A_53 = tpu.memref_squeeze %dma_wait3A_52 : memref<1x2048xf32, #tpu.memory_space<hbm>> -> memref<2048xf32, #tpu.memory_space<hbm>>
      %dma_wait3A_54 = arith.constant 0 : i32
      %dma_wait3A_55 = tpu.memref_slice %arg5[%select_n3A, %dma_wait3A_54] : memref<4x2048xf32, #tpu.memory_space<hbm>> -> memref<1x2048xf32, #tpu.memory_space<hbm>>
      %dma_wait3A_56 = tpu.memref_squeeze %dma_wait3A_55 : memref<1x2048xf32, #tpu.memory_space<hbm>> -> memref<2048xf32, #tpu.memory_space<hbm>>
      tpu.wait_dma2 semaphore(%run_scoped3A : memref<!tpu.dma_semaphore, #tpu.memory_space<semaphore_mem>>) src(%dma_wait3A_56 : memref<2048xf32, #tpu.memory_space<hbm>>) dst(%arg17 : memref<2048xf32, #tpu.memory_space<vmem>>)
      tpu.yield
    }) : () -> ()
    "tpu.region"() ({
      %run_scoped3A = tpu.sem_alloc : memref<!tpu.dma_semaphore, #tpu.memory_space<semaphore_mem>>
      %dma_start3A = arith.constant 0 : i32
      %dma_start3A_47 = tpu.memref_slice %arg6[%select_n3A, %dma_start3A] : memref<4x2048xf32, #tpu.memory_space<hbm>> -> memref<1x2048xf32, #tpu.memory_space<hbm>>
      %dma_start3A_48 = tpu.memref_squeeze %dma_start3A_47 : memref<1x2048xf32, #tpu.memory_space<hbm>> -> memref<2048xf32, #tpu.memory_space<hbm>>
      %dma_start3A_49 = arith.constant 0 : i32
      %dma_start3A_50 = tpu.memref_slice %arg6[%select_n3A, %dma_start3A_49] : memref<4x2048xf32, #tpu.memory_space<hbm>> -> memref<1x2048xf32, #tpu.memory_space<hbm>>
      %dma_start3A_51 = tpu.memref_squeeze %dma_start3A_50 : memref<1x2048xf32, #tpu.memory_space<hbm>> -> memref<2048xf32, #tpu.memory_space<hbm>>
      tpu.enqueue_dma source(%dma_start3A_51 : memref<2048xf32, #tpu.memory_space<hbm>>) target(%arg18 : memref<2048xf32, #tpu.memory_space<vmem>>) target_semaphore(%run_scoped3A : memref<!tpu.dma_semaphore, #tpu.memory_space<semaphore_mem>>)
      %dma_wait3A = arith.constant 0 : i32
      %dma_wait3A_52 = tpu.memref_slice %arg6[%select_n3A, %dma_wait3A] : memref<4x2048xf32, #tpu.memory_space<hbm>> -> memref<1x2048xf32, #tpu.memory_space<hbm>>
      %dma_wait3A_53 = tpu.memref_squeeze %dma_wait3A_52 : memref<1x2048xf32, #tpu.memory_space<hbm>> -> memref<2048xf32, #tpu.memory_space<hbm>>
      %dma_wait3A_54 = arith.constant 0 : i32
      %dma_wait3A_55 = tpu.memref_slice %arg6[%select_n3A, %dma_wait3A_54] : memref<4x2048xf32, #tpu.memory_space<hbm>> -> memref<1x2048xf32, #tpu.memory_space<hbm>>
      %dma_wait3A_56 = tpu.memref_squeeze %dma_wait3A_55 : memref<1x2048xf32, #tpu.memory_space<hbm>> -> memref<2048xf32, #tpu.memory_space<hbm>>
      tpu.wait_dma2 semaphore(%run_scoped3A : memref<!tpu.dma_semaphore, #tpu.memory_space<semaphore_mem>>) src(%dma_wait3A_56 : memref<2048xf32, #tpu.memory_space<hbm>>) dst(%arg18 : memref<2048xf32, #tpu.memory_space<vmem>>)
      tpu.yield
    }) : () -> ()
    "tpu.region"() ({
      %run_scoped3A = tpu.sem_alloc : memref<!tpu.dma_semaphore, #tpu.memory_space<semaphore_mem>>
      %dma_start3A = arith.constant 0 : i32
      %dma_start3A_47 = tpu.memref_slice %arg7[%select_n3A, %dma_start3A] : memref<4x2048xf32, #tpu.memory_space<hbm>> -> memref<1x2048xf32, #tpu.memory_space<hbm>>
      %dma_start3A_48 = tpu.memref_squeeze %dma_start3A_47 : memref<1x2048xf32, #tpu.memory_space<hbm>> -> memref<2048xf32, #tpu.memory_space<hbm>>
      %dma_start3A_49 = arith.constant 0 : i32
      %dma_start3A_50 = tpu.memref_slice %arg7[%select_n3A, %dma_start3A_49] : memref<4x2048xf32, #tpu.memory_space<hbm>> -> memref<1x2048xf32, #tpu.memory_space<hbm>>
      %dma_start3A_51 = tpu.memref_squeeze %dma_start3A_50 : memref<1x2048xf32, #tpu.memory_space<hbm>> -> memref<2048xf32, #tpu.memory_space<hbm>>
      tpu.enqueue_dma source(%dma_start3A_51 : memref<2048xf32, #tpu.memory_space<hbm>>) target(%arg19 : memref<2048xf32, #tpu.memory_space<vmem>>) target_semaphore(%run_scoped3A : memref<!tpu.dma_semaphore, #tpu.memory_space<semaphore_mem>>)
      %dma_wait3A = arith.constant 0 : i32
      %dma_wait3A_52 = tpu.memref_slice %arg7[%select_n3A, %dma_wait3A] : memref<4x2048xf32, #tpu.memory_space<hbm>> -> memref<1x2048xf32, #tpu.memory_space<hbm>>
      %dma_wait3A_53 = tpu.memref_squeeze %dma_wait3A_52 : memref<1x2048xf32, #tpu.memory_space<hbm>> -> memref<2048xf32, #tpu.memory_space<hbm>>
      %dma_wait3A_54 = arith.constant 0 : i32
      %dma_wait3A_55 = tpu.memref_slice %arg7[%select_n3A, %dma_wait3A_54] : memref<4x2048xf32, #tpu.memory_space<hbm>> -> memref<1x2048xf32, #tpu.memory_space<hbm>>
      %dma_wait3A_56 = tpu.memref_squeeze %dma_wait3A_55 : memref<1x2048xf32, #tpu.memory_space<hbm>> -> memref<2048xf32, #tpu.memory_space<hbm>>
      tpu.wait_dma2 semaphore(%run_scoped3A : memref<!tpu.dma_semaphore, #tpu.memory_space<semaphore_mem>>) src(%dma_wait3A_56 : memref<2048xf32, #tpu.memory_space<hbm>>) dst(%arg19 : memref<2048xf32, #tpu.memory_space<vmem>>)
      tpu.yield
    }) : () -> ()
    %scan3A = arith.constant 0 : i32
    %scan3A_33 = arith.constant 0 : i32
    %scan3A_34 = arith.constant 128 : i32
    %scan3A_35 = arith.addi %scan3A_33, %scan3A_34 : i32
    %scan3A_36 = arith.constant 1 : i32
    scf.for %scan3A_47 = %scan3A_33 to %scan3A_35 step %scan3A_36  : i32 {
      %mul3A_48 = arith.constant 16 : i32
      %mul3A_49 = arith.muli %scan3A_47, %mul3A_48 : i32
      %get3A = arith.index_cast %mul3A_49 : i32 to index
      %get3A_50 = tpu.vector_load %arg17[%get3A] {strides = array<i32>} : memref<2048xf32, #tpu.memory_space<vmem>>, vector<16xf32>,
      %get3A_51 = vector.shape_cast %get3A_50 : vector<16xf32> to vector<16xf32>
      %get3A_52 = arith.index_cast %mul3A_49 : i32 to index
      %get3A_53 = tpu.vector_load %arg18[%get3A_52] {strides = array<i32>} : memref<2048xf32, #tpu.memory_space<vmem>>, vector<16xf32>,
      %get3A_54 = vector.shape_cast %get3A_53 : vector<16xf32> to vector<16xf32>
      %get3A_55 = arith.index_cast %mul3A_49 : i32 to index
      %get3A_56 = tpu.vector_load %arg19[%get3A_55] {strides = array<i32>} : memref<2048xf32, #tpu.memory_space<vmem>>, vector<16xf32>,
      %get3A_57 = vector.shape_cast %get3A_56 : vector<16xf32> to vector<16xf32>
      %mul3A_58 = arith.mulf %get3A_51, %get3A_51 : vector<16xf32>
      %mul3A_59 = arith.mulf %get3A_54, %get3A_54 : vector<16xf32>
      %add3A_60 = arith.addf %mul3A_58, %mul3A_59 : vector<16xf32>
      %mul3A_61 = arith.mulf %get3A_57, %get3A_57 : vector<16xf32>
      %add3A_62 = arith.addf %add3A_60, %mul3A_61 : vector<16xf32>
      %swap3A = arith.index_cast %mul3A_49 : i32 to index
      %swap3A_63 = tpu.vector_load %arg20[%swap3A] {strides = array<i32>} : memref<2048xf32, #tpu.memory_space<vmem>>, vector<16xf32>,
      %swap3A_64 = vector.shape_cast %swap3A_63 : vector<16xf32> to vector<16xf32>
      %swap3A_65 = vector.shape_cast %add3A_62 : vector<16xf32> to vector<16xf32>
      tpu.vector_store %arg20[%swap3A], %swap3A_65 {strides = array<i32>} : memref<2048xf32, #tpu.memory_space<vmem>>, vector<16xf32>,
      %bitcast_convert_type3A = tpu.bitcast %get3A_51 : vector<16xf32> -> vector<16xi32>
      %add3A_66 = arith.constant 32767 : i32
      %add3A_67 = vector.broadcast %add3A_66 : i32 to vector<16xi32>
      %add3A_68 = arith.addi %bitcast_convert_type3A, %add3A_67 : vector<16xi32>
      %shift_right_logical3A = arith.constant 16 : i32
      %shift_right_logical3A_69 = vector.broadcast %shift_right_logical3A : i32 to vector<16xi32>
      %shift_right_logical3A_70 = arith.shrui %bitcast_convert_type3A, %shift_right_logical3A_69 : vector<16xi32>
      %and3A_71 = arith.constant 1 : i32
      %and3A_72 = vector.broadcast %and3A_71 : i32 to vector<16xi32>
      %and3A_73 = arith.andi %shift_right_logical3A_70, %and3A_72 : vector<16xi32>
      %add3A_74 = arith.addi %add3A_68, %and3A_73 : vector<16xi32>
      %and3A_75 = arith.constant -65536 : i32
      %and3A_76 = vector.broadcast %and3A_75 : i32 to vector<16xi32>
      %and3A_77 = arith.andi %add3A_74, %and3A_76 : vector<16xi32>
      %bitcast_convert_type3A_78 = tpu.bitcast %and3A_77 : vector<16xi32> -> vector<16xf32>
      %mul3A_79 = arith.constant 2.000000e+00 : f32
      %mul3A_80 = vector.broadcast %mul3A_79 : f32 to vector<16xf32>
      %mul3A_81 = arith.mulf %mul3A_80, %bitcast_convert_type3A_78 : vector<16xf32>
      %swap3A_82 = arith.index_cast %mul3A_49 : i32 to index
      %swap3A_83 = tpu.vector_load %arg17[%swap3A_82] {strides = array<i32>} : memref<2048xf32, #tpu.memory_space<vmem>>, vector<16xf32>,
      %swap3A_84 = vector.shape_cast %swap3A_83 : vector<16xf32> to vector<16xf32>
      %swap3A_85 = vector.shape_cast %mul3A_81 : vector<16xf32> to vector<16xf32>
      tpu.vector_store %arg17[%swap3A_82], %swap3A_85 {strides = array<i32>} : memref<2048xf32, #tpu.memory_space<vmem>>, vector<16xf32>,
      %bitcast_convert_type3A_86 = tpu.bitcast %get3A_54 : vector<16xf32> -> vector<16xi32>
      %add3A_87 = arith.constant 32767 : i32
      %add3A_88 = vector.broadcast %add3A_87 : i32 to vector<16xi32>
      %add3A_89 = arith.addi %bitcast_convert_type3A_86, %add3A_88 : vector<16xi32>
      %shift_right_logical3A_90 = arith.constant 16 : i32
      %shift_right_logical3A_91 = vector.broadcast %shift_right_logical3A_90 : i32 to vector<16xi32>
      %shift_right_logical3A_92 = arith.shrui %bitcast_convert_type3A_86, %shift_right_logical3A_91 : vector<16xi32>
      %and3A_93 = arith.constant 1 : i32
      %and3A_94 = vector.broadcast %and3A_93 : i32 to vector<16xi32>
      %and3A_95 = arith.andi %shift_right_logical3A_92, %and3A_94 : vector<16xi32>
      %add3A_96 = arith.addi %add3A_89, %and3A_95 : vector<16xi32>
      %and3A_97 = arith.constant -65536 : i32
      %and3A_98 = vector.broadcast %and3A_97 : i32 to vector<16xi32>
      %and3A_99 = arith.andi %add3A_96, %and3A_98 : vector<16xi32>
      %bitcast_convert_type3A_100 = tpu.bitcast %and3A_99 : vector<16xi32> -> vector<16xf32>
      %mul3A_101 = arith.constant 2.000000e+00 : f32
      %mul3A_102 = vector.broadcast %mul3A_101 : f32 to vector<16xf32>
      %mul3A_103 = arith.mulf %mul3A_102, %bitcast_convert_type3A_100 : vector<16xf32>
      %swap3A_104 = arith.index_cast %mul3A_49 : i32 to index
      %swap3A_105 = tpu.vector_load %arg18[%swap3A_104] {strides = array<i32>} : memref<2048xf32, #tpu.memory_space<vmem>>, vector<16xf32>,
      %swap3A_106 = vector.shape_cast %swap3A_105 : vector<16xf32> to vector<16xf32>
      %swap3A_107 = vector.shape_cast %mul3A_103 : vector<16xf32> to vector<16xf32>
      tpu.vector_store %arg18[%swap3A_104], %swap3A_107 {strides = array<i32>} : memref<2048xf32, #tpu.memory_space<vmem>>, vector<16xf32>,
      %bitcast_convert_type3A_108 = tpu.bitcast %get3A_57 : vector<16xf32> -> vector<16xi32>
      %add3A_109 = arith.constant 32767 : i32
      %add3A_110 = vector.broadcast %add3A_109 : i32 to vector<16xi32>
      %add3A_111 = arith.addi %bitcast_convert_type3A_108, %add3A_110 : vector<16xi32>
      %shift_right_logical3A_112 = arith.constant 16 : i32
      %shift_right_logical3A_113 = vector.broadcast %shift_right_logical3A_112 : i32 to vector<16xi32>
      %shift_right_logical3A_114 = arith.shrui %bitcast_convert_type3A_108, %shift_right_logical3A_113 : vector<16xi32>
      %and3A_115 = arith.constant 1 : i32
      %and3A_116 = vector.broadcast %and3A_115 : i32 to vector<16xi32>
      %and3A_117 = arith.andi %shift_right_logical3A_114, %and3A_116 : vector<16xi32>
      %add3A_118 = arith.addi %add3A_111, %and3A_117 : vector<16xi32>
      %and3A_119 = arith.constant -65536 : i32
      %and3A_120 = vector.broadcast %and3A_119 : i32 to vector<16xi32>
      %and3A_121 = arith.andi %add3A_118, %and3A_120 : vector<16xi32>
      %bitcast_convert_type3A_122 = tpu.bitcast %and3A_121 : vector<16xi32> -> vector<16xf32>
      %mul3A_123 = arith.constant 2.000000e+00 : f32
      %mul3A_124 = vector.broadcast %mul3A_123 : f32 to vector<16xf32>
      %mul3A_125 = arith.mulf %mul3A_124, %bitcast_convert_type3A_122 : vector<16xf32>
      %swap3A_126 = arith.index_cast %mul3A_49 : i32 to index
      %swap3A_127 = tpu.vector_load %arg19[%swap3A_126] {strides = array<i32>} : memref<2048xf32, #tpu.memory_space<vmem>>, vector<16xf32>,
      %swap3A_128 = vector.shape_cast %swap3A_127 : vector<16xf32> to vector<16xf32>
      %swap3A_129 = vector.shape_cast %mul3A_125 : vector<16xf32> to vector<16xf32>
      tpu.vector_store %arg19[%swap3A_126], %swap3A_129 {strides = array<i32>} : memref<2048xf32, #tpu.memory_space<vmem>>, vector<16xf32>,
    }
    %scan3A_37 = arith.constant 128 : i32
    %iota3A = tpu.iota {dimensions = array<i32: 0>} : vector<16xi32>
    %broadcast_in_dim3A = arith.constant 0x7F800000 : f32
    %broadcast_in_dim3A_38 = vector.broadcast %broadcast_in_dim3A : f32 to vector<16xf32>
    %broadcast_in_dim3A_39 = arith.constant 0 : i32
    %broadcast_in_dim3A_40 = vector.broadcast %broadcast_in_dim3A_39 : i32 to vector<16xi32>
    %scan3A_41 = arith.constant 0 : i32
    %scan3A_42 = arith.constant 0 : i32
    %scan3A_43 = arith.constant 24 : i32
    %scan3A_44 = arith.addi %scan3A_42, %scan3A_43 : i32
    %scan3A_45 = arith.constant 1 : i32
    scf.for %scan3A_47 = %scan3A_42 to %scan3A_44 step %scan3A_45  : i32 {
      %mul3A_48 = arith.constant 16 : i32
      %mul3A_49 = arith.muli %scan3A_47, %mul3A_48 : i32
      %get3A = arith.index_cast %mul3A_49 : i32 to index
      %get3A_50 = tpu.vector_load %arg14[%get3A] {strides = array<i32>} : memref<384xf32, #tpu.memory_space<vmem>>, vector<16xf32>,
      %get3A_51 = vector.shape_cast %get3A_50 : vector<16xf32> to vector<16xf32>
      %mul3A_52 = arith.constant 16 : i32
      %mul3A_53 = arith.muli %scan3A_47, %mul3A_52 : i32
      %get3A_54 = arith.index_cast %mul3A_53 : i32 to index
      %get3A_55 = tpu.vector_load %arg15[%get3A_54] {strides = array<i32>} : memref<384xf32, #tpu.memory_space<vmem>>, vector<16xf32>,
      %get3A_56 = vector.shape_cast %get3A_55 : vector<16xf32> to vector<16xf32>
      %mul3A_57 = arith.constant 16 : i32
      %mul3A_58 = arith.muli %scan3A_47, %mul3A_57 : i32
      %get3A_59 = arith.index_cast %mul3A_58 : i32 to index
      %get3A_60 = tpu.vector_load %arg16[%get3A_59] {strides = array<i32>} : memref<384xf32, #tpu.memory_space<vmem>>, vector<16xf32>,
      %get3A_61 = vector.shape_cast %get3A_60 : vector<16xf32> to vector<16xf32>
      %bitcast_convert_type3A = tpu.bitcast %get3A_51 : vector<16xf32> -> vector<16xi32>
      %add3A_62 = arith.constant 32767 : i32
      %add3A_63 = vector.broadcast %add3A_62 : i32 to vector<16xi32>
      %add3A_64 = arith.addi %bitcast_convert_type3A, %add3A_63 : vector<16xi32>
      %shift_right_logical3A = arith.constant 16 : i32
      %shift_right_logical3A_65 = vector.broadcast %shift_right_logical3A : i32 to vector<16xi32>
      %shift_right_logical3A_66 = arith.shrui %bitcast_convert_type3A, %shift_right_logical3A_65 : vector<16xi32>
      %and3A_67 = arith.constant 1 : i32
      %and3A_68 = vector.broadcast %and3A_67 : i32 to vector<16xi32>
      %and3A_69 = arith.andi %shift_right_logical3A_66, %and3A_68 : vector<16xi32>
      %add3A_70 = arith.addi %add3A_64, %and3A_69 : vector<16xi32>
      %and3A_71 = arith.constant -65536 : i32
      %and3A_72 = vector.broadcast %and3A_71 : i32 to vector<16xi32>
      %and3A_73 = arith.andi %add3A_70, %and3A_72 : vector<16xi32>
      %bitcast_convert_type3A_74 = tpu.bitcast %and3A_73 : vector<16xi32> -> vector<16xf32>
      %bitcast_convert_type3A_75 = tpu.bitcast %get3A_56 : vector<16xf32> -> vector<16xi32>
      %add3A_76 = arith.constant 32767 : i32
      %add3A_77 = vector.broadcast %add3A_76 : i32 to vector<16xi32>
      %add3A_78 = arith.addi %bitcast_convert_type3A_75, %add3A_77 : vector<16xi32>
      %shift_right_logical3A_79 = arith.constant 16 : i32
      %shift_right_logical3A_80 = vector.broadcast %shift_right_logical3A_79 : i32 to vector<16xi32>
      %shift_right_logical3A_81 = arith.shrui %bitcast_convert_type3A_75, %shift_right_logical3A_80 : vector<16xi32>
      %and3A_82 = arith.constant 1 : i32
      %and3A_83 = vector.broadcast %and3A_82 : i32 to vector<16xi32>
      %and3A_84 = arith.andi %shift_right_logical3A_81, %and3A_83 : vector<16xi32>
      %add3A_85 = arith.addi %add3A_78, %and3A_84 : vector<16xi32>
      %and3A_86 = arith.constant -65536 : i32
      %and3A_87 = vector.broadcast %and3A_86 : i32 to vector<16xi32>
      %and3A_88 = arith.andi %add3A_85, %and3A_87 : vector<16xi32>
      %bitcast_convert_type3A_89 = tpu.bitcast %and3A_88 : vector<16xi32> -> vector<16xf32>
      %bitcast_convert_type3A_90 = tpu.bitcast %get3A_61 : vector<16xf32> -> vector<16xi32>
      %add3A_91 = arith.constant 32767 : i32
      %add3A_92 = vector.broadcast %add3A_91 : i32 to vector<16xi32>
      %add3A_93 = arith.addi %bitcast_convert_type3A_90, %add3A_92 : vector<16xi32>
      %shift_right_logical3A_94 = arith.constant 16 : i32
      %shift_right_logical3A_95 = vector.broadcast %shift_right_logical3A_94 : i32 to vector<16xi32>
      %shift_right_logical3A_96 = arith.shrui %bitcast_convert_type3A_90, %shift_right_logical3A_95 : vector<16xi32>
      %and3A_97 = arith.constant 1 : i32
      %and3A_98 = vector.broadcast %and3A_97 : i32 to vector<16xi32>
      %and3A_99 = arith.andi %shift_right_logical3A_96, %and3A_98 : vector<16xi32>
      %add3A_100 = arith.addi %add3A_93, %and3A_99 : vector<16xi32>
      %and3A_101 = arith.constant -65536 : i32
      %and3A_102 = vector.broadcast %and3A_101 : i32 to vector<16xi32>
      %and3A_103 = arith.andi %add3A_100, %and3A_102 : vector<16xi32>
      %bitcast_convert_type3A_104 = tpu.bitcast %and3A_103 : vector<16xi32> -> vector<16xf32>
      %mul3A_105 = arith.mulf %get3A_51, %get3A_51 : vector<16xf32>
      %mul3A_106 = arith.mulf %get3A_56, %get3A_56 : vector<16xf32>
      %add3A_107 = arith.addf %mul3A_105, %mul3A_106 : vector<16xf32>
      %mul3A_108 = arith.mulf %get3A_61, %get3A_61 : vector<16xf32>
      %add3A_109 = arith.addf %add3A_107, %mul3A_108 : vector<16xf32>
      %scan3A_110 = arith.constant 0 : i32
      %scan3A_111 = arith.constant 64 : i32
      %scan3A_112 = arith.addi %scan3A_110, %scan3A_111 : i32
      %scan3A_113 = arith.constant 1 : i32
      %scan3A_114:6 = scf.for %scan3A_277 = %scan3A_110 to %scan3A_112 step %scan3A_113 iter_args(%scan3A_278 = %broadcast_in_dim3A_38, %scan3A_279 = %broadcast_in_dim3A_38, %scan3A_280 = %broadcast_in_dim3A_38, %scan3A_281 = %broadcast_in_dim3A_40, %scan3A_282 = %broadcast_in_dim3A_40, %scan3A_283 = %broadcast_in_dim3A_40) -> (vector<16xf32>, vector<16xf32>, vector<16xf32>, vector<16xi32>, vector<16xi32>, vector<16xi32>)  : i32 {
        %mul3A_284 = arith.constant 32 : i32
        %mul3A_285 = arith.muli %scan3A_277, %mul3A_284 : i32
        %add3A_286 = arith.constant 0 : i32
        %add3A_287 = arith.addi %mul3A_285, %add3A_286 : i32
        %get3A_288 = arith.index_cast %add3A_287 : i32 to index
        %get3A_289 = tpu.vector_load %arg17[%get3A_288] {strides = array<i32>} : memref<2048xf32, #tpu.memory_space<vmem>>, vector<16xf32>,
        %get3A_290 = vector.shape_cast %get3A_289 : vector<16xf32> to vector<16xf32>
        %get3A_291 = arith.index_cast %add3A_287 : i32 to index
        %get3A_292 = tpu.vector_load %arg18[%get3A_291] {strides = array<i32>} : memref<2048xf32, #tpu.memory_space<vmem>>, vector<16xf32>,
        %get3A_293 = vector.shape_cast %get3A_292 : vector<16xf32> to vector<16xf32>
        %get3A_294 = arith.index_cast %add3A_287 : i32 to index
        %get3A_295 = tpu.vector_load %arg19[%get3A_294] {strides = array<i32>} : memref<2048xf32, #tpu.memory_space<vmem>>, vector<16xf32>,
        %get3A_296 = vector.shape_cast %get3A_295 : vector<16xf32> to vector<16xf32>
        %get3A_297 = arith.index_cast %add3A_287 : i32 to index
        %get3A_298 = tpu.vector_load %arg20[%get3A_297] {strides = array<i32>} : memref<2048xf32, #tpu.memory_space<vmem>>, vector<16xf32>,
        %get3A_299 = vector.shape_cast %get3A_298 : vector<16xf32> to vector<16xf32>
        %slice3A = vector.extract_strided_slice %get3A_290 {offsets = [0], sizes = [1], strides = [1]} : vector<16xf32> to vector<1xf32>
        %squeeze3A = vector.extract %slice3A[0] : f32 from vector<1xf32>
        %mul3A_300 = vector.broadcast %squeeze3A : f32 to vector<16xf32>
        %mul3A_301 = arith.mulf %bitcast_convert_type3A_74, %mul3A_300 : vector<16xf32>
        %slice3A_302 = vector.extract_strided_slice %get3A_293 {offsets = [0], sizes = [1], strides = [1]} : vector<16xf32> to vector<1xf32>
        %squeeze3A_303 = vector.extract %slice3A_302[0] : f32 from vector<1xf32>
        %mul3A_304 = vector.broadcast %squeeze3A_303 : f32 to vector<16xf32>
        %mul3A_305 = arith.mulf %bitcast_convert_type3A_89, %mul3A_304 : vector<16xf32>
        %add3A_306 = arith.addf %mul3A_301, %mul3A_305 : vector<16xf32>
        %slice3A_307 = vector.extract_strided_slice %get3A_296 {offsets = [0], sizes = [1], strides = [1]} : vector<16xf32> to vector<1xf32>
        %squeeze3A_308 = vector.extract %slice3A_307[0] : f32 from vector<1xf32>
        %mul3A_309 = vector.broadcast %squeeze3A_308 : f32 to vector<16xf32>
        %mul3A_310 = arith.mulf %bitcast_convert_type3A_104, %mul3A_309 : vector<16xf32>
        %add3A_311 = arith.addf %add3A_306, %mul3A_310 : vector<16xf32>
        %slice3A_312 = vector.extract_strided_slice %get3A_299 {offsets = [0], sizes = [1], strides = [1]} : vector<16xf32> to vector<1xf32>
        %squeeze3A_313 = vector.extract %slice3A_312[0] : f32 from vector<1xf32>
        %add3A_314 = vector.broadcast %squeeze3A_313 : f32 to vector<16xf32>
        %add3A_315 = arith.addf %add3A_109, %add3A_314 : vector<16xf32>
        %sub3A_316 = arith.subf %add3A_315, %add3A_311 : vector<16xf32>
        %max3A_317 = arith.constant 0.000000e+00 : f32
        %max3A_318 = vector.broadcast %max3A_317 : f32 to vector<16xf32>
        %max3A_319 = arith.maximumf %sub3A_316, %max3A_318 : vector<16xf32>
        %add3A_320 = arith.constant 0 : i32
        %add3A_321 = arith.addi %add3A_287, %add3A_320 : i32
        %add3A_322 = vector.broadcast %add3A_321 : i32 to vector<16xi32>
        %add3A_323 = arith.addi %broadcast_in_dim3A_40, %add3A_322 : vector<16xi32>
        %lt3A_324 = arith.cmpf olt, %max3A_319, %scan3A_278 : vector<16xf32>
        %lt3A_325 = arith.cmpf olt, %max3A_319, %scan3A_279 : vector<16xf32>
        %lt3A_326 = arith.cmpf olt, %max3A_319, %scan3A_280 : vector<16xf32>
        %min3A = arith.minimumf %max3A_319, %scan3A_279 : vector<16xf32>
        %select_n3A_327 = arith.select %lt3A_324, %scan3A_278, %min3A : vector<16xi1>, vector<16xf32>
        %select_n3A_328 = arith.select %lt3A_325, %add3A_323, %scan3A_282 : vector<16xi1>, vector<16xi32>
        %select_n3A_329 = arith.select %lt3A_324, %scan3A_281, %select_n3A_328 : vector<16xi1>, vector<16xi32>
        %min3A_330 = arith.minimumf %max3A_319, %scan3A_280 : vector<16xf32>
        %select_n3A_331 = arith.select %lt3A_325, %scan3A_279, %min3A_330 : vector<16xi1>, vector<16xf32>
        %select_n3A_332 = arith.select %lt3A_326, %add3A_323, %scan3A_283 : vector<16xi1>, vector<16xi32>
        %select_n3A_333 = arith.select %lt3A_325, %scan3A_282, %select_n3A_332 : vector<16xi1>, vector<16xi32>
        %min3A_334 = arith.minimumf %max3A_319, %scan3A_278 : vector<16xf32>
        %select_n3A_335 = arith.select %lt3A_324, %add3A_323, %scan3A_281 : vector<16xi1>, vector<16xi32>
        %slice3A_336 = vector.extract_strided_slice %get3A_290 {offsets = [1], sizes = [1], strides = [1]} : vector<16xf32> to vector<1xf32>
        %squeeze3A_337 = vector.extract %slice3A_336[0] : f32 from vector<1xf32>
        %mul3A_338 = vector.broadcast %squeeze3A_337 : f32 to vector<16xf32>
        %mul3A_339 = arith.mulf %bitcast_convert_type3A_74, %mul3A_338 : vector<16xf32>
        %slice3A_340 = vector.extract_strided_slice %get3A_293 {offsets = [1], sizes = [1], strides = [1]} : vector<16xf32> to vector<1xf32>
        %squeeze3A_341 = vector.extract %slice3A_340[0] : f32 from vector<1xf32>
        %mul3A_342 = vector.broadcast %squeeze3A_341 : f32 to vector<16xf32>
        %mul3A_343 = arith.mulf %bitcast_convert_type3A_89, %mul3A_342 : vector<16xf32>
        %add3A_344 = arith.addf %mul3A_339, %mul3A_343 : vector<16xf32>
        %slice3A_345 = vector.extract_strided_slice %get3A_296 {offsets = [1], sizes = [1], strides = [1]} : vector<16xf32> to vector<1xf32>
        %squeeze3A_346 = vector.extract %slice3A_345[0] : f32 from vector<1xf32>
        %mul3A_347 = vector.broadcast %squeeze3A_346 : f32 to vector<16xf32>
        %mul3A_348 = arith.mulf %bitcast_convert_type3A_104, %mul3A_347 : vector<16xf32>
        %add3A_349 = arith.addf %add3A_344, %mul3A_348 : vector<16xf32>
        %slice3A_350 = vector.extract_strided_slice %get3A_299 {offsets = [1], sizes = [1], strides = [1]} : vector<16xf32> to vector<1xf32>
        %squeeze3A_351 = vector.extract %slice3A_350[0] : f32 from vector<1xf32>
        %add3A_352 = vector.broadcast %squeeze3A_351 : f32 to vector<16xf32>
        %add3A_353 = arith.addf %add3A_109, %add3A_352 : vector<16xf32>
        %sub3A_354 = arith.subf %add3A_353, %add3A_349 : vector<16xf32>
        %max3A_355 = arith.constant 0.000000e+00 : f32
        %max3A_356 = vector.broadcast %max3A_355 : f32 to vector<16xf32>
        %max3A_357 = arith.maximumf %sub3A_354, %max3A_356 : vector<16xf32>
        %add3A_358 = arith.constant 1 : i32
        %add3A_359 = arith.addi %add3A_287, %add3A_358 : i32
        %add3A_360 = vector.broadcast %add3A_359 : i32 to vector<16xi32>
        %add3A_361 = arith.addi %broadcast_in_dim3A_40, %add3A_360 : vector<16xi32>
        %lt3A_362 = arith.cmpf olt, %max3A_357, %min3A_334 : vector<16xf32>
        %lt3A_363 = arith.cmpf olt, %max3A_357, %select_n3A_327 : vector<16xf32>
        %lt3A_364 = arith.cmpf olt, %max3A_357, %select_n3A_331 : vector<16xf32>
        %min3A_365 = arith.minimumf %max3A_357, %select_n3A_327 : vector<16xf32>
        %select_n3A_366 = arith.select %lt3A_362, %min3A_334, %min3A_365 : vector<16xi1>, vector<16xf32>
        %select_n3A_367 = arith.select %lt3A_363, %add3A_361, %select_n3A_329 : vector<16xi1>, vector<16xi32>
        %select_n3A_368 = arith.select %lt3A_362, %select_n3A_335, %select_n3A_367 : vector<16xi1>, vector<16xi32>
        %min3A_369 = arith.minimumf %max3A_357, %select_n3A_331 : vector<16xf32>
        %select_n3A_370 = arith.select %lt3A_363, %select_n3A_327, %min3A_369 : vector<16xi1>, vector<16xf32>
        %select_n3A_371 = arith.select %lt3A_364, %add3A_361, %select_n3A_333 : vector<16xi1>, vector<16xi32>
        %select_n3A_372 = arith.select %lt3A_363, %select_n3A_329, %select_n3A_371 : vector<16xi1>, vector<16xi32>
        %min3A_373 = arith.minimumf %max3A_357, %min3A_334 : vector<16xf32>
        %select_n3A_374 = arith.select %lt3A_362, %add3A_361, %select_n3A_335 : vector<16xi1>, vector<16xi32>
        %slice3A_375 = vector.extract_strided_slice %get3A_290 {offsets = [2], sizes = [1], strides = [1]} : vector<16xf32> to vector<1xf32>
        %squeeze3A_376 = vector.extract %slice3A_375[0] : f32 from vector<1xf32>
        %mul3A_377 = vector.broadcast %squeeze3A_376 : f32 to vector<16xf32>
        %mul3A_378 = arith.mulf %bitcast_convert_type3A_74, %mul3A_377 : vector<16xf32>
        %slice3A_379 = vector.extract_strided_slice %get3A_293 {offsets = [2], sizes = [1], strides = [1]} : vector<16xf32> to vector<1xf32>
        %squeeze3A_380 = vector.extract %slice3A_379[0] : f32 from vector<1xf32>
        %mul3A_381 = vector.broadcast %squeeze3A_380 : f32 to vector<16xf32>
        %mul3A_382 = arith.mulf %bitcast_convert_type3A_89, %mul3A_381 : vector<16xf32>
        %add3A_383 = arith.addf %mul3A_378, %mul3A_382 : vector<16xf32>
        %slice3A_384 = vector.extract_strided_slice %get3A_296 {offsets = [2], sizes = [1], strides = [1]} : vector<16xf32> to vector<1xf32>
        %squeeze3A_385 = vector.extract %slice3A_384[0] : f32 from vector<1xf32>
        %mul3A_386 = vector.broadcast %squeeze3A_385 : f32 to vector<16xf32>
        %mul3A_387 = arith.mulf %bitcast_convert_type3A_104, %mul3A_386 : vector<16xf32>
        %add3A_388 = arith.addf %add3A_383, %mul3A_387 : vector<16xf32>
        %slice3A_389 = vector.extract_strided_slice %get3A_299 {offsets = [2], sizes = [1], strides = [1]} : vector<16xf32> to vector<1xf32>
        %squeeze3A_390 = vector.extract %slice3A_389[0] : f32 from vector<1xf32>
        %add3A_391 = vector.broadcast %squeeze3A_390 : f32 to vector<16xf32>
        %add3A_392 = arith.addf %add3A_109, %add3A_391 : vector<16xf32>
        %sub3A_393 = arith.subf %add3A_392, %add3A_388 : vector<16xf32>
        %max3A_394 = arith.constant 0.000000e+00 : f32
        %max3A_395 = vector.broadcast %max3A_394 : f32 to vector<16xf32>
        %max3A_396 = arith.maximumf %sub3A_393, %max3A_395 : vector<16xf32>
        %add3A_397 = arith.constant 2 : i32
        %add3A_398 = arith.addi %add3A_287, %add3A_397 : i32
        %add3A_399 = vector.broadcast %add3A_398 : i32 to vector<16xi32>
        %add3A_400 = arith.addi %broadcast_in_dim3A_40, %add3A_399 : vector<16xi32>
        %lt3A_401 = arith.cmpf olt, %max3A_396, %min3A_373 : vector<16xf32>
        %lt3A_402 = arith.cmpf olt, %max3A_396, %select_n3A_366 : vector<16xf32>
        %lt3A_403 = arith.cmpf olt, %max3A_396, %select_n3A_370 : vector<16xf32>
        %min3A_404 = arith.minimumf %max3A_396, %select_n3A_366 : vector<16xf32>
        %select_n3A_405 = arith.select %lt3A_401, %min3A_373, %min3A_404 : vector<16xi1>, vector<16xf32>
        %select_n3A_406 = arith.select %lt3A_402, %add3A_400, %select_n3A_368 : vector<16xi1>, vector<16xi32>
        %select_n3A_407 = arith.select %lt3A_401, %select_n3A_374, %select_n3A_406 : vector<16xi1>, vector<16xi32>
        %min3A_408 = arith.minimumf %max3A_396, %select_n3A_370 : vector<16xf32>
        %select_n3A_409 = arith.select %lt3A_402, %select_n3A_366, %min3A_408 : vector<16xi1>, vector<16xf32>
        %select_n3A_410 = arith.select %lt3A_403, %add3A_400, %select_n3A_372 : vector<16xi1>, vector<16xi32>
        %select_n3A_411 = arith.select %lt3A_402, %select_n3A_368, %select_n3A_410 : vector<16xi1>, vector<16xi32>
        %min3A_412 = arith.minimumf %max3A_396, %min3A_373 : vector<16xf32>
        %select_n3A_413 = arith.select %lt3A_401, %add3A_400, %select_n3A_374 : vector<16xi1>, vector<16xi32>
        %slice3A_414 = vector.extract_strided_slice %get3A_290 {offsets = [3], sizes = [1], strides = [1]} : vector<16xf32> to vector<1xf32>
        %squeeze3A_415 = vector.extract %slice3A_414[0] : f32 from vector<1xf32>
        %mul3A_416 = vector.broadcast %squeeze3A_415 : f32 to vector<16xf32>
        %mul3A_417 = arith.mulf %bitcast_convert_type3A_74, %mul3A_416 : vector<16xf32>
        %slice3A_418 = vector.extract_strided_slice %get3A_293 {offsets = [3], sizes = [1], strides = [1]} : vector<16xf32> to vector<1xf32>
        %squeeze3A_419 = vector.extract %slice3A_418[0] : f32 from vector<1xf32>
        %mul3A_420 = vector.broadcast %squeeze3A_419 : f32 to vector<16xf32>
        %mul3A_421 = arith.mulf %bitcast_convert_type3A_89, %mul3A_420 : vector<16xf32>
        %add3A_422 = arith.addf %mul3A_417, %mul3A_421 : vector<16xf32>
        %slice3A_423 = vector.extract_strided_slice %get3A_296 {offsets = [3], sizes = [1], strides = [1]} : vector<16xf32> to vector<1xf32>
        %squeeze3A_424 = vector.extract %slice3A_423[0] : f32 from vector<1xf32>
        %mul3A_425 = vector.broadcast %squeeze3A_424 : f32 to vector<16xf32>
        %mul3A_426 = arith.mulf %bitcast_convert_type3A_104, %mul3A_425 : vector<16xf32>
        %add3A_427 = arith.addf %add3A_422, %mul3A_426 : vector<16xf32>
        %slice3A_428 = vector.extract_strided_slice %get3A_299 {offsets = [3], sizes = [1], strides = [1]} : vector<16xf32> to vector<1xf32>
        %squeeze3A_429 = vector.extract %slice3A_428[0] : f32 from vector<1xf32>
        %add3A_430 = vector.broadcast %squeeze3A_429 : f32 to vector<16xf32>
        %add3A_431 = arith.addf %add3A_109, %add3A_430 : vector<16xf32>
        %sub3A_432 = arith.subf %add3A_431, %add3A_427 : vector<16xf32>
        %max3A_433 = arith.constant 0.000000e+00 : f32
        %max3A_434 = vector.broadcast %max3A_433 : f32 to vector<16xf32>
        %max3A_435 = arith.maximumf %sub3A_432, %max3A_434 : vector<16xf32>
        %add3A_436 = arith.constant 3 : i32
        %add3A_437 = arith.addi %add3A_287, %add3A_436 : i32
        %add3A_438 = vector.broadcast %add3A_437 : i32 to vector<16xi32>
        %add3A_439 = arith.addi %broadcast_in_dim3A_40, %add3A_438 : vector<16xi32>
        %lt3A_440 = arith.cmpf olt, %max3A_435, %min3A_412 : vector<16xf32>
        %lt3A_441 = arith.cmpf olt, %max3A_435, %select_n3A_405 : vector<16xf32>
        %lt3A_442 = arith.cmpf olt, %max3A_435, %select_n3A_409 : vector<16xf32>
        %min3A_443 = arith.minimumf %max3A_435, %select_n3A_405 : vector<16xf32>
        %select_n3A_444 = arith.select %lt3A_440, %min3A_412, %min3A_443 : vector<16xi1>, vector<16xf32>
        %select_n3A_445 = arith.select %lt3A_441, %add3A_439, %select_n3A_407 : vector<16xi1>, vector<16xi32>
        %select_n3A_446 = arith.select %lt3A_440, %select_n3A_413, %select_n3A_445 : vector<16xi1>, vector<16xi32>
        %min3A_447 = arith.minimumf %max3A_435, %select_n3A_409 : vector<16xf32>
        %select_n3A_448 = arith.select %lt3A_441, %select_n3A_405, %min3A_447 : vector<16xi1>, vector<16xf32>
        %select_n3A_449 = arith.select %lt3A_442, %add3A_439, %select_n3A_411 : vector<16xi1>, vector<16xi32>
        %select_n3A_450 = arith.select %lt3A_441, %select_n3A_407, %select_n3A_449 : vector<16xi1>, vector<16xi32>
        %min3A_451 = arith.minimumf %max3A_435, %min3A_412 : vector<16xf32>
        %select_n3A_452 = arith.select %lt3A_440, %add3A_439, %select_n3A_413 : vector<16xi1>, vector<16xi32>
        %slice3A_453 = vector.extract_strided_slice %get3A_290 {offsets = [4], sizes = [1], strides = [1]} : vector<16xf32> to vector<1xf32>
        %squeeze3A_454 = vector.extract %slice3A_453[0] : f32 from vector<1xf32>
        %mul3A_455 = vector.broadcast %squeeze3A_454 : f32 to vector<16xf32>
        %mul3A_456 = arith.mulf %bitcast_convert_type3A_74, %mul3A_455 : vector<16xf32>
        %slice3A_457 = vector.extract_strided_slice %get3A_293 {offsets = [4], sizes = [1], strides = [1]} : vector<16xf32> to vector<1xf32>
        %squeeze3A_458 = vector.extract %slice3A_457[0] : f32 from vector<1xf32>
        %mul3A_459 = vector.broadcast %squeeze3A_458 : f32 to vector<16xf32>
        %mul3A_460 = arith.mulf %bitcast_convert_type3A_89, %mul3A_459 : vector<16xf32>
        %add3A_461 = arith.addf %mul3A_456, %mul3A_460 : vector<16xf32>
        %slice3A_462 = vector.extract_strided_slice %get3A_296 {offsets = [4], sizes = [1], strides = [1]} : vector<16xf32> to vector<1xf32>
        %squeeze3A_463 = vector.extract %slice3A_462[0] : f32 from vector<1xf32>
        %mul3A_464 = vector.broadcast %squeeze3A_463 : f32 to vector<16xf32>
        %mul3A_465 = arith.mulf %bitcast_convert_type3A_104, %mul3A_464 : vector<16xf32>
        %add3A_466 = arith.addf %add3A_461, %mul3A_465 : vector<16xf32>
        %slice3A_467 = vector.extract_strided_slice %get3A_299 {offsets = [4], sizes = [1], strides = [1]} : vector<16xf32> to vector<1xf32>
        %squeeze3A_468 = vector.extract %slice3A_467[0] : f32 from vector<1xf32>
        %add3A_469 = vector.broadcast %squeeze3A_468 : f32 to vector<16xf32>
        %add3A_470 = arith.addf %add3A_109, %add3A_469 : vector<16xf32>
        %sub3A_471 = arith.subf %add3A_470, %add3A_466 : vector<16xf32>
        %max3A_472 = arith.constant 0.000000e+00 : f32
        %max3A_473 = vector.broadcast %max3A_472 : f32 to vector<16xf32>
        %max3A_474 = arith.maximumf %sub3A_471, %max3A_473 : vector<16xf32>
        %add3A_475 = arith.constant 4 : i32
        %add3A_476 = arith.addi %add3A_287, %add3A_475 : i32
        %add3A_477 = vector.broadcast %add3A_476 : i32 to vector<16xi32>
        %add3A_478 = arith.addi %broadcast_in_dim3A_40, %add3A_477 : vector<16xi32>
        %lt3A_479 = arith.cmpf olt, %max3A_474, %min3A_451 : vector<16xf32>
        %lt3A_480 = arith.cmpf olt, %max3A_474, %select_n3A_444 : vector<16xf32>
        %lt3A_481 = arith.cmpf olt, %max3A_474, %select_n3A_448 : vector<16xf32>
        %min3A_482 = arith.minimumf %max3A_474, %select_n3A_444 : vector<16xf32>
        %select_n3A_483 = arith.select %lt3A_479, %min3A_451, %min3A_482 : vector<16xi1>, vector<16xf32>
        %select_n3A_484 = arith.select %lt3A_480, %add3A_478, %select_n3A_446 : vector<16xi1>, vector<16xi32>
        %select_n3A_485 = arith.select %lt3A_479, %select_n3A_452, %select_n3A_484 : vector<16xi1>, vector<16xi32>
        %min3A_486 = arith.minimumf %max3A_474, %select_n3A_448 : vector<16xf32>
        %select_n3A_487 = arith.select %lt3A_480, %select_n3A_444, %min3A_486 : vector<16xi1>, vector<16xf32>
        %select_n3A_488 = arith.select %lt3A_481, %add3A_478, %select_n3A_450 : vector<16xi1>, vector<16xi32>
        %select_n3A_489 = arith.select %lt3A_480, %select_n3A_446, %select_n3A_488 : vector<16xi1>, vector<16xi32>
        %min3A_490 = arith.minimumf %max3A_474, %min3A_451 : vector<16xf32>
        %select_n3A_491 = arith.select %lt3A_479, %add3A_478, %select_n3A_452 : vector<16xi1>, vector<16xi32>
        %slice3A_492 = vector.extract_strided_slice %get3A_290 {offsets = [5], sizes = [1], strides = [1]} : vector<16xf32> to vector<1xf32>
        %squeeze3A_493 = vector.extract %slice3A_492[0] : f32 from vector<1xf32>
        %mul3A_494 = vector.broadcast %squeeze3A_493 : f32 to vector<16xf32>
        %mul3A_495 = arith.mulf %bitcast_convert_type3A_74, %mul3A_494 : vector<16xf32>
        %slice3A_496 = vector.extract_strided_slice %get3A_293 {offsets = [5], sizes = [1], strides = [1]} : vector<16xf32> to vector<1xf32>
        %squeeze3A_497 = vector.extract %slice3A_496[0] : f32 from vector<1xf32>
        %mul3A_498 = vector.broadcast %squeeze3A_497 : f32 to vector<16xf32>
        %mul3A_499 = arith.mulf %bitcast_convert_type3A_89, %mul3A_498 : vector<16xf32>
        %add3A_500 = arith.addf %mul3A_495, %mul3A_499 : vector<16xf32>
        %slice3A_501 = vector.extract_strided_slice %get3A_296 {offsets = [5], sizes = [1], strides = [1]} : vector<16xf32> to vector<1xf32>
        %squeeze3A_502 = vector.extract %slice3A_501[0] : f32 from vector<1xf32>
        %mul3A_503 = vector.broadcast %squeeze3A_502 : f32 to vector<16xf32>
        %mul3A_504 = arith.mulf %bitcast_convert_type3A_104, %mul3A_503 : vector<16xf32>
        %add3A_505 = arith.addf %add3A_500, %mul3A_504 : vector<16xf32>
        %slice3A_506 = vector.extract_strided_slice %get3A_299 {offsets = [5], sizes = [1], strides = [1]} : vector<16xf32> to vector<1xf32>
        %squeeze3A_507 = vector.extract %slice3A_506[0] : f32 from vector<1xf32>
        %add3A_508 = vector.broadcast %squeeze3A_507 : f32 to vector<16xf32>
        %add3A_509 = arith.addf %add3A_109, %add3A_508 : vector<16xf32>
        %sub3A_510 = arith.subf %add3A_509, %add3A_505 : vector<16xf32>
        %max3A_511 = arith.constant 0.000000e+00 : f32
        %max3A_512 = vector.broadcast %max3A_511 : f32 to vector<16xf32>
        %max3A_513 = arith.maximumf %sub3A_510, %max3A_512 : vector<16xf32>
        %add3A_514 = arith.constant 5 : i32
        %add3A_515 = arith.addi %add3A_287, %add3A_514 : i32
        %add3A_516 = vector.broadcast %add3A_515 : i32 to vector<16xi32>
        %add3A_517 = arith.addi %broadcast_in_dim3A_40, %add3A_516 : vector<16xi32>
        %lt3A_518 = arith.cmpf olt, %max3A_513, %min3A_490 : vector<16xf32>
        %lt3A_519 = arith.cmpf olt, %max3A_513, %select_n3A_483 : vector<16xf32>
        %lt3A_520 = arith.cmpf olt, %max3A_513, %select_n3A_487 : vector<16xf32>
        %min3A_521 = arith.minimumf %max3A_513, %select_n3A_483 : vector<16xf32>
        %select_n3A_522 = arith.select %lt3A_518, %min3A_490, %min3A_521 : vector<16xi1>, vector<16xf32>
        %select_n3A_523 = arith.select %lt3A_519, %add3A_517, %select_n3A_485 : vector<16xi1>, vector<16xi32>
        %select_n3A_524 = arith.select %lt3A_518, %select_n3A_491, %select_n3A_523 : vector<16xi1>, vector<16xi32>
        %min3A_525 = arith.minimumf %max3A_513, %select_n3A_487 : vector<16xf32>
        %select_n3A_526 = arith.select %lt3A_519, %select_n3A_483, %min3A_525 : vector<16xi1>, vector<16xf32>
        %select_n3A_527 = arith.select %lt3A_520, %add3A_517, %select_n3A_489 : vector<16xi1>, vector<16xi32>
        %select_n3A_528 = arith.select %lt3A_519, %select_n3A_485, %select_n3A_527 : vector<16xi1>, vector<16xi32>
        %min3A_529 = arith.minimumf %max3A_513, %min3A_490 : vector<16xf32>
        %select_n3A_530 = arith.select %lt3A_518, %add3A_517, %select_n3A_491 : vector<16xi1>, vector<16xi32>
        %slice3A_531 = vector.extract_strided_slice %get3A_290 {offsets = [6], sizes = [1], strides = [1]} : vector<16xf32> to vector<1xf32>
        %squeeze3A_532 = vector.extract %slice3A_531[0] : f32 from vector<1xf32>
        %mul3A_533 = vector.broadcast %squeeze3A_532 : f32 to vector<16xf32>
        %mul3A_534 = arith.mulf %bitcast_convert_type3A_74, %mul3A_533 : vector<16xf32>
        %slice3A_535 = vector.extract_strided_slice %get3A_293 {offsets = [6], sizes = [1], strides = [1]} : vector<16xf32> to vector<1xf32>
        %squeeze3A_536 = vector.extract %slice3A_535[0] : f32 from vector<1xf32>
        %mul3A_537 = vector.broadcast %squeeze3A_536 : f32 to vector<16xf32>
        %mul3A_538 = arith.mulf %bitcast_convert_type3A_89, %mul3A_537 : vector<16xf32>
        %add3A_539 = arith.addf %mul3A_534, %mul3A_538 : vector<16xf32>
        %slice3A_540 = vector.extract_strided_slice %get3A_296 {offsets = [6], sizes = [1], strides = [1]} : vector<16xf32> to vector<1xf32>
        %squeeze3A_541 = vector.extract %slice3A_540[0] : f32 from vector<1xf32>
        %mul3A_542 = vector.broadcast %squeeze3A_541 : f32 to vector<16xf32>
        %mul3A_543 = arith.mulf %bitcast_convert_type3A_104, %mul3A_542 : vector<16xf32>
        %add3A_544 = arith.addf %add3A_539, %mul3A_543 : vector<16xf32>
        %slice3A_545 = vector.extract_strided_slice %get3A_299 {offsets = [6], sizes = [1], strides = [1]} : vector<16xf32> to vector<1xf32>
        %squeeze3A_546 = vector.extract %slice3A_545[0] : f32 from vector<1xf32>
        %add3A_547 = vector.broadcast %squeeze3A_546 : f32 to vector<16xf32>
        %add3A_548 = arith.addf %add3A_109, %add3A_547 : vector<16xf32>
        %sub3A_549 = arith.subf %add3A_548, %add3A_544 : vector<16xf32>
        %max3A_550 = arith.constant 0.000000e+00 : f32
        %max3A_551 = vector.broadcast %max3A_550 : f32 to vector<16xf32>
        %max3A_552 = arith.maximumf %sub3A_549, %max3A_551 : vector<16xf32>
        %add3A_553 = arith.constant 6 : i32
        %add3A_554 = arith.addi %add3A_287, %add3A_553 : i32
        %add3A_555 = vector.broadcast %add3A_554 : i32 to vector<16xi32>
        %add3A_556 = arith.addi %broadcast_in_dim3A_40, %add3A_555 : vector<16xi32>
        %lt3A_557 = arith.cmpf olt, %max3A_552, %min3A_529 : vector<16xf32>
        %lt3A_558 = arith.cmpf olt, %max3A_552, %select_n3A_522 : vector<16xf32>
        %lt3A_559 = arith.cmpf olt, %max3A_552, %select_n3A_526 : vector<16xf32>
        %min3A_560 = arith.minimumf %max3A_552, %select_n3A_522 : vector<16xf32>
        %select_n3A_561 = arith.select %lt3A_557, %min3A_529, %min3A_560 : vector<16xi1>, vector<16xf32>
        %select_n3A_562 = arith.select %lt3A_558, %add3A_556, %select_n3A_524 : vector<16xi1>, vector<16xi32>
        %select_n3A_563 = arith.select %lt3A_557, %select_n3A_530, %select_n3A_562 : vector<16xi1>, vector<16xi32>
        %min3A_564 = arith.minimumf %max3A_552, %select_n3A_526 : vector<16xf32>
        %select_n3A_565 = arith.select %lt3A_558, %select_n3A_522, %min3A_564 : vector<16xi1>, vector<16xf32>
        %select_n3A_566 = arith.select %lt3A_559, %add3A_556, %select_n3A_528 : vector<16xi1>, vector<16xi32>
        %select_n3A_567 = arith.select %lt3A_558, %select_n3A_524, %select_n3A_566 : vector<16xi1>, vector<16xi32>
        %min3A_568 = arith.minimumf %max3A_552, %min3A_529 : vector<16xf32>
        %select_n3A_569 = arith.select %lt3A_557, %add3A_556, %select_n3A_530 : vector<16xi1>, vector<16xi32>
        %slice3A_570 = vector.extract_strided_slice %get3A_290 {offsets = [7], sizes = [1], strides = [1]} : vector<16xf32> to vector<1xf32>
        %squeeze3A_571 = vector.extract %slice3A_570[0] : f32 from vector<1xf32>
        %mul3A_572 = vector.broadcast %squeeze3A_571 : f32 to vector<16xf32>
        %mul3A_573 = arith.mulf %bitcast_convert_type3A_74, %mul3A_572 : vector<16xf32>
        %slice3A_574 = vector.extract_strided_slice %get3A_293 {offsets = [7], sizes = [1], strides = [1]} : vector<16xf32> to vector<1xf32>
        %squeeze3A_575 = vector.extract %slice3A_574[0] : f32 from vector<1xf32>
        %mul3A_576 = vector.broadcast %squeeze3A_575 : f32 to vector<16xf32>
        %mul3A_577 = arith.mulf %bitcast_convert_type3A_89, %mul3A_576 : vector<16xf32>
        %add3A_578 = arith.addf %mul3A_573, %mul3A_577 : vector<16xf32>
        %slice3A_579 = vector.extract_strided_slice %get3A_296 {offsets = [7], sizes = [1], strides = [1]} : vector<16xf32> to vector<1xf32>
        %squeeze3A_580 = vector.extract %slice3A_579[0] : f32 from vector<1xf32>
        %mul3A_581 = vector.broadcast %squeeze3A_580 : f32 to vector<16xf32>
        %mul3A_582 = arith.mulf %bitcast_convert_type3A_104, %mul3A_581 : vector<16xf32>
        %add3A_583 = arith.addf %add3A_578, %mul3A_582 : vector<16xf32>
        %slice3A_584 = vector.extract_strided_slice %get3A_299 {offsets = [7], sizes = [1], strides = [1]} : vector<16xf32> to vector<1xf32>
        %squeeze3A_585 = vector.extract %slice3A_584[0] : f32 from vector<1xf32>
        %add3A_586 = vector.broadcast %squeeze3A_585 : f32 to vector<16xf32>
        %add3A_587 = arith.addf %add3A_109, %add3A_586 : vector<16xf32>
        %sub3A_588 = arith.subf %add3A_587, %add3A_583 : vector<16xf32>
        %max3A_589 = arith.constant 0.000000e+00 : f32
        %max3A_590 = vector.broadcast %max3A_589 : f32 to vector<16xf32>
        %max3A_591 = arith.maximumf %sub3A_588, %max3A_590 : vector<16xf32>
        %add3A_592 = arith.constant 7 : i32
        %add3A_593 = arith.addi %add3A_287, %add3A_592 : i32
        %add3A_594 = vector.broadcast %add3A_593 : i32 to vector<16xi32>
        %add3A_595 = arith.addi %broadcast_in_dim3A_40, %add3A_594 : vector<16xi32>
        %lt3A_596 = arith.cmpf olt, %max3A_591, %min3A_568 : vector<16xf32>
        %lt3A_597 = arith.cmpf olt, %max3A_591, %select_n3A_561 : vector<16xf32>
        %lt3A_598 = arith.cmpf olt, %max3A_591, %select_n3A_565 : vector<16xf32>
        %min3A_599 = arith.minimumf %max3A_591, %select_n3A_561 : vector<16xf32>
        %select_n3A_600 = arith.select %lt3A_596, %min3A_568, %min3A_599 : vector<16xi1>, vector<16xf32>
        %select_n3A_601 = arith.select %lt3A_597, %add3A_595, %select_n3A_563 : vector<16xi1>, vector<16xi32>
        %select_n3A_602 = arith.select %lt3A_596, %select_n3A_569, %select_n3A_601 : vector<16xi1>, vector<16xi32>
        %min3A_603 = arith.minimumf %max3A_591, %select_n3A_565 : vector<16xf32>
        %select_n3A_604 = arith.select %lt3A_597, %select_n3A_561, %min3A_603 : vector<16xi1>, vector<16xf32>
        %select_n3A_605 = arith.select %lt3A_598, %add3A_595, %select_n3A_567 : vector<16xi1>, vector<16xi32>
        %select_n3A_606 = arith.select %lt3A_597, %select_n3A_563, %select_n3A_605 : vector<16xi1>, vector<16xi32>
        %min3A_607 = arith.minimumf %max3A_591, %min3A_568 : vector<16xf32>
        %select_n3A_608 = arith.select %lt3A_596, %add3A_595, %select_n3A_569 : vector<16xi1>, vector<16xi32>
        %slice3A_609 = vector.extract_strided_slice %get3A_290 {offsets = [8], sizes = [1], strides = [1]} : vector<16xf32> to vector<1xf32>
        %squeeze3A_610 = vector.extract %slice3A_609[0] : f32 from vector<1xf32>
        %mul3A_611 = vector.broadcast %squeeze3A_610 : f32 to vector<16xf32>
        %mul3A_612 = arith.mulf %bitcast_convert_type3A_74, %mul3A_611 : vector<16xf32>
        %slice3A_613 = vector.extract_strided_slice %get3A_293 {offsets = [8], sizes = [1], strides = [1]} : vector<16xf32> to vector<1xf32>
        %squeeze3A_614 = vector.extract %slice3A_613[0] : f32 from vector<1xf32>
        %mul3A_615 = vector.broadcast %squeeze3A_614 : f32 to vector<16xf32>
        %mul3A_616 = arith.mulf %bitcast_convert_type3A_89, %mul3A_615 : vector<16xf32>
        %add3A_617 = arith.addf %mul3A_612, %mul3A_616 : vector<16xf32>
        %slice3A_618 = vector.extract_strided_slice %get3A_296 {offsets = [8], sizes = [1], strides = [1]} : vector<16xf32> to vector<1xf32>
        %squeeze3A_619 = vector.extract %slice3A_618[0] : f32 from vector<1xf32>
        %mul3A_620 = vector.broadcast %squeeze3A_619 : f32 to vector<16xf32>
        %mul3A_621 = arith.mulf %bitcast_convert_type3A_104, %mul3A_620 : vector<16xf32>
        %add3A_622 = arith.addf %add3A_617, %mul3A_621 : vector<16xf32>
        %slice3A_623 = vector.extract_strided_slice %get3A_299 {offsets = [8], sizes = [1], strides = [1]} : vector<16xf32> to vector<1xf32>
        %squeeze3A_624 = vector.extract %slice3A_623[0] : f32 from vector<1xf32>
        %add3A_625 = vector.broadcast %squeeze3A_624 : f32 to vector<16xf32>
        %add3A_626 = arith.addf %add3A_109, %add3A_625 : vector<16xf32>
        %sub3A_627 = arith.subf %add3A_626, %add3A_622 : vector<16xf32>
        %max3A_628 = arith.constant 0.000000e+00 : f32
        %max3A_629 = vector.broadcast %max3A_628 : f32 to vector<16xf32>
        %max3A_630 = arith.maximumf %sub3A_627, %max3A_629 : vector<16xf32>
        %add3A_631 = arith.constant 8 : i32
        %add3A_632 = arith.addi %add3A_287, %add3A_631 : i32
        %add3A_633 = vector.broadcast %add3A_632 : i32 to vector<16xi32>
        %add3A_634 = arith.addi %broadcast_in_dim3A_40, %add3A_633 : vector<16xi32>
        %lt3A_635 = arith.cmpf olt, %max3A_630, %min3A_607 : vector<16xf32>
        %lt3A_636 = arith.cmpf olt, %max3A_630, %select_n3A_600 : vector<16xf32>
        %lt3A_637 = arith.cmpf olt, %max3A_630, %select_n3A_604 : vector<16xf32>
        %min3A_638 = arith.minimumf %max3A_630, %select_n3A_600 : vector<16xf32>
        %select_n3A_639 = arith.select %lt3A_635, %min3A_607, %min3A_638 : vector<16xi1>, vector<16xf32>
        %select_n3A_640 = arith.select %lt3A_636, %add3A_634, %select_n3A_602 : vector<16xi1>, vector<16xi32>
        %select_n3A_641 = arith.select %lt3A_635, %select_n3A_608, %select_n3A_640 : vector<16xi1>, vector<16xi32>
        %min3A_642 = arith.minimumf %max3A_630, %select_n3A_604 : vector<16xf32>
        %select_n3A_643 = arith.select %lt3A_636, %select_n3A_600, %min3A_642 : vector<16xi1>, vector<16xf32>
        %select_n3A_644 = arith.select %lt3A_637, %add3A_634, %select_n3A_606 : vector<16xi1>, vector<16xi32>
        %select_n3A_645 = arith.select %lt3A_636, %select_n3A_602, %select_n3A_644 : vector<16xi1>, vector<16xi32>
        %min3A_646 = arith.minimumf %max3A_630, %min3A_607 : vector<16xf32>
        %select_n3A_647 = arith.select %lt3A_635, %add3A_634, %select_n3A_608 : vector<16xi1>, vector<16xi32>
        %slice3A_648 = vector.extract_strided_slice %get3A_290 {offsets = [9], sizes = [1], strides = [1]} : vector<16xf32> to vector<1xf32>
        %squeeze3A_649 = vector.extract %slice3A_648[0] : f32 from vector<1xf32>
        %mul3A_650 = vector.broadcast %squeeze3A_649 : f32 to vector<16xf32>
        %mul3A_651 = arith.mulf %bitcast_convert_type3A_74, %mul3A_650 : vector<16xf32>
        %slice3A_652 = vector.extract_strided_slice %get3A_293 {offsets = [9], sizes = [1], strides = [1]} : vector<16xf32> to vector<1xf32>
        %squeeze3A_653 = vector.extract %slice3A_652[0] : f32 from vector<1xf32>
        %mul3A_654 = vector.broadcast %squeeze3A_653 : f32 to vector<16xf32>
        %mul3A_655 = arith.mulf %bitcast_convert_type3A_89, %mul3A_654 : vector<16xf32>
        %add3A_656 = arith.addf %mul3A_651, %mul3A_655 : vector<16xf32>
        %slice3A_657 = vector.extract_strided_slice %get3A_296 {offsets = [9], sizes = [1], strides = [1]} : vector<16xf32> to vector<1xf32>
        %squeeze3A_658 = vector.extract %slice3A_657[0] : f32 from vector<1xf32>
        %mul3A_659 = vector.broadcast %squeeze3A_658 : f32 to vector<16xf32>
        %mul3A_660 = arith.mulf %bitcast_convert_type3A_104, %mul3A_659 : vector<16xf32>
        %add3A_661 = arith.addf %add3A_656, %mul3A_660 : vector<16xf32>
        %slice3A_662 = vector.extract_strided_slice %get3A_299 {offsets = [9], sizes = [1], strides = [1]} : vector<16xf32> to vector<1xf32>
        %squeeze3A_663 = vector.extract %slice3A_662[0] : f32 from vector<1xf32>
        %add3A_664 = vector.broadcast %squeeze3A_663 : f32 to vector<16xf32>
        %add3A_665 = arith.addf %add3A_109, %add3A_664 : vector<16xf32>
        %sub3A_666 = arith.subf %add3A_665, %add3A_661 : vector<16xf32>
        %max3A_667 = arith.constant 0.000000e+00 : f32
        %max3A_668 = vector.broadcast %max3A_667 : f32 to vector<16xf32>
        %max3A_669 = arith.maximumf %sub3A_666, %max3A_668 : vector<16xf32>
        %add3A_670 = arith.constant 9 : i32
        %add3A_671 = arith.addi %add3A_287, %add3A_670 : i32
        %add3A_672 = vector.broadcast %add3A_671 : i32 to vector<16xi32>
        %add3A_673 = arith.addi %broadcast_in_dim3A_40, %add3A_672 : vector<16xi32>
        %lt3A_674 = arith.cmpf olt, %max3A_669, %min3A_646 : vector<16xf32>
        %lt3A_675 = arith.cmpf olt, %max3A_669, %select_n3A_639 : vector<16xf32>
        %lt3A_676 = arith.cmpf olt, %max3A_669, %select_n3A_643 : vector<16xf32>
        %min3A_677 = arith.minimumf %max3A_669, %select_n3A_639 : vector<16xf32>
        %select_n3A_678 = arith.select %lt3A_674, %min3A_646, %min3A_677 : vector<16xi1>, vector<16xf32>
        %select_n3A_679 = arith.select %lt3A_675, %add3A_673, %select_n3A_641 : vector<16xi1>, vector<16xi32>
        %select_n3A_680 = arith.select %lt3A_674, %select_n3A_647, %select_n3A_679 : vector<16xi1>, vector<16xi32>
        %min3A_681 = arith.minimumf %max3A_669, %select_n3A_643 : vector<16xf32>
        %select_n3A_682 = arith.select %lt3A_675, %select_n3A_639, %min3A_681 : vector<16xi1>, vector<16xf32>
        %select_n3A_683 = arith.select %lt3A_676, %add3A_673, %select_n3A_645 : vector<16xi1>, vector<16xi32>
        %select_n3A_684 = arith.select %lt3A_675, %select_n3A_641, %select_n3A_683 : vector<16xi1>, vector<16xi32>
        %min3A_685 = arith.minimumf %max3A_669, %min3A_646 : vector<16xf32>
        %select_n3A_686 = arith.select %lt3A_674, %add3A_673, %select_n3A_647 : vector<16xi1>, vector<16xi32>
        %slice3A_687 = vector.extract_strided_slice %get3A_290 {offsets = [10], sizes = [1], strides = [1]} : vector<16xf32> to vector<1xf32>
        %squeeze3A_688 = vector.extract %slice3A_687[0] : f32 from vector<1xf32>
        %mul3A_689 = vector.broadcast %squeeze3A_688 : f32 to vector<16xf32>
        %mul3A_690 = arith.mulf %bitcast_convert_type3A_74, %mul3A_689 : vector<16xf32>
        %slice3A_691 = vector.extract_strided_slice %get3A_293 {offsets = [10], sizes = [1], strides = [1]} : vector<16xf32> to vector<1xf32>
        %squeeze3A_692 = vector.extract %slice3A_691[0] : f32 from vector<1xf32>
        %mul3A_693 = vector.broadcast %squeeze3A_692 : f32 to vector<16xf32>
        %mul3A_694 = arith.mulf %bitcast_convert_type3A_89, %mul3A_693 : vector<16xf32>
        %add3A_695 = arith.addf %mul3A_690, %mul3A_694 : vector<16xf32>
        %slice3A_696 = vector.extract_strided_slice %get3A_296 {offsets = [10], sizes = [1], strides = [1]} : vector<16xf32> to vector<1xf32>
        %squeeze3A_697 = vector.extract %slice3A_696[0] : f32 from vector<1xf32>
        %mul3A_698 = vector.broadcast %squeeze3A_697 : f32 to vector<16xf32>
        %mul3A_699 = arith.mulf %bitcast_convert_type3A_104, %mul3A_698 : vector<16xf32>
        %add3A_700 = arith.addf %add3A_695, %mul3A_699 : vector<16xf32>
        %slice3A_701 = vector.extract_strided_slice %get3A_299 {offsets = [10], sizes = [1], strides = [1]} : vector<16xf32> to vector<1xf32>
        %squeeze3A_702 = vector.extract %slice3A_701[0] : f32 from vector<1xf32>
        %add3A_703 = vector.broadcast %squeeze3A_702 : f32 to vector<16xf32>
        %add3A_704 = arith.addf %add3A_109, %add3A_703 : vector<16xf32>
        %sub3A_705 = arith.subf %add3A_704, %add3A_700 : vector<16xf32>
        %max3A_706 = arith.constant 0.000000e+00 : f32
        %max3A_707 = vector.broadcast %max3A_706 : f32 to vector<16xf32>
        %max3A_708 = arith.maximumf %sub3A_705, %max3A_707 : vector<16xf32>
        %add3A_709 = arith.constant 10 : i32
        %add3A_710 = arith.addi %add3A_287, %add3A_709 : i32
        %add3A_711 = vector.broadcast %add3A_710 : i32 to vector<16xi32>
        %add3A_712 = arith.addi %broadcast_in_dim3A_40, %add3A_711 : vector<16xi32>
        %lt3A_713 = arith.cmpf olt, %max3A_708, %min3A_685 : vector<16xf32>
        %lt3A_714 = arith.cmpf olt, %max3A_708, %select_n3A_678 : vector<16xf32>
        %lt3A_715 = arith.cmpf olt, %max3A_708, %select_n3A_682 : vector<16xf32>
        %min3A_716 = arith.minimumf %max3A_708, %select_n3A_678 : vector<16xf32>
        %select_n3A_717 = arith.select %lt3A_713, %min3A_685, %min3A_716 : vector<16xi1>, vector<16xf32>
        %select_n3A_718 = arith.select %lt3A_714, %add3A_712, %select_n3A_680 : vector<16xi1>, vector<16xi32>
        %select_n3A_719 = arith.select %lt3A_713, %select_n3A_686, %select_n3A_718 : vector<16xi1>, vector<16xi32>
        %min3A_720 = arith.minimumf %max3A_708, %select_n3A_682 : vector<16xf32>
        %select_n3A_721 = arith.select %lt3A_714, %select_n3A_678, %min3A_720 : vector<16xi1>, vector<16xf32>
        %select_n3A_722 = arith.select %lt3A_715, %add3A_712, %select_n3A_684 : vector<16xi1>, vector<16xi32>
        %select_n3A_723 = arith.select %lt3A_714, %select_n3A_680, %select_n3A_722 : vector<16xi1>, vector<16xi32>
        %min3A_724 = arith.minimumf %max3A_708, %min3A_685 : vector<16xf32>
        %select_n3A_725 = arith.select %lt3A_713, %add3A_712, %select_n3A_686 : vector<16xi1>, vector<16xi32>
        %slice3A_726 = vector.extract_strided_slice %get3A_290 {offsets = [11], sizes = [1], strides = [1]} : vector<16xf32> to vector<1xf32>
        %squeeze3A_727 = vector.extract %slice3A_726[0] : f32 from vector<1xf32>
        %mul3A_728 = vector.broadcast %squeeze3A_727 : f32 to vector<16xf32>
        %mul3A_729 = arith.mulf %bitcast_convert_type3A_74, %mul3A_728 : vector<16xf32>
        %slice3A_730 = vector.extract_strided_slice %get3A_293 {offsets = [11], sizes = [1], strides = [1]} : vector<16xf32> to vector<1xf32>
        %squeeze3A_731 = vector.extract %slice3A_730[0] : f32 from vector<1xf32>
        %mul3A_732 = vector.broadcast %squeeze3A_731 : f32 to vector<16xf32>
        %mul3A_733 = arith.mulf %bitcast_convert_type3A_89, %mul3A_732 : vector<16xf32>
        %add3A_734 = arith.addf %mul3A_729, %mul3A_733 : vector<16xf32>
        %slice3A_735 = vector.extract_strided_slice %get3A_296 {offsets = [11], sizes = [1], strides = [1]} : vector<16xf32> to vector<1xf32>
        %squeeze3A_736 = vector.extract %slice3A_735[0] : f32 from vector<1xf32>
        %mul3A_737 = vector.broadcast %squeeze3A_736 : f32 to vector<16xf32>
        %mul3A_738 = arith.mulf %bitcast_convert_type3A_104, %mul3A_737 : vector<16xf32>
        %add3A_739 = arith.addf %add3A_734, %mul3A_738 : vector<16xf32>
        %slice3A_740 = vector.extract_strided_slice %get3A_299 {offsets = [11], sizes = [1], strides = [1]} : vector<16xf32> to vector<1xf32>
        %squeeze3A_741 = vector.extract %slice3A_740[0] : f32 from vector<1xf32>
        %add3A_742 = vector.broadcast %squeeze3A_741 : f32 to vector<16xf32>
        %add3A_743 = arith.addf %add3A_109, %add3A_742 : vector<16xf32>
        %sub3A_744 = arith.subf %add3A_743, %add3A_739 : vector<16xf32>
        %max3A_745 = arith.constant 0.000000e+00 : f32
        %max3A_746 = vector.broadcast %max3A_745 : f32 to vector<16xf32>
        %max3A_747 = arith.maximumf %sub3A_744, %max3A_746 : vector<16xf32>
        %add3A_748 = arith.constant 11 : i32
        %add3A_749 = arith.addi %add3A_287, %add3A_748 : i32
        %add3A_750 = vector.broadcast %add3A_749 : i32 to vector<16xi32>
        %add3A_751 = arith.addi %broadcast_in_dim3A_40, %add3A_750 : vector<16xi32>
        %lt3A_752 = arith.cmpf olt, %max3A_747, %min3A_724 : vector<16xf32>
        %lt3A_753 = arith.cmpf olt, %max3A_747, %select_n3A_717 : vector<16xf32>
        %lt3A_754 = arith.cmpf olt, %max3A_747, %select_n3A_721 : vector<16xf32>
        %min3A_755 = arith.minimumf %max3A_747, %select_n3A_717 : vector<16xf32>
        %select_n3A_756 = arith.select %lt3A_752, %min3A_724, %min3A_755 : vector<16xi1>, vector<16xf32>
        %select_n3A_757 = arith.select %lt3A_753, %add3A_751, %select_n3A_719 : vector<16xi1>, vector<16xi32>
        %select_n3A_758 = arith.select %lt3A_752, %select_n3A_725, %select_n3A_757 : vector<16xi1>, vector<16xi32>
        %min3A_759 = arith.minimumf %max3A_747, %select_n3A_721 : vector<16xf32>
        %select_n3A_760 = arith.select %lt3A_753, %select_n3A_717, %min3A_759 : vector<16xi1>, vector<16xf32>
        %select_n3A_761 = arith.select %lt3A_754, %add3A_751, %select_n3A_723 : vector<16xi1>, vector<16xi32>
        %select_n3A_762 = arith.select %lt3A_753, %select_n3A_719, %select_n3A_761 : vector<16xi1>, vector<16xi32>
        %min3A_763 = arith.minimumf %max3A_747, %min3A_724 : vector<16xf32>
        %select_n3A_764 = arith.select %lt3A_752, %add3A_751, %select_n3A_725 : vector<16xi1>, vector<16xi32>
        %slice3A_765 = vector.extract_strided_slice %get3A_290 {offsets = [12], sizes = [1], strides = [1]} : vector<16xf32> to vector<1xf32>
        %squeeze3A_766 = vector.extract %slice3A_765[0] : f32 from vector<1xf32>
        %mul3A_767 = vector.broadcast %squeeze3A_766 : f32 to vector<16xf32>
        %mul3A_768 = arith.mulf %bitcast_convert_type3A_74, %mul3A_767 : vector<16xf32>
        %slice3A_769 = vector.extract_strided_slice %get3A_293 {offsets = [12], sizes = [1], strides = [1]} : vector<16xf32> to vector<1xf32>
        %squeeze3A_770 = vector.extract %slice3A_769[0] : f32 from vector<1xf32>
        %mul3A_771 = vector.broadcast %squeeze3A_770 : f32 to vector<16xf32>
        %mul3A_772 = arith.mulf %bitcast_convert_type3A_89, %mul3A_771 : vector<16xf32>
        %add3A_773 = arith.addf %mul3A_768, %mul3A_772 : vector<16xf32>
        %slice3A_774 = vector.extract_strided_slice %get3A_296 {offsets = [12], sizes = [1], strides = [1]} : vector<16xf32> to vector<1xf32>
        %squeeze3A_775 = vector.extract %slice3A_774[0] : f32 from vector<1xf32>
        %mul3A_776 = vector.broadcast %squeeze3A_775 : f32 to vector<16xf32>
        %mul3A_777 = arith.mulf %bitcast_convert_type3A_104, %mul3A_776 : vector<16xf32>
        %add3A_778 = arith.addf %add3A_773, %mul3A_777 : vector<16xf32>
        %slice3A_779 = vector.extract_strided_slice %get3A_299 {offsets = [12], sizes = [1], strides = [1]} : vector<16xf32> to vector<1xf32>
        %squeeze3A_780 = vector.extract %slice3A_779[0] : f32 from vector<1xf32>
        %add3A_781 = vector.broadcast %squeeze3A_780 : f32 to vector<16xf32>
        %add3A_782 = arith.addf %add3A_109, %add3A_781 : vector<16xf32>
        %sub3A_783 = arith.subf %add3A_782, %add3A_778 : vector<16xf32>
        %max3A_784 = arith.constant 0.000000e+00 : f32
        %max3A_785 = vector.broadcast %max3A_784 : f32 to vector<16xf32>
        %max3A_786 = arith.maximumf %sub3A_783, %max3A_785 : vector<16xf32>
        %add3A_787 = arith.constant 12 : i32
        %add3A_788 = arith.addi %add3A_287, %add3A_787 : i32
        %add3A_789 = vector.broadcast %add3A_788 : i32 to vector<16xi32>
        %add3A_790 = arith.addi %broadcast_in_dim3A_40, %add3A_789 : vector<16xi32>
        %lt3A_791 = arith.cmpf olt, %max3A_786, %min3A_763 : vector<16xf32>
        %lt3A_792 = arith.cmpf olt, %max3A_786, %select_n3A_756 : vector<16xf32>
        %lt3A_793 = arith.cmpf olt, %max3A_786, %select_n3A_760 : vector<16xf32>
        %min3A_794 = arith.minimumf %max3A_786, %select_n3A_756 : vector<16xf32>
        %select_n3A_795 = arith.select %lt3A_791, %min3A_763, %min3A_794 : vector<16xi1>, vector<16xf32>
        %select_n3A_796 = arith.select %lt3A_792, %add3A_790, %select_n3A_758 : vector<16xi1>, vector<16xi32>
        %select_n3A_797 = arith.select %lt3A_791, %select_n3A_764, %select_n3A_796 : vector<16xi1>, vector<16xi32>
        %min3A_798 = arith.minimumf %max3A_786, %select_n3A_760 : vector<16xf32>
        %select_n3A_799 = arith.select %lt3A_792, %select_n3A_756, %min3A_798 : vector<16xi1>, vector<16xf32>
        %select_n3A_800 = arith.select %lt3A_793, %add3A_790, %select_n3A_762 : vector<16xi1>, vector<16xi32>
        %select_n3A_801 = arith.select %lt3A_792, %select_n3A_758, %select_n3A_800 : vector<16xi1>, vector<16xi32>
        %min3A_802 = arith.minimumf %max3A_786, %min3A_763 : vector<16xf32>
        %select_n3A_803 = arith.select %lt3A_791, %add3A_790, %select_n3A_764 : vector<16xi1>, vector<16xi32>
        %slice3A_804 = vector.extract_strided_slice %get3A_290 {offsets = [13], sizes = [1], strides = [1]} : vector<16xf32> to vector<1xf32>
        %squeeze3A_805 = vector.extract %slice3A_804[0] : f32 from vector<1xf32>
        %mul3A_806 = vector.broadcast %squeeze3A_805 : f32 to vector<16xf32>
        %mul3A_807 = arith.mulf %bitcast_convert_type3A_74, %mul3A_806 : vector<16xf32>
        %slice3A_808 = vector.extract_strided_slice %get3A_293 {offsets = [13], sizes = [1], strides = [1]} : vector<16xf32> to vector<1xf32>
        %squeeze3A_809 = vector.extract %slice3A_808[0] : f32 from vector<1xf32>
        %mul3A_810 = vector.broadcast %squeeze3A_809 : f32 to vector<16xf32>
        %mul3A_811 = arith.mulf %bitcast_convert_type3A_89, %mul3A_810 : vector<16xf32>
        %add3A_812 = arith.addf %mul3A_807, %mul3A_811 : vector<16xf32>
        %slice3A_813 = vector.extract_strided_slice %get3A_296 {offsets = [13], sizes = [1], strides = [1]} : vector<16xf32> to vector<1xf32>
        %squeeze3A_814 = vector.extract %slice3A_813[0] : f32 from vector<1xf32>
        %mul3A_815 = vector.broadcast %squeeze3A_814 : f32 to vector<16xf32>
        %mul3A_816 = arith.mulf %bitcast_convert_type3A_104, %mul3A_815 : vector<16xf32>
        %add3A_817 = arith.addf %add3A_812, %mul3A_816 : vector<16xf32>
        %slice3A_818 = vector.extract_strided_slice %get3A_299 {offsets = [13], sizes = [1], strides = [1]} : vector<16xf32> to vector<1xf32>
        %squeeze3A_819 = vector.extract %slice3A_818[0] : f32 from vector<1xf32>
        %add3A_820 = vector.broadcast %squeeze3A_819 : f32 to vector<16xf32>
        %add3A_821 = arith.addf %add3A_109, %add3A_820 : vector<16xf32>
        %sub3A_822 = arith.subf %add3A_821, %add3A_817 : vector<16xf32>
        %max3A_823 = arith.constant 0.000000e+00 : f32
        %max3A_824 = vector.broadcast %max3A_823 : f32 to vector<16xf32>
        %max3A_825 = arith.maximumf %sub3A_822, %max3A_824 : vector<16xf32>
        %add3A_826 = arith.constant 13 : i32
        %add3A_827 = arith.addi %add3A_287, %add3A_826 : i32
        %add3A_828 = vector.broadcast %add3A_827 : i32 to vector<16xi32>
        %add3A_829 = arith.addi %broadcast_in_dim3A_40, %add3A_828 : vector<16xi32>
        %lt3A_830 = arith.cmpf olt, %max3A_825, %min3A_802 : vector<16xf32>
        %lt3A_831 = arith.cmpf olt, %max3A_825, %select_n3A_795 : vector<16xf32>
        %lt3A_832 = arith.cmpf olt, %max3A_825, %select_n3A_799 : vector<16xf32>
        %min3A_833 = arith.minimumf %max3A_825, %select_n3A_795 : vector<16xf32>
        %select_n3A_834 = arith.select %lt3A_830, %min3A_802, %min3A_833 : vector<16xi1>, vector<16xf32>
        %select_n3A_835 = arith.select %lt3A_831, %add3A_829, %select_n3A_797 : vector<16xi1>, vector<16xi32>
        %select_n3A_836 = arith.select %lt3A_830, %select_n3A_803, %select_n3A_835 : vector<16xi1>, vector<16xi32>
        %min3A_837 = arith.minimumf %max3A_825, %select_n3A_799 : vector<16xf32>
        %select_n3A_838 = arith.select %lt3A_831, %select_n3A_795, %min3A_837 : vector<16xi1>, vector<16xf32>
        %select_n3A_839 = arith.select %lt3A_832, %add3A_829, %select_n3A_801 : vector<16xi1>, vector<16xi32>
        %select_n3A_840 = arith.select %lt3A_831, %select_n3A_797, %select_n3A_839 : vector<16xi1>, vector<16xi32>
        %min3A_841 = arith.minimumf %max3A_825, %min3A_802 : vector<16xf32>
        %select_n3A_842 = arith.select %lt3A_830, %add3A_829, %select_n3A_803 : vector<16xi1>, vector<16xi32>
        %slice3A_843 = vector.extract_strided_slice %get3A_290 {offsets = [14], sizes = [1], strides = [1]} : vector<16xf32> to vector<1xf32>
        %squeeze3A_844 = vector.extract %slice3A_843[0] : f32 from vector<1xf32>
        %mul3A_845 = vector.broadcast %squeeze3A_844 : f32 to vector<16xf32>
        %mul3A_846 = arith.mulf %bitcast_convert_type3A_74, %mul3A_845 : vector<16xf32>
        %slice3A_847 = vector.extract_strided_slice %get3A_293 {offsets = [14], sizes = [1], strides = [1]} : vector<16xf32> to vector<1xf32>
        %squeeze3A_848 = vector.extract %slice3A_847[0] : f32 from vector<1xf32>
        %mul3A_849 = vector.broadcast %squeeze3A_848 : f32 to vector<16xf32>
        %mul3A_850 = arith.mulf %bitcast_convert_type3A_89, %mul3A_849 : vector<16xf32>
        %add3A_851 = arith.addf %mul3A_846, %mul3A_850 : vector<16xf32>
        %slice3A_852 = vector.extract_strided_slice %get3A_296 {offsets = [14], sizes = [1], strides = [1]} : vector<16xf32> to vector<1xf32>
        %squeeze3A_853 = vector.extract %slice3A_852[0] : f32 from vector<1xf32>
        %mul3A_854 = vector.broadcast %squeeze3A_853 : f32 to vector<16xf32>
        %mul3A_855 = arith.mulf %bitcast_convert_type3A_104, %mul3A_854 : vector<16xf32>
        %add3A_856 = arith.addf %add3A_851, %mul3A_855 : vector<16xf32>
        %slice3A_857 = vector.extract_strided_slice %get3A_299 {offsets = [14], sizes = [1], strides = [1]} : vector<16xf32> to vector<1xf32>
        %squeeze3A_858 = vector.extract %slice3A_857[0] : f32 from vector<1xf32>
        %add3A_859 = vector.broadcast %squeeze3A_858 : f32 to vector<16xf32>
        %add3A_860 = arith.addf %add3A_109, %add3A_859 : vector<16xf32>
        %sub3A_861 = arith.subf %add3A_860, %add3A_856 : vector<16xf32>
        %max3A_862 = arith.constant 0.000000e+00 : f32
        %max3A_863 = vector.broadcast %max3A_862 : f32 to vector<16xf32>
        %max3A_864 = arith.maximumf %sub3A_861, %max3A_863 : vector<16xf32>
        %add3A_865 = arith.constant 14 : i32
        %add3A_866 = arith.addi %add3A_287, %add3A_865 : i32
        %add3A_867 = vector.broadcast %add3A_866 : i32 to vector<16xi32>
        %add3A_868 = arith.addi %broadcast_in_dim3A_40, %add3A_867 : vector<16xi32>
        %lt3A_869 = arith.cmpf olt, %max3A_864, %min3A_841 : vector<16xf32>
        %lt3A_870 = arith.cmpf olt, %max3A_864, %select_n3A_834 : vector<16xf32>
        %lt3A_871 = arith.cmpf olt, %max3A_864, %select_n3A_838 : vector<16xf32>
        %min3A_872 = arith.minimumf %max3A_864, %select_n3A_834 : vector<16xf32>
        %select_n3A_873 = arith.select %lt3A_869, %min3A_841, %min3A_872 : vector<16xi1>, vector<16xf32>
        %select_n3A_874 = arith.select %lt3A_870, %add3A_868, %select_n3A_836 : vector<16xi1>, vector<16xi32>
        %select_n3A_875 = arith.select %lt3A_869, %select_n3A_842, %select_n3A_874 : vector<16xi1>, vector<16xi32>
        %min3A_876 = arith.minimumf %max3A_864, %select_n3A_838 : vector<16xf32>
        %select_n3A_877 = arith.select %lt3A_870, %select_n3A_834, %min3A_876 : vector<16xi1>, vector<16xf32>
        %select_n3A_878 = arith.select %lt3A_871, %add3A_868, %select_n3A_840 : vector<16xi1>, vector<16xi32>
        %select_n3A_879 = arith.select %lt3A_870, %select_n3A_836, %select_n3A_878 : vector<16xi1>, vector<16xi32>
        %min3A_880 = arith.minimumf %max3A_864, %min3A_841 : vector<16xf32>
        %select_n3A_881 = arith.select %lt3A_869, %add3A_868, %select_n3A_842 : vector<16xi1>, vector<16xi32>
        %slice3A_882 = vector.extract_strided_slice %get3A_290 {offsets = [15], sizes = [1], strides = [1]} : vector<16xf32> to vector<1xf32>
        %squeeze3A_883 = vector.extract %slice3A_882[0] : f32 from vector<1xf32>
        %mul3A_884 = vector.broadcast %squeeze3A_883 : f32 to vector<16xf32>
        %mul3A_885 = arith.mulf %bitcast_convert_type3A_74, %mul3A_884 : vector<16xf32>
        %slice3A_886 = vector.extract_strided_slice %get3A_293 {offsets = [15], sizes = [1], strides = [1]} : vector<16xf32> to vector<1xf32>
        %squeeze3A_887 = vector.extract %slice3A_886[0] : f32 from vector<1xf32>
        %mul3A_888 = vector.broadcast %squeeze3A_887 : f32 to vector<16xf32>
        %mul3A_889 = arith.mulf %bitcast_convert_type3A_89, %mul3A_888 : vector<16xf32>
        %add3A_890 = arith.addf %mul3A_885, %mul3A_889 : vector<16xf32>
        %slice3A_891 = vector.extract_strided_slice %get3A_296 {offsets = [15], sizes = [1], strides = [1]} : vector<16xf32> to vector<1xf32>
        %squeeze3A_892 = vector.extract %slice3A_891[0] : f32 from vector<1xf32>
        %mul3A_893 = vector.broadcast %squeeze3A_892 : f32 to vector<16xf32>
        %mul3A_894 = arith.mulf %bitcast_convert_type3A_104, %mul3A_893 : vector<16xf32>
        %add3A_895 = arith.addf %add3A_890, %mul3A_894 : vector<16xf32>
        %slice3A_896 = vector.extract_strided_slice %get3A_299 {offsets = [15], sizes = [1], strides = [1]} : vector<16xf32> to vector<1xf32>
        %squeeze3A_897 = vector.extract %slice3A_896[0] : f32 from vector<1xf32>
        %add3A_898 = vector.broadcast %squeeze3A_897 : f32 to vector<16xf32>
        %add3A_899 = arith.addf %add3A_109, %add3A_898 : vector<16xf32>
        %sub3A_900 = arith.subf %add3A_899, %add3A_895 : vector<16xf32>
        %max3A_901 = arith.constant 0.000000e+00 : f32
        %max3A_902 = vector.broadcast %max3A_901 : f32 to vector<16xf32>
        %max3A_903 = arith.maximumf %sub3A_900, %max3A_902 : vector<16xf32>
        %add3A_904 = arith.constant 15 : i32
        %add3A_905 = arith.addi %add3A_287, %add3A_904 : i32
        %add3A_906 = vector.broadcast %add3A_905 : i32 to vector<16xi32>
        %add3A_907 = arith.addi %broadcast_in_dim3A_40, %add3A_906 : vector<16xi32>
        %lt3A_908 = arith.cmpf olt, %max3A_903, %min3A_880 : vector<16xf32>
        %lt3A_909 = arith.cmpf olt, %max3A_903, %select_n3A_873 : vector<16xf32>
        %lt3A_910 = arith.cmpf olt, %max3A_903, %select_n3A_877 : vector<16xf32>
        %min3A_911 = arith.minimumf %max3A_903, %select_n3A_873 : vector<16xf32>
        %select_n3A_912 = arith.select %lt3A_908, %min3A_880, %min3A_911 : vector<16xi1>, vector<16xf32>
        %select_n3A_913 = arith.select %lt3A_909, %add3A_907, %select_n3A_875 : vector<16xi1>, vector<16xi32>
        %select_n3A_914 = arith.select %lt3A_908, %select_n3A_881, %select_n3A_913 : vector<16xi1>, vector<16xi32>
        %min3A_915 = arith.minimumf %max3A_903, %select_n3A_877 : vector<16xf32>
        %select_n3A_916 = arith.select %lt3A_909, %select_n3A_873, %min3A_915 : vector<16xi1>, vector<16xf32>
        %select_n3A_917 = arith.select %lt3A_910, %add3A_907, %select_n3A_879 : vector<16xi1>, vector<16xi32>
        %select_n3A_918 = arith.select %lt3A_909, %select_n3A_875, %select_n3A_917 : vector<16xi1>, vector<16xi32>
        %min3A_919 = arith.minimumf %max3A_903, %min3A_880 : vector<16xf32>
        %select_n3A_920 = arith.select %lt3A_908, %add3A_907, %select_n3A_881 : vector<16xi1>, vector<16xi32>
        %add3A_921 = arith.constant 16 : i32
        %add3A_922 = arith.addi %mul3A_285, %add3A_921 : i32
        %get3A_923 = arith.index_cast %add3A_922 : i32 to index
        %get3A_924 = tpu.vector_load %arg17[%get3A_923] {strides = array<i32>} : memref<2048xf32, #tpu.memory_space<vmem>>, vector<16xf32>,
        %get3A_925 = vector.shape_cast %get3A_924 : vector<16xf32> to vector<16xf32>
        %get3A_926 = arith.index_cast %add3A_922 : i32 to index
        %get3A_927 = tpu.vector_load %arg18[%get3A_926] {strides = array<i32>} : memref<2048xf32, #tpu.memory_space<vmem>>, vector<16xf32>,
        %get3A_928 = vector.shape_cast %get3A_927 : vector<16xf32> to vector<16xf32>
        %get3A_929 = arith.index_cast %add3A_922 : i32 to index
        %get3A_930 = tpu.vector_load %arg19[%get3A_929] {strides = array<i32>} : memref<2048xf32, #tpu.memory_space<vmem>>, vector<16xf32>,
        %get3A_931 = vector.shape_cast %get3A_930 : vector<16xf32> to vector<16xf32>
        %get3A_932 = arith.index_cast %add3A_922 : i32 to index
        %get3A_933 = tpu.vector_load %arg20[%get3A_932] {strides = array<i32>} : memref<2048xf32, #tpu.memory_space<vmem>>, vector<16xf32>,
        %get3A_934 = vector.shape_cast %get3A_933 : vector<16xf32> to vector<16xf32>
        %slice3A_935 = vector.extract_strided_slice %get3A_925 {offsets = [0], sizes = [1], strides = [1]} : vector<16xf32> to vector<1xf32>
        %squeeze3A_936 = vector.extract %slice3A_935[0] : f32 from vector<1xf32>
        %mul3A_937 = vector.broadcast %squeeze3A_936 : f32 to vector<16xf32>
        %mul3A_938 = arith.mulf %bitcast_convert_type3A_74, %mul3A_937 : vector<16xf32>
        %slice3A_939 = vector.extract_strided_slice %get3A_928 {offsets = [0], sizes = [1], strides = [1]} : vector<16xf32> to vector<1xf32>
        %squeeze3A_940 = vector.extract %slice3A_939[0] : f32 from vector<1xf32>
        %mul3A_941 = vector.broadcast %squeeze3A_940 : f32 to vector<16xf32>
        %mul3A_942 = arith.mulf %bitcast_convert_type3A_89, %mul3A_941 : vector<16xf32>
        %add3A_943 = arith.addf %mul3A_938, %mul3A_942 : vector<16xf32>
        %slice3A_944 = vector.extract_strided_slice %get3A_931 {offsets = [0], sizes = [1], strides = [1]} : vector<16xf32> to vector<1xf32>
        %squeeze3A_945 = vector.extract %slice3A_944[0] : f32 from vector<1xf32>
        %mul3A_946 = vector.broadcast %squeeze3A_945 : f32 to vector<16xf32>
        %mul3A_947 = arith.mulf %bitcast_convert_type3A_104, %mul3A_946 : vector<16xf32>
        %add3A_948 = arith.addf %add3A_943, %mul3A_947 : vector<16xf32>
        %slice3A_949 = vector.extract_strided_slice %get3A_934 {offsets = [0], sizes = [1], strides = [1]} : vector<16xf32> to vector<1xf32>
        %squeeze3A_950 = vector.extract %slice3A_949[0] : f32 from vector<1xf32>
        %add3A_951 = vector.broadcast %squeeze3A_950 : f32 to vector<16xf32>
        %add3A_952 = arith.addf %add3A_109, %add3A_951 : vector<16xf32>
        %sub3A_953 = arith.subf %add3A_952, %add3A_948 : vector<16xf32>
        %max3A_954 = arith.constant 0.000000e+00 : f32
        %max3A_955 = vector.broadcast %max3A_954 : f32 to vector<16xf32>
        %max3A_956 = arith.maximumf %sub3A_953, %max3A_955 : vector<16xf32>
        %add3A_957 = arith.constant 0 : i32
        %add3A_958 = arith.addi %add3A_922, %add3A_957 : i32
        %add3A_959 = vector.broadcast %add3A_958 : i32 to vector<16xi32>
        %add3A_960 = arith.addi %broadcast_in_dim3A_40, %add3A_959 : vector<16xi32>
        %lt3A_961 = arith.cmpf olt, %max3A_956, %min3A_919 : vector<16xf32>
        %lt3A_962 = arith.cmpf olt, %max3A_956, %select_n3A_912 : vector<16xf32>
        %lt3A_963 = arith.cmpf olt, %max3A_956, %select_n3A_916 : vector<16xf32>
        %min3A_964 = arith.minimumf %max3A_956, %select_n3A_912 : vector<16xf32>
        %select_n3A_965 = arith.select %lt3A_961, %min3A_919, %min3A_964 : vector<16xi1>, vector<16xf32>
        %select_n3A_966 = arith.select %lt3A_962, %add3A_960, %select_n3A_914 : vector<16xi1>, vector<16xi32>
        %select_n3A_967 = arith.select %lt3A_961, %select_n3A_920, %select_n3A_966 : vector<16xi1>, vector<16xi32>
        %min3A_968 = arith.minimumf %max3A_956, %select_n3A_916 : vector<16xf32>
        %select_n3A_969 = arith.select %lt3A_962, %select_n3A_912, %min3A_968 : vector<16xi1>, vector<16xf32>
        %select_n3A_970 = arith.select %lt3A_963, %add3A_960, %select_n3A_918 : vector<16xi1>, vector<16xi32>
        %select_n3A_971 = arith.select %lt3A_962, %select_n3A_914, %select_n3A_970 : vector<16xi1>, vector<16xi32>
        %min3A_972 = arith.minimumf %max3A_956, %min3A_919 : vector<16xf32>
        %select_n3A_973 = arith.select %lt3A_961, %add3A_960, %select_n3A_920 : vector<16xi1>, vector<16xi32>
        %slice3A_974 = vector.extract_strided_slice %get3A_925 {offsets = [1], sizes = [1], strides = [1]} : vector<16xf32> to vector<1xf32>
        %squeeze3A_975 = vector.extract %slice3A_974[0] : f32 from vector<1xf32>
        %mul3A_976 = vector.broadcast %squeeze3A_975 : f32 to vector<16xf32>
        %mul3A_977 = arith.mulf %bitcast_convert_type3A_74, %mul3A_976 : vector<16xf32>
        %slice3A_978 = vector.extract_strided_slice %get3A_928 {offsets = [1], sizes = [1], strides = [1]} : vector<16xf32> to vector<1xf32>
        %squeeze3A_979 = vector.extract %slice3A_978[0] : f32 from vector<1xf32>
        %mul3A_980 = vector.broadcast %squeeze3A_979 : f32 to vector<16xf32>
        %mul3A_981 = arith.mulf %bitcast_convert_type3A_89, %mul3A_980 : vector<16xf32>
        %add3A_982 = arith.addf %mul3A_977, %mul3A_981 : vector<16xf32>
        %slice3A_983 = vector.extract_strided_slice %get3A_931 {offsets = [1], sizes = [1], strides = [1]} : vector<16xf32> to vector<1xf32>
        %squeeze3A_984 = vector.extract %slice3A_983[0] : f32 from vector<1xf32>
        %mul3A_985 = vector.broadcast %squeeze3A_984 : f32 to vector<16xf32>
        %mul3A_986 = arith.mulf %bitcast_convert_type3A_104, %mul3A_985 : vector<16xf32>
        %add3A_987 = arith.addf %add3A_982, %mul3A_986 : vector<16xf32>
        %slice3A_988 = vector.extract_strided_slice %get3A_934 {offsets = [1], sizes = [1], strides = [1]} : vector<16xf32> to vector<1xf32>
        %squeeze3A_989 = vector.extract %slice3A_988[0] : f32 from vector<1xf32>
        %add3A_990 = vector.broadcast %squeeze3A_989 : f32 to vector<16xf32>
        %add3A_991 = arith.addf %add3A_109, %add3A_990 : vector<16xf32>
        %sub3A_992 = arith.subf %add3A_991, %add3A_987 : vector<16xf32>
        %max3A_993 = arith.constant 0.000000e+00 : f32
        %max3A_994 = vector.broadcast %max3A_993 : f32 to vector<16xf32>
        %max3A_995 = arith.maximumf %sub3A_992, %max3A_994 : vector<16xf32>
        %add3A_996 = arith.constant 1 : i32
        %add3A_997 = arith.addi %add3A_922, %add3A_996 : i32
        %add3A_998 = vector.broadcast %add3A_997 : i32 to vector<16xi32>
        %add3A_999 = arith.addi %broadcast_in_dim3A_40, %add3A_998 : vector<16xi32>
        %lt3A_1000 = arith.cmpf olt, %max3A_995, %min3A_972 : vector<16xf32>
        %lt3A_1001 = arith.cmpf olt, %max3A_995, %select_n3A_965 : vector<16xf32>
        %lt3A_1002 = arith.cmpf olt, %max3A_995, %select_n3A_969 : vector<16xf32>
        %min3A_1003 = arith.minimumf %max3A_995, %select_n3A_965 : vector<16xf32>
        %select_n3A_1004 = arith.select %lt3A_1000, %min3A_972, %min3A_1003 : vector<16xi1>, vector<16xf32>
        %select_n3A_1005 = arith.select %lt3A_1001, %add3A_999, %select_n3A_967 : vector<16xi1>, vector<16xi32>
        %select_n3A_1006 = arith.select %lt3A_1000, %select_n3A_973, %select_n3A_1005 : vector<16xi1>, vector<16xi32>
        %min3A_1007 = arith.minimumf %max3A_995, %select_n3A_969 : vector<16xf32>
        %select_n3A_1008 = arith.select %lt3A_1001, %select_n3A_965, %min3A_1007 : vector<16xi1>, vector<16xf32>
        %select_n3A_1009 = arith.select %lt3A_1002, %add3A_999, %select_n3A_971 : vector<16xi1>, vector<16xi32>
        %select_n3A_1010 = arith.select %lt3A_1001, %select_n3A_967, %select_n3A_1009 : vector<16xi1>, vector<16xi32>
        %min3A_1011 = arith.minimumf %max3A_995, %min3A_972 : vector<16xf32>
        %select_n3A_1012 = arith.select %lt3A_1000, %add3A_999, %select_n3A_973 : vector<16xi1>, vector<16xi32>
        %slice3A_1013 = vector.extract_strided_slice %get3A_925 {offsets = [2], sizes = [1], strides = [1]} : vector<16xf32> to vector<1xf32>
        %squeeze3A_1014 = vector.extract %slice3A_1013[0] : f32 from vector<1xf32>
        %mul3A_1015 = vector.broadcast %squeeze3A_1014 : f32 to vector<16xf32>
        %mul3A_1016 = arith.mulf %bitcast_convert_type3A_74, %mul3A_1015 : vector<16xf32>
        %slice3A_1017 = vector.extract_strided_slice %get3A_928 {offsets = [2], sizes = [1], strides = [1]} : vector<16xf32> to vector<1xf32>
        %squeeze3A_1018 = vector.extract %slice3A_1017[0] : f32 from vector<1xf32>
        %mul3A_1019 = vector.broadcast %squeeze3A_1018 : f32 to vector<16xf32>
        %mul3A_1020 = arith.mulf %bitcast_convert_type3A_89, %mul3A_1019 : vector<16xf32>
        %add3A_1021 = arith.addf %mul3A_1016, %mul3A_1020 : vector<16xf32>
        %slice3A_1022 = vector.extract_strided_slice %get3A_931 {offsets = [2], sizes = [1], strides = [1]} : vector<16xf32> to vector<1xf32>
        %squeeze3A_1023 = vector.extract %slice3A_1022[0] : f32 from vector<1xf32>
        %mul3A_1024 = vector.broadcast %squeeze3A_1023 : f32 to vector<16xf32>
        %mul3A_1025 = arith.mulf %bitcast_convert_type3A_104, %mul3A_1024 : vector<16xf32>
        %add3A_1026 = arith.addf %add3A_1021, %mul3A_1025 : vector<16xf32>
        %slice3A_1027 = vector.extract_strided_slice %get3A_934 {offsets = [2], sizes = [1], strides = [1]} : vector<16xf32> to vector<1xf32>
        %squeeze3A_1028 = vector.extract %slice3A_1027[0] : f32 from vector<1xf32>
        %add3A_1029 = vector.broadcast %squeeze3A_1028 : f32 to vector<16xf32>
        %add3A_1030 = arith.addf %add3A_109, %add3A_1029 : vector<16xf32>
        %sub3A_1031 = arith.subf %add3A_1030, %add3A_1026 : vector<16xf32>
        %max3A_1032 = arith.constant 0.000000e+00 : f32
        %max3A_1033 = vector.broadcast %max3A_1032 : f32 to vector<16xf32>
        %max3A_1034 = arith.maximumf %sub3A_1031, %max3A_1033 : vector<16xf32>
        %add3A_1035 = arith.constant 2 : i32
        %add3A_1036 = arith.addi %add3A_922, %add3A_1035 : i32
        %add3A_1037 = vector.broadcast %add3A_1036 : i32 to vector<16xi32>
        %add3A_1038 = arith.addi %broadcast_in_dim3A_40, %add3A_1037 : vector<16xi32>
        %lt3A_1039 = arith.cmpf olt, %max3A_1034, %min3A_1011 : vector<16xf32>
        %lt3A_1040 = arith.cmpf olt, %max3A_1034, %select_n3A_1004 : vector<16xf32>
        %lt3A_1041 = arith.cmpf olt, %max3A_1034, %select_n3A_1008 : vector<16xf32>
        %min3A_1042 = arith.minimumf %max3A_1034, %select_n3A_1004 : vector<16xf32>
        %select_n3A_1043 = arith.select %lt3A_1039, %min3A_1011, %min3A_1042 : vector<16xi1>, vector<16xf32>
        %select_n3A_1044 = arith.select %lt3A_1040, %add3A_1038, %select_n3A_1006 : vector<16xi1>, vector<16xi32>
        %select_n3A_1045 = arith.select %lt3A_1039, %select_n3A_1012, %select_n3A_1044 : vector<16xi1>, vector<16xi32>
        %min3A_1046 = arith.minimumf %max3A_1034, %select_n3A_1008 : vector<16xf32>
        %select_n3A_1047 = arith.select %lt3A_1040, %select_n3A_1004, %min3A_1046 : vector<16xi1>, vector<16xf32>
        %select_n3A_1048 = arith.select %lt3A_1041, %add3A_1038, %select_n3A_1010 : vector<16xi1>, vector<16xi32>
        %select_n3A_1049 = arith.select %lt3A_1040, %select_n3A_1006, %select_n3A_1048 : vector<16xi1>, vector<16xi32>
        %min3A_1050 = arith.minimumf %max3A_1034, %min3A_1011 : vector<16xf32>
        %select_n3A_1051 = arith.select %lt3A_1039, %add3A_1038, %select_n3A_1012 : vector<16xi1>, vector<16xi32>
        %slice3A_1052 = vector.extract_strided_slice %get3A_925 {offsets = [3], sizes = [1], strides = [1]} : vector<16xf32> to vector<1xf32>
        %squeeze3A_1053 = vector.extract %slice3A_1052[0] : f32 from vector<1xf32>
        %mul3A_1054 = vector.broadcast %squeeze3A_1053 : f32 to vector<16xf32>
        %mul3A_1055 = arith.mulf %bitcast_convert_type3A_74, %mul3A_1054 : vector<16xf32>
        %slice3A_1056 = vector.extract_strided_slice %get3A_928 {offsets = [3], sizes = [1], strides = [1]} : vector<16xf32> to vector<1xf32>
        %squeeze3A_1057 = vector.extract %slice3A_1056[0] : f32 from vector<1xf32>
        %mul3A_1058 = vector.broadcast %squeeze3A_1057 : f32 to vector<16xf32>
        %mul3A_1059 = arith.mulf %bitcast_convert_type3A_89, %mul3A_1058 : vector<16xf32>
        %add3A_1060 = arith.addf %mul3A_1055, %mul3A_1059 : vector<16xf32>
        %slice3A_1061 = vector.extract_strided_slice %get3A_931 {offsets = [3], sizes = [1], strides = [1]} : vector<16xf32> to vector<1xf32>
        %squeeze3A_1062 = vector.extract %slice3A_1061[0] : f32 from vector<1xf32>
        %mul3A_1063 = vector.broadcast %squeeze3A_1062 : f32 to vector<16xf32>
        %mul3A_1064 = arith.mulf %bitcast_convert_type3A_104, %mul3A_1063 : vector<16xf32>
        %add3A_1065 = arith.addf %add3A_1060, %mul3A_1064 : vector<16xf32>
        %slice3A_1066 = vector.extract_strided_slice %get3A_934 {offsets = [3], sizes = [1], strides = [1]} : vector<16xf32> to vector<1xf32>
        %squeeze3A_1067 = vector.extract %slice3A_1066[0] : f32 from vector<1xf32>
        %add3A_1068 = vector.broadcast %squeeze3A_1067 : f32 to vector<16xf32>
        %add3A_1069 = arith.addf %add3A_109, %add3A_1068 : vector<16xf32>
        %sub3A_1070 = arith.subf %add3A_1069, %add3A_1065 : vector<16xf32>
        %max3A_1071 = arith.constant 0.000000e+00 : f32
        %max3A_1072 = vector.broadcast %max3A_1071 : f32 to vector<16xf32>
        %max3A_1073 = arith.maximumf %sub3A_1070, %max3A_1072 : vector<16xf32>
        %add3A_1074 = arith.constant 3 : i32
        %add3A_1075 = arith.addi %add3A_922, %add3A_1074 : i32
        %add3A_1076 = vector.broadcast %add3A_1075 : i32 to vector<16xi32>
        %add3A_1077 = arith.addi %broadcast_in_dim3A_40, %add3A_1076 : vector<16xi32>
        %lt3A_1078 = arith.cmpf olt, %max3A_1073, %min3A_1050 : vector<16xf32>
        %lt3A_1079 = arith.cmpf olt, %max3A_1073, %select_n3A_1043 : vector<16xf32>
        %lt3A_1080 = arith.cmpf olt, %max3A_1073, %select_n3A_1047 : vector<16xf32>
        %min3A_1081 = arith.minimumf %max3A_1073, %select_n3A_1043 : vector<16xf32>
        %select_n3A_1082 = arith.select %lt3A_1078, %min3A_1050, %min3A_1081 : vector<16xi1>, vector<16xf32>
        %select_n3A_1083 = arith.select %lt3A_1079, %add3A_1077, %select_n3A_1045 : vector<16xi1>, vector<16xi32>
        %select_n3A_1084 = arith.select %lt3A_1078, %select_n3A_1051, %select_n3A_1083 : vector<16xi1>, vector<16xi32>
        %min3A_1085 = arith.minimumf %max3A_1073, %select_n3A_1047 : vector<16xf32>
        %select_n3A_1086 = arith.select %lt3A_1079, %select_n3A_1043, %min3A_1085 : vector<16xi1>, vector<16xf32>
        %select_n3A_1087 = arith.select %lt3A_1080, %add3A_1077, %select_n3A_1049 : vector<16xi1>, vector<16xi32>
        %select_n3A_1088 = arith.select %lt3A_1079, %select_n3A_1045, %select_n3A_1087 : vector<16xi1>, vector<16xi32>
        %min3A_1089 = arith.minimumf %max3A_1073, %min3A_1050 : vector<16xf32>
        %select_n3A_1090 = arith.select %lt3A_1078, %add3A_1077, %select_n3A_1051 : vector<16xi1>, vector<16xi32>
        %slice3A_1091 = vector.extract_strided_slice %get3A_925 {offsets = [4], sizes = [1], strides = [1]} : vector<16xf32> to vector<1xf32>
        %squeeze3A_1092 = vector.extract %slice3A_1091[0] : f32 from vector<1xf32>
        %mul3A_1093 = vector.broadcast %squeeze3A_1092 : f32 to vector<16xf32>
        %mul3A_1094 = arith.mulf %bitcast_convert_type3A_74, %mul3A_1093 : vector<16xf32>
        %slice3A_1095 = vector.extract_strided_slice %get3A_928 {offsets = [4], sizes = [1], strides = [1]} : vector<16xf32> to vector<1xf32>
        %squeeze3A_1096 = vector.extract %slice3A_1095[0] : f32 from vector<1xf32>
        %mul3A_1097 = vector.broadcast %squeeze3A_1096 : f32 to vector<16xf32>
        %mul3A_1098 = arith.mulf %bitcast_convert_type3A_89, %mul3A_1097 : vector<16xf32>
        %add3A_1099 = arith.addf %mul3A_1094, %mul3A_1098 : vector<16xf32>
        %slice3A_1100 = vector.extract_strided_slice %get3A_931 {offsets = [4], sizes = [1], strides = [1]} : vector<16xf32> to vector<1xf32>
        %squeeze3A_1101 = vector.extract %slice3A_1100[0] : f32 from vector<1xf32>
        %mul3A_1102 = vector.broadcast %squeeze3A_1101 : f32 to vector<16xf32>
        %mul3A_1103 = arith.mulf %bitcast_convert_type3A_104, %mul3A_1102 : vector<16xf32>
        %add3A_1104 = arith.addf %add3A_1099, %mul3A_1103 : vector<16xf32>
        %slice3A_1105 = vector.extract_strided_slice %get3A_934 {offsets = [4], sizes = [1], strides = [1]} : vector<16xf32> to vector<1xf32>
        %squeeze3A_1106 = vector.extract %slice3A_1105[0] : f32 from vector<1xf32>
        %add3A_1107 = vector.broadcast %squeeze3A_1106 : f32 to vector<16xf32>
        %add3A_1108 = arith.addf %add3A_109, %add3A_1107 : vector<16xf32>
        %sub3A_1109 = arith.subf %add3A_1108, %add3A_1104 : vector<16xf32>
        %max3A_1110 = arith.constant 0.000000e+00 : f32
        %max3A_1111 = vector.broadcast %max3A_1110 : f32 to vector<16xf32>
        %max3A_1112 = arith.maximumf %sub3A_1109, %max3A_1111 : vector<16xf32>
        %add3A_1113 = arith.constant 4 : i32
        %add3A_1114 = arith.addi %add3A_922, %add3A_1113 : i32
        %add3A_1115 = vector.broadcast %add3A_1114 : i32 to vector<16xi32>
        %add3A_1116 = arith.addi %broadcast_in_dim3A_40, %add3A_1115 : vector<16xi32>
        %lt3A_1117 = arith.cmpf olt, %max3A_1112, %min3A_1089 : vector<16xf32>
        %lt3A_1118 = arith.cmpf olt, %max3A_1112, %select_n3A_1082 : vector<16xf32>
        %lt3A_1119 = arith.cmpf olt, %max3A_1112, %select_n3A_1086 : vector<16xf32>
        %min3A_1120 = arith.minimumf %max3A_1112, %select_n3A_1082 : vector<16xf32>
        %select_n3A_1121 = arith.select %lt3A_1117, %min3A_1089, %min3A_1120 : vector<16xi1>, vector<16xf32>
        %select_n3A_1122 = arith.select %lt3A_1118, %add3A_1116, %select_n3A_1084 : vector<16xi1>, vector<16xi32>
        %select_n3A_1123 = arith.select %lt3A_1117, %select_n3A_1090, %select_n3A_1122 : vector<16xi1>, vector<16xi32>
        %min3A_1124 = arith.minimumf %max3A_1112, %select_n3A_1086 : vector<16xf32>
        %select_n3A_1125 = arith.select %lt3A_1118, %select_n3A_1082, %min3A_1124 : vector<16xi1>, vector<16xf32>
        %select_n3A_1126 = arith.select %lt3A_1119, %add3A_1116, %select_n3A_1088 : vector<16xi1>, vector<16xi32>
        %select_n3A_1127 = arith.select %lt3A_1118, %select_n3A_1084, %select_n3A_1126 : vector<16xi1>, vector<16xi32>
        %min3A_1128 = arith.minimumf %max3A_1112, %min3A_1089 : vector<16xf32>
        %select_n3A_1129 = arith.select %lt3A_1117, %add3A_1116, %select_n3A_1090 : vector<16xi1>, vector<16xi32>
        %slice3A_1130 = vector.extract_strided_slice %get3A_925 {offsets = [5], sizes = [1], strides = [1]} : vector<16xf32> to vector<1xf32>
        %squeeze3A_1131 = vector.extract %slice3A_1130[0] : f32 from vector<1xf32>
        %mul3A_1132 = vector.broadcast %squeeze3A_1131 : f32 to vector<16xf32>
        %mul3A_1133 = arith.mulf %bitcast_convert_type3A_74, %mul3A_1132 : vector<16xf32>
        %slice3A_1134 = vector.extract_strided_slice %get3A_928 {offsets = [5], sizes = [1], strides = [1]} : vector<16xf32> to vector<1xf32>
        %squeeze3A_1135 = vector.extract %slice3A_1134[0] : f32 from vector<1xf32>
        %mul3A_1136 = vector.broadcast %squeeze3A_1135 : f32 to vector<16xf32>
        %mul3A_1137 = arith.mulf %bitcast_convert_type3A_89, %mul3A_1136 : vector<16xf32>
        %add3A_1138 = arith.addf %mul3A_1133, %mul3A_1137 : vector<16xf32>
        %slice3A_1139 = vector.extract_strided_slice %get3A_931 {offsets = [5], sizes = [1], strides = [1]} : vector<16xf32> to vector<1xf32>
        %squeeze3A_1140 = vector.extract %slice3A_1139[0] : f32 from vector<1xf32>
        %mul3A_1141 = vector.broadcast %squeeze3A_1140 : f32 to vector<16xf32>
        %mul3A_1142 = arith.mulf %bitcast_convert_type3A_104, %mul3A_1141 : vector<16xf32>
        %add3A_1143 = arith.addf %add3A_1138, %mul3A_1142 : vector<16xf32>
        %slice3A_1144 = vector.extract_strided_slice %get3A_934 {offsets = [5], sizes = [1], strides = [1]} : vector<16xf32> to vector<1xf32>
        %squeeze3A_1145 = vector.extract %slice3A_1144[0] : f32 from vector<1xf32>
        %add3A_1146 = vector.broadcast %squeeze3A_1145 : f32 to vector<16xf32>
        %add3A_1147 = arith.addf %add3A_109, %add3A_1146 : vector<16xf32>
        %sub3A_1148 = arith.subf %add3A_1147, %add3A_1143 : vector<16xf32>
        %max3A_1149 = arith.constant 0.000000e+00 : f32
        %max3A_1150 = vector.broadcast %max3A_1149 : f32 to vector<16xf32>
        %max3A_1151 = arith.maximumf %sub3A_1148, %max3A_1150 : vector<16xf32>
        %add3A_1152 = arith.constant 5 : i32
        %add3A_1153 = arith.addi %add3A_922, %add3A_1152 : i32
        %add3A_1154 = vector.broadcast %add3A_1153 : i32 to vector<16xi32>
        %add3A_1155 = arith.addi %broadcast_in_dim3A_40, %add3A_1154 : vector<16xi32>
        %lt3A_1156 = arith.cmpf olt, %max3A_1151, %min3A_1128 : vector<16xf32>
        %lt3A_1157 = arith.cmpf olt, %max3A_1151, %select_n3A_1121 : vector<16xf32>
        %lt3A_1158 = arith.cmpf olt, %max3A_1151, %select_n3A_1125 : vector<16xf32>
        %min3A_1159 = arith.minimumf %max3A_1151, %select_n3A_1121 : vector<16xf32>
        %select_n3A_1160 = arith.select %lt3A_1156, %min3A_1128, %min3A_1159 : vector<16xi1>, vector<16xf32>
        %select_n3A_1161 = arith.select %lt3A_1157, %add3A_1155, %select_n3A_1123 : vector<16xi1>, vector<16xi32>
        %select_n3A_1162 = arith.select %lt3A_1156, %select_n3A_1129, %select_n3A_1161 : vector<16xi1>, vector<16xi32>
        %min3A_1163 = arith.minimumf %max3A_1151, %select_n3A_1125 : vector<16xf32>
        %select_n3A_1164 = arith.select %lt3A_1157, %select_n3A_1121, %min3A_1163 : vector<16xi1>, vector<16xf32>
        %select_n3A_1165 = arith.select %lt3A_1158, %add3A_1155, %select_n3A_1127 : vector<16xi1>, vector<16xi32>
        %select_n3A_1166 = arith.select %lt3A_1157, %select_n3A_1123, %select_n3A_1165 : vector<16xi1>, vector<16xi32>
        %min3A_1167 = arith.minimumf %max3A_1151, %min3A_1128 : vector<16xf32>
        %select_n3A_1168 = arith.select %lt3A_1156, %add3A_1155, %select_n3A_1129 : vector<16xi1>, vector<16xi32>
        %slice3A_1169 = vector.extract_strided_slice %get3A_925 {offsets = [6], sizes = [1], strides = [1]} : vector<16xf32> to vector<1xf32>
        %squeeze3A_1170 = vector.extract %slice3A_1169[0] : f32 from vector<1xf32>
        %mul3A_1171 = vector.broadcast %squeeze3A_1170 : f32 to vector<16xf32>
        %mul3A_1172 = arith.mulf %bitcast_convert_type3A_74, %mul3A_1171 : vector<16xf32>
        %slice3A_1173 = vector.extract_strided_slice %get3A_928 {offsets = [6], sizes = [1], strides = [1]} : vector<16xf32> to vector<1xf32>
        %squeeze3A_1174 = vector.extract %slice3A_1173[0] : f32 from vector<1xf32>
        %mul3A_1175 = vector.broadcast %squeeze3A_1174 : f32 to vector<16xf32>
        %mul3A_1176 = arith.mulf %bitcast_convert_type3A_89, %mul3A_1175 : vector<16xf32>
        %add3A_1177 = arith.addf %mul3A_1172, %mul3A_1176 : vector<16xf32>
        %slice3A_1178 = vector.extract_strided_slice %get3A_931 {offsets = [6], sizes = [1], strides = [1]} : vector<16xf32> to vector<1xf32>
        %squeeze3A_1179 = vector.extract %slice3A_1178[0] : f32 from vector<1xf32>
        %mul3A_1180 = vector.broadcast %squeeze3A_1179 : f32 to vector<16xf32>
        %mul3A_1181 = arith.mulf %bitcast_convert_type3A_104, %mul3A_1180 : vector<16xf32>
        %add3A_1182 = arith.addf %add3A_1177, %mul3A_1181 : vector<16xf32>
        %slice3A_1183 = vector.extract_strided_slice %get3A_934 {offsets = [6], sizes = [1], strides = [1]} : vector<16xf32> to vector<1xf32>
        %squeeze3A_1184 = vector.extract %slice3A_1183[0] : f32 from vector<1xf32>
        %add3A_1185 = vector.broadcast %squeeze3A_1184 : f32 to vector<16xf32>
        %add3A_1186 = arith.addf %add3A_109, %add3A_1185 : vector<16xf32>
        %sub3A_1187 = arith.subf %add3A_1186, %add3A_1182 : vector<16xf32>
        %max3A_1188 = arith.constant 0.000000e+00 : f32
        %max3A_1189 = vector.broadcast %max3A_1188 : f32 to vector<16xf32>
        %max3A_1190 = arith.maximumf %sub3A_1187, %max3A_1189 : vector<16xf32>
        %add3A_1191 = arith.constant 6 : i32
        %add3A_1192 = arith.addi %add3A_922, %add3A_1191 : i32
        %add3A_1193 = vector.broadcast %add3A_1192 : i32 to vector<16xi32>
        %add3A_1194 = arith.addi %broadcast_in_dim3A_40, %add3A_1193 : vector<16xi32>
        %lt3A_1195 = arith.cmpf olt, %max3A_1190, %min3A_1167 : vector<16xf32>
        %lt3A_1196 = arith.cmpf olt, %max3A_1190, %select_n3A_1160 : vector<16xf32>
        %lt3A_1197 = arith.cmpf olt, %max3A_1190, %select_n3A_1164 : vector<16xf32>
        %min3A_1198 = arith.minimumf %max3A_1190, %select_n3A_1160 : vector<16xf32>
        %select_n3A_1199 = arith.select %lt3A_1195, %min3A_1167, %min3A_1198 : vector<16xi1>, vector<16xf32>
        %select_n3A_1200 = arith.select %lt3A_1196, %add3A_1194, %select_n3A_1162 : vector<16xi1>, vector<16xi32>
        %select_n3A_1201 = arith.select %lt3A_1195, %select_n3A_1168, %select_n3A_1200 : vector<16xi1>, vector<16xi32>
        %min3A_1202 = arith.minimumf %max3A_1190, %select_n3A_1164 : vector<16xf32>
        %select_n3A_1203 = arith.select %lt3A_1196, %select_n3A_1160, %min3A_1202 : vector<16xi1>, vector<16xf32>
        %select_n3A_1204 = arith.select %lt3A_1197, %add3A_1194, %select_n3A_1166 : vector<16xi1>, vector<16xi32>
        %select_n3A_1205 = arith.select %lt3A_1196, %select_n3A_1162, %select_n3A_1204 : vector<16xi1>, vector<16xi32>
        %min3A_1206 = arith.minimumf %max3A_1190, %min3A_1167 : vector<16xf32>
        %select_n3A_1207 = arith.select %lt3A_1195, %add3A_1194, %select_n3A_1168 : vector<16xi1>, vector<16xi32>
        %slice3A_1208 = vector.extract_strided_slice %get3A_925 {offsets = [7], sizes = [1], strides = [1]} : vector<16xf32> to vector<1xf32>
        %squeeze3A_1209 = vector.extract %slice3A_1208[0] : f32 from vector<1xf32>
        %mul3A_1210 = vector.broadcast %squeeze3A_1209 : f32 to vector<16xf32>
        %mul3A_1211 = arith.mulf %bitcast_convert_type3A_74, %mul3A_1210 : vector<16xf32>
        %slice3A_1212 = vector.extract_strided_slice %get3A_928 {offsets = [7], sizes = [1], strides = [1]} : vector<16xf32> to vector<1xf32>
        %squeeze3A_1213 = vector.extract %slice3A_1212[0] : f32 from vector<1xf32>
        %mul3A_1214 = vector.broadcast %squeeze3A_1213 : f32 to vector<16xf32>
        %mul3A_1215 = arith.mulf %bitcast_convert_type3A_89, %mul3A_1214 : vector<16xf32>
        %add3A_1216 = arith.addf %mul3A_1211, %mul3A_1215 : vector<16xf32>
        %slice3A_1217 = vector.extract_strided_slice %get3A_931 {offsets = [7], sizes = [1], strides = [1]} : vector<16xf32> to vector<1xf32>
        %squeeze3A_1218 = vector.extract %slice3A_1217[0] : f32 from vector<1xf32>
        %mul3A_1219 = vector.broadcast %squeeze3A_1218 : f32 to vector<16xf32>
        %mul3A_1220 = arith.mulf %bitcast_convert_type3A_104, %mul3A_1219 : vector<16xf32>
        %add3A_1221 = arith.addf %add3A_1216, %mul3A_1220 : vector<16xf32>
        %slice3A_1222 = vector.extract_strided_slice %get3A_934 {offsets = [7], sizes = [1], strides = [1]} : vector<16xf32> to vector<1xf32>
        %squeeze3A_1223 = vector.extract %slice3A_1222[0] : f32 from vector<1xf32>
        %add3A_1224 = vector.broadcast %squeeze3A_1223 : f32 to vector<16xf32>
        %add3A_1225 = arith.addf %add3A_109, %add3A_1224 : vector<16xf32>
        %sub3A_1226 = arith.subf %add3A_1225, %add3A_1221 : vector<16xf32>
        %max3A_1227 = arith.constant 0.000000e+00 : f32
        %max3A_1228 = vector.broadcast %max3A_1227 : f32 to vector<16xf32>
        %max3A_1229 = arith.maximumf %sub3A_1226, %max3A_1228 : vector<16xf32>
        %add3A_1230 = arith.constant 7 : i32
        %add3A_1231 = arith.addi %add3A_922, %add3A_1230 : i32
        %add3A_1232 = vector.broadcast %add3A_1231 : i32 to vector<16xi32>
        %add3A_1233 = arith.addi %broadcast_in_dim3A_40, %add3A_1232 : vector<16xi32>
        %lt3A_1234 = arith.cmpf olt, %max3A_1229, %min3A_1206 : vector<16xf32>
        %lt3A_1235 = arith.cmpf olt, %max3A_1229, %select_n3A_1199 : vector<16xf32>
        %lt3A_1236 = arith.cmpf olt, %max3A_1229, %select_n3A_1203 : vector<16xf32>
        %min3A_1237 = arith.minimumf %max3A_1229, %select_n3A_1199 : vector<16xf32>
        %select_n3A_1238 = arith.select %lt3A_1234, %min3A_1206, %min3A_1237 : vector<16xi1>, vector<16xf32>
        %select_n3A_1239 = arith.select %lt3A_1235, %add3A_1233, %select_n3A_1201 : vector<16xi1>, vector<16xi32>
        %select_n3A_1240 = arith.select %lt3A_1234, %select_n3A_1207, %select_n3A_1239 : vector<16xi1>, vector<16xi32>
        %min3A_1241 = arith.minimumf %max3A_1229, %select_n3A_1203 : vector<16xf32>
        %select_n3A_1242 = arith.select %lt3A_1235, %select_n3A_1199, %min3A_1241 : vector<16xi1>, vector<16xf32>
        %select_n3A_1243 = arith.select %lt3A_1236, %add3A_1233, %select_n3A_1205 : vector<16xi1>, vector<16xi32>
        %select_n3A_1244 = arith.select %lt3A_1235, %select_n3A_1201, %select_n3A_1243 : vector<16xi1>, vector<16xi32>
        %min3A_1245 = arith.minimumf %max3A_1229, %min3A_1206 : vector<16xf32>
        %select_n3A_1246 = arith.select %lt3A_1234, %add3A_1233, %select_n3A_1207 : vector<16xi1>, vector<16xi32>
        %slice3A_1247 = vector.extract_strided_slice %get3A_925 {offsets = [8], sizes = [1], strides = [1]} : vector<16xf32> to vector<1xf32>
        %squeeze3A_1248 = vector.extract %slice3A_1247[0] : f32 from vector<1xf32>
        %mul3A_1249 = vector.broadcast %squeeze3A_1248 : f32 to vector<16xf32>
        %mul3A_1250 = arith.mulf %bitcast_convert_type3A_74, %mul3A_1249 : vector<16xf32>
        %slice3A_1251 = vector.extract_strided_slice %get3A_928 {offsets = [8], sizes = [1], strides = [1]} : vector<16xf32> to vector<1xf32>
        %squeeze3A_1252 = vector.extract %slice3A_1251[0] : f32 from vector<1xf32>
        %mul3A_1253 = vector.broadcast %squeeze3A_1252 : f32 to vector<16xf32>
        %mul3A_1254 = arith.mulf %bitcast_convert_type3A_89, %mul3A_1253 : vector<16xf32>
        %add3A_1255 = arith.addf %mul3A_1250, %mul3A_1254 : vector<16xf32>
        %slice3A_1256 = vector.extract_strided_slice %get3A_931 {offsets = [8], sizes = [1], strides = [1]} : vector<16xf32> to vector<1xf32>
        %squeeze3A_1257 = vector.extract %slice3A_1256[0] : f32 from vector<1xf32>
        %mul3A_1258 = vector.broadcast %squeeze3A_1257 : f32 to vector<16xf32>
        %mul3A_1259 = arith.mulf %bitcast_convert_type3A_104, %mul3A_1258 : vector<16xf32>
        %add3A_1260 = arith.addf %add3A_1255, %mul3A_1259 : vector<16xf32>
        %slice3A_1261 = vector.extract_strided_slice %get3A_934 {offsets = [8], sizes = [1], strides = [1]} : vector<16xf32> to vector<1xf32>
        %squeeze3A_1262 = vector.extract %slice3A_1261[0] : f32 from vector<1xf32>
        %add3A_1263 = vector.broadcast %squeeze3A_1262 : f32 to vector<16xf32>
        %add3A_1264 = arith.addf %add3A_109, %add3A_1263 : vector<16xf32>
        %sub3A_1265 = arith.subf %add3A_1264, %add3A_1260 : vector<16xf32>
        %max3A_1266 = arith.constant 0.000000e+00 : f32
        %max3A_1267 = vector.broadcast %max3A_1266 : f32 to vector<16xf32>
        %max3A_1268 = arith.maximumf %sub3A_1265, %max3A_1267 : vector<16xf32>
        %add3A_1269 = arith.constant 8 : i32
        %add3A_1270 = arith.addi %add3A_922, %add3A_1269 : i32
        %add3A_1271 = vector.broadcast %add3A_1270 : i32 to vector<16xi32>
        %add3A_1272 = arith.addi %broadcast_in_dim3A_40, %add3A_1271 : vector<16xi32>
        %lt3A_1273 = arith.cmpf olt, %max3A_1268, %min3A_1245 : vector<16xf32>
        %lt3A_1274 = arith.cmpf olt, %max3A_1268, %select_n3A_1238 : vector<16xf32>
        %lt3A_1275 = arith.cmpf olt, %max3A_1268, %select_n3A_1242 : vector<16xf32>
        %min3A_1276 = arith.minimumf %max3A_1268, %select_n3A_1238 : vector<16xf32>
        %select_n3A_1277 = arith.select %lt3A_1273, %min3A_1245, %min3A_1276 : vector<16xi1>, vector<16xf32>
        %select_n3A_1278 = arith.select %lt3A_1274, %add3A_1272, %select_n3A_1240 : vector<16xi1>, vector<16xi32>
        %select_n3A_1279 = arith.select %lt3A_1273, %select_n3A_1246, %select_n3A_1278 : vector<16xi1>, vector<16xi32>
        %min3A_1280 = arith.minimumf %max3A_1268, %select_n3A_1242 : vector<16xf32>
        %select_n3A_1281 = arith.select %lt3A_1274, %select_n3A_1238, %min3A_1280 : vector<16xi1>, vector<16xf32>
        %select_n3A_1282 = arith.select %lt3A_1275, %add3A_1272, %select_n3A_1244 : vector<16xi1>, vector<16xi32>
        %select_n3A_1283 = arith.select %lt3A_1274, %select_n3A_1240, %select_n3A_1282 : vector<16xi1>, vector<16xi32>
        %min3A_1284 = arith.minimumf %max3A_1268, %min3A_1245 : vector<16xf32>
        %select_n3A_1285 = arith.select %lt3A_1273, %add3A_1272, %select_n3A_1246 : vector<16xi1>, vector<16xi32>
        %slice3A_1286 = vector.extract_strided_slice %get3A_925 {offsets = [9], sizes = [1], strides = [1]} : vector<16xf32> to vector<1xf32>
        %squeeze3A_1287 = vector.extract %slice3A_1286[0] : f32 from vector<1xf32>
        %mul3A_1288 = vector.broadcast %squeeze3A_1287 : f32 to vector<16xf32>
        %mul3A_1289 = arith.mulf %bitcast_convert_type3A_74, %mul3A_1288 : vector<16xf32>
        %slice3A_1290 = vector.extract_strided_slice %get3A_928 {offsets = [9], sizes = [1], strides = [1]} : vector<16xf32> to vector<1xf32>
        %squeeze3A_1291 = vector.extract %slice3A_1290[0] : f32 from vector<1xf32>
        %mul3A_1292 = vector.broadcast %squeeze3A_1291 : f32 to vector<16xf32>
        %mul3A_1293 = arith.mulf %bitcast_convert_type3A_89, %mul3A_1292 : vector<16xf32>
        %add3A_1294 = arith.addf %mul3A_1289, %mul3A_1293 : vector<16xf32>
        %slice3A_1295 = vector.extract_strided_slice %get3A_931 {offsets = [9], sizes = [1], strides = [1]} : vector<16xf32> to vector<1xf32>
        %squeeze3A_1296 = vector.extract %slice3A_1295[0] : f32 from vector<1xf32>
        %mul3A_1297 = vector.broadcast %squeeze3A_1296 : f32 to vector<16xf32>
        %mul3A_1298 = arith.mulf %bitcast_convert_type3A_104, %mul3A_1297 : vector<16xf32>
        %add3A_1299 = arith.addf %add3A_1294, %mul3A_1298 : vector<16xf32>
        %slice3A_1300 = vector.extract_strided_slice %get3A_934 {offsets = [9], sizes = [1], strides = [1]} : vector<16xf32> to vector<1xf32>
        %squeeze3A_1301 = vector.extract %slice3A_1300[0] : f32 from vector<1xf32>
        %add3A_1302 = vector.broadcast %squeeze3A_1301 : f32 to vector<16xf32>
        %add3A_1303 = arith.addf %add3A_109, %add3A_1302 : vector<16xf32>
        %sub3A_1304 = arith.subf %add3A_1303, %add3A_1299 : vector<16xf32>
        %max3A_1305 = arith.constant 0.000000e+00 : f32
        %max3A_1306 = vector.broadcast %max3A_1305 : f32 to vector<16xf32>
        %max3A_1307 = arith.maximumf %sub3A_1304, %max3A_1306 : vector<16xf32>
        %add3A_1308 = arith.constant 9 : i32
        %add3A_1309 = arith.addi %add3A_922, %add3A_1308 : i32
        %add3A_1310 = vector.broadcast %add3A_1309 : i32 to vector<16xi32>
        %add3A_1311 = arith.addi %broadcast_in_dim3A_40, %add3A_1310 : vector<16xi32>
        %lt3A_1312 = arith.cmpf olt, %max3A_1307, %min3A_1284 : vector<16xf32>
        %lt3A_1313 = arith.cmpf olt, %max3A_1307, %select_n3A_1277 : vector<16xf32>
        %lt3A_1314 = arith.cmpf olt, %max3A_1307, %select_n3A_1281 : vector<16xf32>
        %min3A_1315 = arith.minimumf %max3A_1307, %select_n3A_1277 : vector<16xf32>
        %select_n3A_1316 = arith.select %lt3A_1312, %min3A_1284, %min3A_1315 : vector<16xi1>, vector<16xf32>
        %select_n3A_1317 = arith.select %lt3A_1313, %add3A_1311, %select_n3A_1279 : vector<16xi1>, vector<16xi32>
        %select_n3A_1318 = arith.select %lt3A_1312, %select_n3A_1285, %select_n3A_1317 : vector<16xi1>, vector<16xi32>
        %min3A_1319 = arith.minimumf %max3A_1307, %select_n3A_1281 : vector<16xf32>
        %select_n3A_1320 = arith.select %lt3A_1313, %select_n3A_1277, %min3A_1319 : vector<16xi1>, vector<16xf32>
        %select_n3A_1321 = arith.select %lt3A_1314, %add3A_1311, %select_n3A_1283 : vector<16xi1>, vector<16xi32>
        %select_n3A_1322 = arith.select %lt3A_1313, %select_n3A_1279, %select_n3A_1321 : vector<16xi1>, vector<16xi32>
        %min3A_1323 = arith.minimumf %max3A_1307, %min3A_1284 : vector<16xf32>
        %select_n3A_1324 = arith.select %lt3A_1312, %add3A_1311, %select_n3A_1285 : vector<16xi1>, vector<16xi32>
        %slice3A_1325 = vector.extract_strided_slice %get3A_925 {offsets = [10], sizes = [1], strides = [1]} : vector<16xf32> to vector<1xf32>
        %squeeze3A_1326 = vector.extract %slice3A_1325[0] : f32 from vector<1xf32>
        %mul3A_1327 = vector.broadcast %squeeze3A_1326 : f32 to vector<16xf32>
        %mul3A_1328 = arith.mulf %bitcast_convert_type3A_74, %mul3A_1327 : vector<16xf32>
        %slice3A_1329 = vector.extract_strided_slice %get3A_928 {offsets = [10], sizes = [1], strides = [1]} : vector<16xf32> to vector<1xf32>
        %squeeze3A_1330 = vector.extract %slice3A_1329[0] : f32 from vector<1xf32>
        %mul3A_1331 = vector.broadcast %squeeze3A_1330 : f32 to vector<16xf32>
        %mul3A_1332 = arith.mulf %bitcast_convert_type3A_89, %mul3A_1331 : vector<16xf32>
        %add3A_1333 = arith.addf %mul3A_1328, %mul3A_1332 : vector<16xf32>
        %slice3A_1334 = vector.extract_strided_slice %get3A_931 {offsets = [10], sizes = [1], strides = [1]} : vector<16xf32> to vector<1xf32>
        %squeeze3A_1335 = vector.extract %slice3A_1334[0] : f32 from vector<1xf32>
        %mul3A_1336 = vector.broadcast %squeeze3A_1335 : f32 to vector<16xf32>
        %mul3A_1337 = arith.mulf %bitcast_convert_type3A_104, %mul3A_1336 : vector<16xf32>
        %add3A_1338 = arith.addf %add3A_1333, %mul3A_1337 : vector<16xf32>
        %slice3A_1339 = vector.extract_strided_slice %get3A_934 {offsets = [10], sizes = [1], strides = [1]} : vector<16xf32> to vector<1xf32>
        %squeeze3A_1340 = vector.extract %slice3A_1339[0] : f32 from vector<1xf32>
        %add3A_1341 = vector.broadcast %squeeze3A_1340 : f32 to vector<16xf32>
        %add3A_1342 = arith.addf %add3A_109, %add3A_1341 : vector<16xf32>
        %sub3A_1343 = arith.subf %add3A_1342, %add3A_1338 : vector<16xf32>
        %max3A_1344 = arith.constant 0.000000e+00 : f32
        %max3A_1345 = vector.broadcast %max3A_1344 : f32 to vector<16xf32>
        %max3A_1346 = arith.maximumf %sub3A_1343, %max3A_1345 : vector<16xf32>
        %add3A_1347 = arith.constant 10 : i32
        %add3A_1348 = arith.addi %add3A_922, %add3A_1347 : i32
        %add3A_1349 = vector.broadcast %add3A_1348 : i32 to vector<16xi32>
        %add3A_1350 = arith.addi %broadcast_in_dim3A_40, %add3A_1349 : vector<16xi32>
        %lt3A_1351 = arith.cmpf olt, %max3A_1346, %min3A_1323 : vector<16xf32>
        %lt3A_1352 = arith.cmpf olt, %max3A_1346, %select_n3A_1316 : vector<16xf32>
        %lt3A_1353 = arith.cmpf olt, %max3A_1346, %select_n3A_1320 : vector<16xf32>
        %min3A_1354 = arith.minimumf %max3A_1346, %select_n3A_1316 : vector<16xf32>
        %select_n3A_1355 = arith.select %lt3A_1351, %min3A_1323, %min3A_1354 : vector<16xi1>, vector<16xf32>
        %select_n3A_1356 = arith.select %lt3A_1352, %add3A_1350, %select_n3A_1318 : vector<16xi1>, vector<16xi32>
        %select_n3A_1357 = arith.select %lt3A_1351, %select_n3A_1324, %select_n3A_1356 : vector<16xi1>, vector<16xi32>
        %min3A_1358 = arith.minimumf %max3A_1346, %select_n3A_1320 : vector<16xf32>
        %select_n3A_1359 = arith.select %lt3A_1352, %select_n3A_1316, %min3A_1358 : vector<16xi1>, vector<16xf32>
        %select_n3A_1360 = arith.select %lt3A_1353, %add3A_1350, %select_n3A_1322 : vector<16xi1>, vector<16xi32>
        %select_n3A_1361 = arith.select %lt3A_1352, %select_n3A_1318, %select_n3A_1360 : vector<16xi1>, vector<16xi32>
        %min3A_1362 = arith.minimumf %max3A_1346, %min3A_1323 : vector<16xf32>
        %select_n3A_1363 = arith.select %lt3A_1351, %add3A_1350, %select_n3A_1324 : vector<16xi1>, vector<16xi32>
        %slice3A_1364 = vector.extract_strided_slice %get3A_925 {offsets = [11], sizes = [1], strides = [1]} : vector<16xf32> to vector<1xf32>
        %squeeze3A_1365 = vector.extract %slice3A_1364[0] : f32 from vector<1xf32>
        %mul3A_1366 = vector.broadcast %squeeze3A_1365 : f32 to vector<16xf32>
        %mul3A_1367 = arith.mulf %bitcast_convert_type3A_74, %mul3A_1366 : vector<16xf32>
        %slice3A_1368 = vector.extract_strided_slice %get3A_928 {offsets = [11], sizes = [1], strides = [1]} : vector<16xf32> to vector<1xf32>
        %squeeze3A_1369 = vector.extract %slice3A_1368[0] : f32 from vector<1xf32>
        %mul3A_1370 = vector.broadcast %squeeze3A_1369 : f32 to vector<16xf32>
        %mul3A_1371 = arith.mulf %bitcast_convert_type3A_89, %mul3A_1370 : vector<16xf32>
        %add3A_1372 = arith.addf %mul3A_1367, %mul3A_1371 : vector<16xf32>
        %slice3A_1373 = vector.extract_strided_slice %get3A_931 {offsets = [11], sizes = [1], strides = [1]} : vector<16xf32> to vector<1xf32>
        %squeeze3A_1374 = vector.extract %slice3A_1373[0] : f32 from vector<1xf32>
        %mul3A_1375 = vector.broadcast %squeeze3A_1374 : f32 to vector<16xf32>
        %mul3A_1376 = arith.mulf %bitcast_convert_type3A_104, %mul3A_1375 : vector<16xf32>
        %add3A_1377 = arith.addf %add3A_1372, %mul3A_1376 : vector<16xf32>
        %slice3A_1378 = vector.extract_strided_slice %get3A_934 {offsets = [11], sizes = [1], strides = [1]} : vector<16xf32> to vector<1xf32>
        %squeeze3A_1379 = vector.extract %slice3A_1378[0] : f32 from vector<1xf32>
        %add3A_1380 = vector.broadcast %squeeze3A_1379 : f32 to vector<16xf32>
        %add3A_1381 = arith.addf %add3A_109, %add3A_1380 : vector<16xf32>
        %sub3A_1382 = arith.subf %add3A_1381, %add3A_1377 : vector<16xf32>
        %max3A_1383 = arith.constant 0.000000e+00 : f32
        %max3A_1384 = vector.broadcast %max3A_1383 : f32 to vector<16xf32>
        %max3A_1385 = arith.maximumf %sub3A_1382, %max3A_1384 : vector<16xf32>
        %add3A_1386 = arith.constant 11 : i32
        %add3A_1387 = arith.addi %add3A_922, %add3A_1386 : i32
        %add3A_1388 = vector.broadcast %add3A_1387 : i32 to vector<16xi32>
        %add3A_1389 = arith.addi %broadcast_in_dim3A_40, %add3A_1388 : vector<16xi32>
        %lt3A_1390 = arith.cmpf olt, %max3A_1385, %min3A_1362 : vector<16xf32>
        %lt3A_1391 = arith.cmpf olt, %max3A_1385, %select_n3A_1355 : vector<16xf32>
        %lt3A_1392 = arith.cmpf olt, %max3A_1385, %select_n3A_1359 : vector<16xf32>
        %min3A_1393 = arith.minimumf %max3A_1385, %select_n3A_1355 : vector<16xf32>
        %select_n3A_1394 = arith.select %lt3A_1390, %min3A_1362, %min3A_1393 : vector<16xi1>, vector<16xf32>
        %select_n3A_1395 = arith.select %lt3A_1391, %add3A_1389, %select_n3A_1357 : vector<16xi1>, vector<16xi32>
        %select_n3A_1396 = arith.select %lt3A_1390, %select_n3A_1363, %select_n3A_1395 : vector<16xi1>, vector<16xi32>
        %min3A_1397 = arith.minimumf %max3A_1385, %select_n3A_1359 : vector<16xf32>
        %select_n3A_1398 = arith.select %lt3A_1391, %select_n3A_1355, %min3A_1397 : vector<16xi1>, vector<16xf32>
        %select_n3A_1399 = arith.select %lt3A_1392, %add3A_1389, %select_n3A_1361 : vector<16xi1>, vector<16xi32>
        %select_n3A_1400 = arith.select %lt3A_1391, %select_n3A_1357, %select_n3A_1399 : vector<16xi1>, vector<16xi32>
        %min3A_1401 = arith.minimumf %max3A_1385, %min3A_1362 : vector<16xf32>
        %select_n3A_1402 = arith.select %lt3A_1390, %add3A_1389, %select_n3A_1363 : vector<16xi1>, vector<16xi32>
        %slice3A_1403 = vector.extract_strided_slice %get3A_925 {offsets = [12], sizes = [1], strides = [1]} : vector<16xf32> to vector<1xf32>
        %squeeze3A_1404 = vector.extract %slice3A_1403[0] : f32 from vector<1xf32>
        %mul3A_1405 = vector.broadcast %squeeze3A_1404 : f32 to vector<16xf32>
        %mul3A_1406 = arith.mulf %bitcast_convert_type3A_74, %mul3A_1405 : vector<16xf32>
        %slice3A_1407 = vector.extract_strided_slice %get3A_928 {offsets = [12], sizes = [1], strides = [1]} : vector<16xf32> to vector<1xf32>
        %squeeze3A_1408 = vector.extract %slice3A_1407[0] : f32 from vector<1xf32>
        %mul3A_1409 = vector.broadcast %squeeze3A_1408 : f32 to vector<16xf32>
        %mul3A_1410 = arith.mulf %bitcast_convert_type3A_89, %mul3A_1409 : vector<16xf32>
        %add3A_1411 = arith.addf %mul3A_1406, %mul3A_1410 : vector<16xf32>
        %slice3A_1412 = vector.extract_strided_slice %get3A_931 {offsets = [12], sizes = [1], strides = [1]} : vector<16xf32> to vector<1xf32>
        %squeeze3A_1413 = vector.extract %slice3A_1412[0] : f32 from vector<1xf32>
        %mul3A_1414 = vector.broadcast %squeeze3A_1413 : f32 to vector<16xf32>
        %mul3A_1415 = arith.mulf %bitcast_convert_type3A_104, %mul3A_1414 : vector<16xf32>
        %add3A_1416 = arith.addf %add3A_1411, %mul3A_1415 : vector<16xf32>
        %slice3A_1417 = vector.extract_strided_slice %get3A_934 {offsets = [12], sizes = [1], strides = [1]} : vector<16xf32> to vector<1xf32>
        %squeeze3A_1418 = vector.extract %slice3A_1417[0] : f32 from vector<1xf32>
        %add3A_1419 = vector.broadcast %squeeze3A_1418 : f32 to vector<16xf32>
        %add3A_1420 = arith.addf %add3A_109, %add3A_1419 : vector<16xf32>
        %sub3A_1421 = arith.subf %add3A_1420, %add3A_1416 : vector<16xf32>
        %max3A_1422 = arith.constant 0.000000e+00 : f32
        %max3A_1423 = vector.broadcast %max3A_1422 : f32 to vector<16xf32>
        %max3A_1424 = arith.maximumf %sub3A_1421, %max3A_1423 : vector<16xf32>
        %add3A_1425 = arith.constant 12 : i32
        %add3A_1426 = arith.addi %add3A_922, %add3A_1425 : i32
        %add3A_1427 = vector.broadcast %add3A_1426 : i32 to vector<16xi32>
        %add3A_1428 = arith.addi %broadcast_in_dim3A_40, %add3A_1427 : vector<16xi32>
        %lt3A_1429 = arith.cmpf olt, %max3A_1424, %min3A_1401 : vector<16xf32>
        %lt3A_1430 = arith.cmpf olt, %max3A_1424, %select_n3A_1394 : vector<16xf32>
        %lt3A_1431 = arith.cmpf olt, %max3A_1424, %select_n3A_1398 : vector<16xf32>
        %min3A_1432 = arith.minimumf %max3A_1424, %select_n3A_1394 : vector<16xf32>
        %select_n3A_1433 = arith.select %lt3A_1429, %min3A_1401, %min3A_1432 : vector<16xi1>, vector<16xf32>
        %select_n3A_1434 = arith.select %lt3A_1430, %add3A_1428, %select_n3A_1396 : vector<16xi1>, vector<16xi32>
        %select_n3A_1435 = arith.select %lt3A_1429, %select_n3A_1402, %select_n3A_1434 : vector<16xi1>, vector<16xi32>
        %min3A_1436 = arith.minimumf %max3A_1424, %select_n3A_1398 : vector<16xf32>
        %select_n3A_1437 = arith.select %lt3A_1430, %select_n3A_1394, %min3A_1436 : vector<16xi1>, vector<16xf32>
        %select_n3A_1438 = arith.select %lt3A_1431, %add3A_1428, %select_n3A_1400 : vector<16xi1>, vector<16xi32>
        %select_n3A_1439 = arith.select %lt3A_1430, %select_n3A_1396, %select_n3A_1438 : vector<16xi1>, vector<16xi32>
        %min3A_1440 = arith.minimumf %max3A_1424, %min3A_1401 : vector<16xf32>
        %select_n3A_1441 = arith.select %lt3A_1429, %add3A_1428, %select_n3A_1402 : vector<16xi1>, vector<16xi32>
        %slice3A_1442 = vector.extract_strided_slice %get3A_925 {offsets = [13], sizes = [1], strides = [1]} : vector<16xf32> to vector<1xf32>
        %squeeze3A_1443 = vector.extract %slice3A_1442[0] : f32 from vector<1xf32>
        %mul3A_1444 = vector.broadcast %squeeze3A_1443 : f32 to vector<16xf32>
        %mul3A_1445 = arith.mulf %bitcast_convert_type3A_74, %mul3A_1444 : vector<16xf32>
        %slice3A_1446 = vector.extract_strided_slice %get3A_928 {offsets = [13], sizes = [1], strides = [1]} : vector<16xf32> to vector<1xf32>
        %squeeze3A_1447 = vector.extract %slice3A_1446[0] : f32 from vector<1xf32>
        %mul3A_1448 = vector.broadcast %squeeze3A_1447 : f32 to vector<16xf32>
        %mul3A_1449 = arith.mulf %bitcast_convert_type3A_89, %mul3A_1448 : vector<16xf32>
        %add3A_1450 = arith.addf %mul3A_1445, %mul3A_1449 : vector<16xf32>
        %slice3A_1451 = vector.extract_strided_slice %get3A_931 {offsets = [13], sizes = [1], strides = [1]} : vector<16xf32> to vector<1xf32>
        %squeeze3A_1452 = vector.extract %slice3A_1451[0] : f32 from vector<1xf32>
        %mul3A_1453 = vector.broadcast %squeeze3A_1452 : f32 to vector<16xf32>
        %mul3A_1454 = arith.mulf %bitcast_convert_type3A_104, %mul3A_1453 : vector<16xf32>
        %add3A_1455 = arith.addf %add3A_1450, %mul3A_1454 : vector<16xf32>
        %slice3A_1456 = vector.extract_strided_slice %get3A_934 {offsets = [13], sizes = [1], strides = [1]} : vector<16xf32> to vector<1xf32>
        %squeeze3A_1457 = vector.extract %slice3A_1456[0] : f32 from vector<1xf32>
        %add3A_1458 = vector.broadcast %squeeze3A_1457 : f32 to vector<16xf32>
        %add3A_1459 = arith.addf %add3A_109, %add3A_1458 : vector<16xf32>
        %sub3A_1460 = arith.subf %add3A_1459, %add3A_1455 : vector<16xf32>
        %max3A_1461 = arith.constant 0.000000e+00 : f32
        %max3A_1462 = vector.broadcast %max3A_1461 : f32 to vector<16xf32>
        %max3A_1463 = arith.maximumf %sub3A_1460, %max3A_1462 : vector<16xf32>
        %add3A_1464 = arith.constant 13 : i32
        %add3A_1465 = arith.addi %add3A_922, %add3A_1464 : i32
        %add3A_1466 = vector.broadcast %add3A_1465 : i32 to vector<16xi32>
        %add3A_1467 = arith.addi %broadcast_in_dim3A_40, %add3A_1466 : vector<16xi32>
        %lt3A_1468 = arith.cmpf olt, %max3A_1463, %min3A_1440 : vector<16xf32>
        %lt3A_1469 = arith.cmpf olt, %max3A_1463, %select_n3A_1433 : vector<16xf32>
        %lt3A_1470 = arith.cmpf olt, %max3A_1463, %select_n3A_1437 : vector<16xf32>
        %min3A_1471 = arith.minimumf %max3A_1463, %select_n3A_1433 : vector<16xf32>
        %select_n3A_1472 = arith.select %lt3A_1468, %min3A_1440, %min3A_1471 : vector<16xi1>, vector<16xf32>
        %select_n3A_1473 = arith.select %lt3A_1469, %add3A_1467, %select_n3A_1435 : vector<16xi1>, vector<16xi32>
        %select_n3A_1474 = arith.select %lt3A_1468, %select_n3A_1441, %select_n3A_1473 : vector<16xi1>, vector<16xi32>
        %min3A_1475 = arith.minimumf %max3A_1463, %select_n3A_1437 : vector<16xf32>
        %select_n3A_1476 = arith.select %lt3A_1469, %select_n3A_1433, %min3A_1475 : vector<16xi1>, vector<16xf32>
        %select_n3A_1477 = arith.select %lt3A_1470, %add3A_1467, %select_n3A_1439 : vector<16xi1>, vector<16xi32>
        %select_n3A_1478 = arith.select %lt3A_1469, %select_n3A_1435, %select_n3A_1477 : vector<16xi1>, vector<16xi32>
        %min3A_1479 = arith.minimumf %max3A_1463, %min3A_1440 : vector<16xf32>
        %select_n3A_1480 = arith.select %lt3A_1468, %add3A_1467, %select_n3A_1441 : vector<16xi1>, vector<16xi32>
        %slice3A_1481 = vector.extract_strided_slice %get3A_925 {offsets = [14], sizes = [1], strides = [1]} : vector<16xf32> to vector<1xf32>
        %squeeze3A_1482 = vector.extract %slice3A_1481[0] : f32 from vector<1xf32>
        %mul3A_1483 = vector.broadcast %squeeze3A_1482 : f32 to vector<16xf32>
        %mul3A_1484 = arith.mulf %bitcast_convert_type3A_74, %mul3A_1483 : vector<16xf32>
        %slice3A_1485 = vector.extract_strided_slice %get3A_928 {offsets = [14], sizes = [1], strides = [1]} : vector<16xf32> to vector<1xf32>
        %squeeze3A_1486 = vector.extract %slice3A_1485[0] : f32 from vector<1xf32>
        %mul3A_1487 = vector.broadcast %squeeze3A_1486 : f32 to vector<16xf32>
        %mul3A_1488 = arith.mulf %bitcast_convert_type3A_89, %mul3A_1487 : vector<16xf32>
        %add3A_1489 = arith.addf %mul3A_1484, %mul3A_1488 : vector<16xf32>
        %slice3A_1490 = vector.extract_strided_slice %get3A_931 {offsets = [14], sizes = [1], strides = [1]} : vector<16xf32> to vector<1xf32>
        %squeeze3A_1491 = vector.extract %slice3A_1490[0] : f32 from vector<1xf32>
        %mul3A_1492 = vector.broadcast %squeeze3A_1491 : f32 to vector<16xf32>
        %mul3A_1493 = arith.mulf %bitcast_convert_type3A_104, %mul3A_1492 : vector<16xf32>
        %add3A_1494 = arith.addf %add3A_1489, %mul3A_1493 : vector<16xf32>
        %slice3A_1495 = vector.extract_strided_slice %get3A_934 {offsets = [14], sizes = [1], strides = [1]} : vector<16xf32> to vector<1xf32>
        %squeeze3A_1496 = vector.extract %slice3A_1495[0] : f32 from vector<1xf32>
        %add3A_1497 = vector.broadcast %squeeze3A_1496 : f32 to vector<16xf32>
        %add3A_1498 = arith.addf %add3A_109, %add3A_1497 : vector<16xf32>
        %sub3A_1499 = arith.subf %add3A_1498, %add3A_1494 : vector<16xf32>
        %max3A_1500 = arith.constant 0.000000e+00 : f32
        %max3A_1501 = vector.broadcast %max3A_1500 : f32 to vector<16xf32>
        %max3A_1502 = arith.maximumf %sub3A_1499, %max3A_1501 : vector<16xf32>
        %add3A_1503 = arith.constant 14 : i32
        %add3A_1504 = arith.addi %add3A_922, %add3A_1503 : i32
        %add3A_1505 = vector.broadcast %add3A_1504 : i32 to vector<16xi32>
        %add3A_1506 = arith.addi %broadcast_in_dim3A_40, %add3A_1505 : vector<16xi32>
        %lt3A_1507 = arith.cmpf olt, %max3A_1502, %min3A_1479 : vector<16xf32>
        %lt3A_1508 = arith.cmpf olt, %max3A_1502, %select_n3A_1472 : vector<16xf32>
        %lt3A_1509 = arith.cmpf olt, %max3A_1502, %select_n3A_1476 : vector<16xf32>
        %min3A_1510 = arith.minimumf %max3A_1502, %select_n3A_1472 : vector<16xf32>
        %select_n3A_1511 = arith.select %lt3A_1507, %min3A_1479, %min3A_1510 : vector<16xi1>, vector<16xf32>
        %select_n3A_1512 = arith.select %lt3A_1508, %add3A_1506, %select_n3A_1474 : vector<16xi1>, vector<16xi32>
        %select_n3A_1513 = arith.select %lt3A_1507, %select_n3A_1480, %select_n3A_1512 : vector<16xi1>, vector<16xi32>
        %min3A_1514 = arith.minimumf %max3A_1502, %select_n3A_1476 : vector<16xf32>
        %select_n3A_1515 = arith.select %lt3A_1508, %select_n3A_1472, %min3A_1514 : vector<16xi1>, vector<16xf32>
        %select_n3A_1516 = arith.select %lt3A_1509, %add3A_1506, %select_n3A_1478 : vector<16xi1>, vector<16xi32>
        %select_n3A_1517 = arith.select %lt3A_1508, %select_n3A_1474, %select_n3A_1516 : vector<16xi1>, vector<16xi32>
        %min3A_1518 = arith.minimumf %max3A_1502, %min3A_1479 : vector<16xf32>
        %select_n3A_1519 = arith.select %lt3A_1507, %add3A_1506, %select_n3A_1480 : vector<16xi1>, vector<16xi32>
        %slice3A_1520 = vector.extract_strided_slice %get3A_925 {offsets = [15], sizes = [1], strides = [1]} : vector<16xf32> to vector<1xf32>
        %squeeze3A_1521 = vector.extract %slice3A_1520[0] : f32 from vector<1xf32>
        %mul3A_1522 = vector.broadcast %squeeze3A_1521 : f32 to vector<16xf32>
        %mul3A_1523 = arith.mulf %bitcast_convert_type3A_74, %mul3A_1522 : vector<16xf32>
        %slice3A_1524 = vector.extract_strided_slice %get3A_928 {offsets = [15], sizes = [1], strides = [1]} : vector<16xf32> to vector<1xf32>
        %squeeze3A_1525 = vector.extract %slice3A_1524[0] : f32 from vector<1xf32>
        %mul3A_1526 = vector.broadcast %squeeze3A_1525 : f32 to vector<16xf32>
        %mul3A_1527 = arith.mulf %bitcast_convert_type3A_89, %mul3A_1526 : vector<16xf32>
        %add3A_1528 = arith.addf %mul3A_1523, %mul3A_1527 : vector<16xf32>
        %slice3A_1529 = vector.extract_strided_slice %get3A_931 {offsets = [15], sizes = [1], strides = [1]} : vector<16xf32> to vector<1xf32>
        %squeeze3A_1530 = vector.extract %slice3A_1529[0] : f32 from vector<1xf32>
        %mul3A_1531 = vector.broadcast %squeeze3A_1530 : f32 to vector<16xf32>
        %mul3A_1532 = arith.mulf %bitcast_convert_type3A_104, %mul3A_1531 : vector<16xf32>
        %add3A_1533 = arith.addf %add3A_1528, %mul3A_1532 : vector<16xf32>
        %slice3A_1534 = vector.extract_strided_slice %get3A_934 {offsets = [15], sizes = [1], strides = [1]} : vector<16xf32> to vector<1xf32>
        %squeeze3A_1535 = vector.extract %slice3A_1534[0] : f32 from vector<1xf32>
        %add3A_1536 = vector.broadcast %squeeze3A_1535 : f32 to vector<16xf32>
        %add3A_1537 = arith.addf %add3A_109, %add3A_1536 : vector<16xf32>
        %sub3A_1538 = arith.subf %add3A_1537, %add3A_1533 : vector<16xf32>
        %max3A_1539 = arith.constant 0.000000e+00 : f32
        %max3A_1540 = vector.broadcast %max3A_1539 : f32 to vector<16xf32>
        %max3A_1541 = arith.maximumf %sub3A_1538, %max3A_1540 : vector<16xf32>
        %add3A_1542 = arith.constant 15 : i32
        %add3A_1543 = arith.addi %add3A_922, %add3A_1542 : i32
        %add3A_1544 = vector.broadcast %add3A_1543 : i32 to vector<16xi32>
        %add3A_1545 = arith.addi %broadcast_in_dim3A_40, %add3A_1544 : vector<16xi32>
        %lt3A_1546 = arith.cmpf olt, %max3A_1541, %min3A_1518 : vector<16xf32>
        %lt3A_1547 = arith.cmpf olt, %max3A_1541, %select_n3A_1511 : vector<16xf32>
        %lt3A_1548 = arith.cmpf olt, %max3A_1541, %select_n3A_1515 : vector<16xf32>
        %min3A_1549 = arith.minimumf %max3A_1541, %select_n3A_1511 : vector<16xf32>
        %select_n3A_1550 = arith.select %lt3A_1546, %min3A_1518, %min3A_1549 : vector<16xi1>, vector<16xf32>
        %select_n3A_1551 = arith.select %lt3A_1547, %add3A_1545, %select_n3A_1513 : vector<16xi1>, vector<16xi32>
        %select_n3A_1552 = arith.select %lt3A_1546, %select_n3A_1519, %select_n3A_1551 : vector<16xi1>, vector<16xi32>
        %min3A_1553 = arith.minimumf %max3A_1541, %select_n3A_1515 : vector<16xf32>
        %select_n3A_1554 = arith.select %lt3A_1547, %select_n3A_1511, %min3A_1553 : vector<16xi1>, vector<16xf32>
        %select_n3A_1555 = arith.select %lt3A_1548, %add3A_1545, %select_n3A_1517 : vector<16xi1>, vector<16xi32>
        %select_n3A_1556 = arith.select %lt3A_1547, %select_n3A_1513, %select_n3A_1555 : vector<16xi1>, vector<16xi32>
        %min3A_1557 = arith.minimumf %max3A_1541, %min3A_1518 : vector<16xf32>
        %select_n3A_1558 = arith.select %lt3A_1546, %add3A_1545, %select_n3A_1519 : vector<16xi1>, vector<16xi32>
        scf.yield %min3A_1557, %select_n3A_1550, %select_n3A_1554, %select_n3A_1558, %select_n3A_1552, %select_n3A_1556 : vector<16xf32>, vector<16xf32>, vector<16xf32>, vector<16xi32>, vector<16xi32>, vector<16xi32>
      }
      %scan3A_115 = arith.constant 64 : i32
      %max3A = arith.constant 0.000000e+00 : f32
      %max3A_116 = vector.broadcast %max3A : f32 to vector<16xf32>
      %max3A_117 = arith.maximumf %scan3A_114#0, %max3A_116 : vector<16xf32>
      %lt3A_118 = arith.constant 9.99999968E-21 : f32
      %lt3A_119 = vector.broadcast %lt3A_118 : f32 to vector<16xf32>
      %lt3A_120 = arith.cmpf olt, %max3A_117, %lt3A_119 : vector<16xf32>
      %bitcast_convert_type3A_121 = tpu.bitcast %max3A_117 : vector<16xf32> -> vector<16xi32>
      %shift_right_logical3A_122 = arith.constant 1 : i32
      %shift_right_logical3A_123 = vector.broadcast %shift_right_logical3A_122 : i32 to vector<16xi32>
      %shift_right_logical3A_124 = arith.shrui %bitcast_convert_type3A_121, %shift_right_logical3A_123 : vector<16xi32>
      %sub3A_125 = arith.constant 1597463007 : i32
      %sub3A_126 = vector.broadcast %sub3A_125 : i32 to vector<16xi32>
      %sub3A_127 = arith.subi %sub3A_126, %shift_right_logical3A_124 : vector<16xi32>
      %bitcast_convert_type3A_128 = tpu.bitcast %sub3A_127 : vector<16xi32> -> vector<16xf32>
      %mul3A_129 = arith.constant 5.000000e-01 : f32
      %mul3A_130 = vector.broadcast %mul3A_129 : f32 to vector<16xf32>
      %mul3A_131 = arith.mulf %mul3A_130, %max3A_117 : vector<16xf32>
      %mul3A_132 = arith.mulf %mul3A_131, %bitcast_convert_type3A_128 : vector<16xf32>
      %mul3A_133 = arith.mulf %mul3A_132, %bitcast_convert_type3A_128 : vector<16xf32>
      %sub3A_134 = arith.constant 1.500000e+00 : f32
      %sub3A_135 = vector.broadcast %sub3A_134 : f32 to vector<16xf32>
      %sub3A_136 = arith.subf %sub3A_135, %mul3A_133 : vector<16xf32>
      %mul3A_137 = arith.mulf %bitcast_convert_type3A_128, %sub3A_136 : vector<16xf32>
      %mul3A_138 = arith.constant 5.000000e-01 : f32
      %mul3A_139 = vector.broadcast %mul3A_138 : f32 to vector<16xf32>
      %mul3A_140 = arith.mulf %mul3A_139, %max3A_117 : vector<16xf32>
      %mul3A_141 = arith.mulf %mul3A_140, %mul3A_137 : vector<16xf32>
      %mul3A_142 = arith.mulf %mul3A_141, %mul3A_137 : vector<16xf32>
      %sub3A_143 = arith.constant 1.500000e+00 : f32
      %sub3A_144 = vector.broadcast %sub3A_143 : f32 to vector<16xf32>
      %sub3A_145 = arith.subf %sub3A_144, %mul3A_142 : vector<16xf32>
      %mul3A_146 = arith.mulf %mul3A_137, %sub3A_145 : vector<16xf32>
      %mul3A_147 = arith.constant 5.000000e-01 : f32
      %mul3A_148 = vector.broadcast %mul3A_147 : f32 to vector<16xf32>
      %mul3A_149 = arith.mulf %mul3A_148, %max3A_117 : vector<16xf32>
      %mul3A_150 = arith.mulf %mul3A_149, %mul3A_146 : vector<16xf32>
      %mul3A_151 = arith.mulf %mul3A_150, %mul3A_146 : vector<16xf32>
      %sub3A_152 = arith.constant 1.500000e+00 : f32
      %sub3A_153 = vector.broadcast %sub3A_152 : f32 to vector<16xf32>
      %sub3A_154 = arith.subf %sub3A_153, %mul3A_151 : vector<16xf32>
      %mul3A_155 = arith.mulf %mul3A_146, %sub3A_154 : vector<16xf32>
      %jit3A_156 = arith.constant 1.000000e+10 : f32
      %broadcast_in_dim3A_157 = vector.broadcast %jit3A_156 : f32 to vector<16xf32>
      %select_n3A_158 = arith.select %lt3A_120, %broadcast_in_dim3A_157, %mul3A_155 : vector<16xi1>, vector<16xf32>
      %max3A_159 = arith.constant 0.000000e+00 : f32
      %max3A_160 = vector.broadcast %max3A_159 : f32 to vector<16xf32>
      %max3A_161 = arith.maximumf %scan3A_114#1, %max3A_160 : vector<16xf32>
      %lt3A_162 = arith.constant 9.99999968E-21 : f32
      %lt3A_163 = vector.broadcast %lt3A_162 : f32 to vector<16xf32>
      %lt3A_164 = arith.cmpf olt, %max3A_161, %lt3A_163 : vector<16xf32>
      %bitcast_convert_type3A_165 = tpu.bitcast %max3A_161 : vector<16xf32> -> vector<16xi32>
      %shift_right_logical3A_166 = arith.constant 1 : i32
      %shift_right_logical3A_167 = vector.broadcast %shift_right_logical3A_166 : i32 to vector<16xi32>
      %shift_right_logical3A_168 = arith.shrui %bitcast_convert_type3A_165, %shift_right_logical3A_167 : vector<16xi32>
      %sub3A_169 = arith.constant 1597463007 : i32
      %sub3A_170 = vector.broadcast %sub3A_169 : i32 to vector<16xi32>
      %sub3A_171 = arith.subi %sub3A_170, %shift_right_logical3A_168 : vector<16xi32>
      %bitcast_convert_type3A_172 = tpu.bitcast %sub3A_171 : vector<16xi32> -> vector<16xf32>
      %mul3A_173 = arith.constant 5.000000e-01 : f32
      %mul3A_174 = vector.broadcast %mul3A_173 : f32 to vector<16xf32>
      %mul3A_175 = arith.mulf %mul3A_174, %max3A_161 : vector<16xf32>
      %mul3A_176 = arith.mulf %mul3A_175, %bitcast_convert_type3A_172 : vector<16xf32>
      %mul3A_177 = arith.mulf %mul3A_176, %bitcast_convert_type3A_172 : vector<16xf32>
      %sub3A_178 = arith.constant 1.500000e+00 : f32
      %sub3A_179 = vector.broadcast %sub3A_178 : f32 to vector<16xf32>
      %sub3A_180 = arith.subf %sub3A_179, %mul3A_177 : vector<16xf32>
      %mul3A_181 = arith.mulf %bitcast_convert_type3A_172, %sub3A_180 : vector<16xf32>
      %mul3A_182 = arith.constant 5.000000e-01 : f32
      %mul3A_183 = vector.broadcast %mul3A_182 : f32 to vector<16xf32>
      %mul3A_184 = arith.mulf %mul3A_183, %max3A_161 : vector<16xf32>
      %mul3A_185 = arith.mulf %mul3A_184, %mul3A_181 : vector<16xf32>
      %mul3A_186 = arith.mulf %mul3A_185, %mul3A_181 : vector<16xf32>
      %sub3A_187 = arith.constant 1.500000e+00 : f32
      %sub3A_188 = vector.broadcast %sub3A_187 : f32 to vector<16xf32>
      %sub3A_189 = arith.subf %sub3A_188, %mul3A_186 : vector<16xf32>
      %mul3A_190 = arith.mulf %mul3A_181, %sub3A_189 : vector<16xf32>
      %mul3A_191 = arith.constant 5.000000e-01 : f32
      %mul3A_192 = vector.broadcast %mul3A_191 : f32 to vector<16xf32>
      %mul3A_193 = arith.mulf %mul3A_192, %max3A_161 : vector<16xf32>
      %mul3A_194 = arith.mulf %mul3A_193, %mul3A_190 : vector<16xf32>
      %mul3A_195 = arith.mulf %mul3A_194, %mul3A_190 : vector<16xf32>
      %sub3A_196 = arith.constant 1.500000e+00 : f32
      %sub3A_197 = vector.broadcast %sub3A_196 : f32 to vector<16xf32>
      %sub3A_198 = arith.subf %sub3A_197, %mul3A_195 : vector<16xf32>
      %mul3A_199 = arith.mulf %mul3A_190, %sub3A_198 : vector<16xf32>
      %jit3A_200 = arith.constant 1.000000e+10 : f32
      %broadcast_in_dim3A_201 = vector.broadcast %jit3A_200 : f32 to vector<16xf32>
      %select_n3A_202 = arith.select %lt3A_164, %broadcast_in_dim3A_201, %mul3A_199 : vector<16xi1>, vector<16xf32>
      %max3A_203 = arith.constant 0.000000e+00 : f32
      %max3A_204 = vector.broadcast %max3A_203 : f32 to vector<16xf32>
      %max3A_205 = arith.maximumf %scan3A_114#2, %max3A_204 : vector<16xf32>
      %lt3A_206 = arith.constant 9.99999968E-21 : f32
      %lt3A_207 = vector.broadcast %lt3A_206 : f32 to vector<16xf32>
      %lt3A_208 = arith.cmpf olt, %max3A_205, %lt3A_207 : vector<16xf32>
      %bitcast_convert_type3A_209 = tpu.bitcast %max3A_205 : vector<16xf32> -> vector<16xi32>
      %shift_right_logical3A_210 = arith.constant 1 : i32
      %shift_right_logical3A_211 = vector.broadcast %shift_right_logical3A_210 : i32 to vector<16xi32>
      %shift_right_logical3A_212 = arith.shrui %bitcast_convert_type3A_209, %shift_right_logical3A_211 : vector<16xi32>
      %sub3A_213 = arith.constant 1597463007 : i32
      %sub3A_214 = vector.broadcast %sub3A_213 : i32 to vector<16xi32>
      %sub3A_215 = arith.subi %sub3A_214, %shift_right_logical3A_212 : vector<16xi32>
      %bitcast_convert_type3A_216 = tpu.bitcast %sub3A_215 : vector<16xi32> -> vector<16xf32>
      %mul3A_217 = arith.constant 5.000000e-01 : f32
      %mul3A_218 = vector.broadcast %mul3A_217 : f32 to vector<16xf32>
      %mul3A_219 = arith.mulf %mul3A_218, %max3A_205 : vector<16xf32>
      %mul3A_220 = arith.mulf %mul3A_219, %bitcast_convert_type3A_216 : vector<16xf32>
      %mul3A_221 = arith.mulf %mul3A_220, %bitcast_convert_type3A_216 : vector<16xf32>
      %sub3A_222 = arith.constant 1.500000e+00 : f32
      %sub3A_223 = vector.broadcast %sub3A_222 : f32 to vector<16xf32>
      %sub3A_224 = arith.subf %sub3A_223, %mul3A_221 : vector<16xf32>
      %mul3A_225 = arith.mulf %bitcast_convert_type3A_216, %sub3A_224 : vector<16xf32>
      %mul3A_226 = arith.constant 5.000000e-01 : f32
      %mul3A_227 = vector.broadcast %mul3A_226 : f32 to vector<16xf32>
      %mul3A_228 = arith.mulf %mul3A_227, %max3A_205 : vector<16xf32>
      %mul3A_229 = arith.mulf %mul3A_228, %mul3A_225 : vector<16xf32>
      %mul3A_230 = arith.mulf %mul3A_229, %mul3A_225 : vector<16xf32>
      %sub3A_231 = arith.constant 1.500000e+00 : f32
      %sub3A_232 = vector.broadcast %sub3A_231 : f32 to vector<16xf32>
      %sub3A_233 = arith.subf %sub3A_232, %mul3A_230 : vector<16xf32>
      %mul3A_234 = arith.mulf %mul3A_225, %sub3A_233 : vector<16xf32>
      %mul3A_235 = arith.constant 5.000000e-01 : f32
      %mul3A_236 = vector.broadcast %mul3A_235 : f32 to vector<16xf32>
      %mul3A_237 = arith.mulf %mul3A_236, %max3A_205 : vector<16xf32>
      %mul3A_238 = arith.mulf %mul3A_237, %mul3A_234 : vector<16xf32>
      %mul3A_239 = arith.mulf %mul3A_238, %mul3A_234 : vector<16xf32>
      %sub3A_240 = arith.constant 1.500000e+00 : f32
      %sub3A_241 = vector.broadcast %sub3A_240 : f32 to vector<16xf32>
      %sub3A_242 = arith.subf %sub3A_241, %mul3A_239 : vector<16xf32>
      %mul3A_243 = arith.mulf %mul3A_234, %sub3A_242 : vector<16xf32>
      %jit3A_244 = arith.constant 1.000000e+10 : f32
      %broadcast_in_dim3A_245 = vector.broadcast %jit3A_244 : f32 to vector<16xf32>
      %select_n3A_246 = arith.select %lt3A_208, %broadcast_in_dim3A_245, %mul3A_243 : vector<16xi1>, vector<16xf32>
      %add3A_247 = arith.addf %select_n3A_158, %select_n3A_202 : vector<16xf32>
      %add3A_248 = arith.addf %add3A_247, %select_n3A_246 : vector<16xf32>
      %mul3A_249 = arith.constant 16 : i32
      %mul3A_250 = arith.muli %scan3A_47, %mul3A_249 : i32
      %swap3A = arith.index_cast %mul3A_250 : i32 to index
      %swap3A_251 = tpu.vector_load %arg21[%swap3A] {strides = array<i32>} : memref<384xi32, #tpu.memory_space<vmem>>, vector<16xi32>,
      %swap3A_252 = vector.shape_cast %swap3A_251 : vector<16xi32> to vector<16xi32>
      %swap3A_253 = vector.shape_cast %scan3A_114#3 : vector<16xi32> to vector<16xi32>
      tpu.vector_store %arg21[%swap3A], %swap3A_253 {strides = array<i32>} : memref<384xi32, #tpu.memory_space<vmem>>, vector<16xi32>,
      %swap3A_254 = arith.index_cast %mul3A_250 : i32 to index
      %swap3A_255 = tpu.vector_load %arg22[%swap3A_254] {strides = array<i32>} : memref<384xi32, #tpu.memory_space<vmem>>, vector<16xi32>,
      %swap3A_256 = vector.shape_cast %swap3A_255 : vector<16xi32> to vector<16xi32>
      %swap3A_257 = vector.shape_cast %scan3A_114#4 : vector<16xi32> to vector<16xi32>
      tpu.vector_store %arg22[%swap3A_254], %swap3A_257 {strides = array<i32>} : memref<384xi32, #tpu.memory_space<vmem>>, vector<16xi32>,
      %swap3A_258 = arith.index_cast %mul3A_250 : i32 to index
      %swap3A_259 = tpu.vector_load %arg23[%swap3A_258] {strides = array<i32>} : memref<384xi32, #tpu.memory_space<vmem>>, vector<16xi32>,
      %swap3A_260 = vector.shape_cast %swap3A_259 : vector<16xi32> to vector<16xi32>
      %swap3A_261 = vector.shape_cast %scan3A_114#5 : vector<16xi32> to vector<16xi32>
      tpu.vector_store %arg23[%swap3A_258], %swap3A_261 {strides = array<i32>} : memref<384xi32, #tpu.memory_space<vmem>>, vector<16xi32>,
      %div3A_262 = arith.divf %select_n3A_158, %add3A_248 : vector<16xf32>
      %swap3A_263 = arith.index_cast %mul3A_250 : i32 to index
      %swap3A_264 = tpu.vector_load %arg24[%swap3A_263] {strides = array<i32>} : memref<384xf32, #tpu.memory_space<vmem>>, vector<16xf32>,
      %swap3A_265 = vector.shape_cast %swap3A_264 : vector<16xf32> to vector<16xf32>
      %swap3A_266 = vector.shape_cast %div3A_262 : vector<16xf32> to vector<16xf32>
      tpu.vector_store %arg24[%swap3A_263], %swap3A_266 {strides = array<i32>} : memref<384xf32, #tpu.memory_space<vmem>>, vector<16xf32>,
      %div3A_267 = arith.divf %select_n3A_202, %add3A_248 : vector<16xf32>
      %swap3A_268 = arith.index_cast %mul3A_250 : i32 to index
      %swap3A_269 = tpu.vector_load %arg25[%swap3A_268] {strides = array<i32>} : memref<384xf32, #tpu.memory_space<vmem>>, vector<16xf32>,
      %swap3A_270 = vector.shape_cast %swap3A_269 : vector<16xf32> to vector<16xf32>
      %swap3A_271 = vector.shape_cast %div3A_267 : vector<16xf32> to vector<16xf32>
      tpu.vector_store %arg25[%swap3A_268], %swap3A_271 {strides = array<i32>} : memref<384xf32, #tpu.memory_space<vmem>>, vector<16xf32>,
      %div3A_272 = arith.divf %select_n3A_246, %add3A_248 : vector<16xf32>
      %swap3A_273 = arith.index_cast %mul3A_250 : i32 to index
      %swap3A_274 = tpu.vector_load %arg26[%swap3A_273] {strides = array<i32>} : memref<384xf32, #tpu.memory_space<vmem>>, vector<16xf32>,
      %swap3A_275 = vector.shape_cast %swap3A_274 : vector<16xf32> to vector<16xf32>
      %swap3A_276 = vector.shape_cast %div3A_272 : vector<16xf32> to vector<16xf32>
      tpu.vector_store %arg26[%swap3A_273], %swap3A_276 {strides = array<i32>} : memref<384xf32, #tpu.memory_space<vmem>>, vector<16xf32>,
    }
    %scan3A_46 = arith.constant 24 : i32
    "tpu.region"() ({
      %run_scoped3A = tpu.sem_alloc : memref<!tpu.dma_semaphore, #tpu.memory_space<semaphore_mem>>
      %dma_start3A = tpu.memref_slice %arg8[%select_n3A, %mul3A_32] : memref<4x3072xi32, #tpu.memory_space<hbm>> -> memref<1x384xi32, #tpu.memory_space<hbm>>
      %dma_start3A_47 = tpu.memref_squeeze %dma_start3A : memref<1x384xi32, #tpu.memory_space<hbm>> -> memref<384xi32, #tpu.memory_space<hbm>>
      %dma_start3A_48 = tpu.memref_slice %arg8[%select_n3A, %mul3A_32] : memref<4x3072xi32, #tpu.memory_space<hbm>> -> memref<1x384xi32, #tpu.memory_space<hbm>>
      %dma_start3A_49 = tpu.memref_squeeze %dma_start3A_48 : memref<1x384xi32, #tpu.memory_space<hbm>> -> memref<384xi32, #tpu.memory_space<hbm>>
      tpu.enqueue_dma source(%arg21 : memref<384xi32, #tpu.memory_space<vmem>>) target(%dma_start3A_49 : memref<384xi32, #tpu.memory_space<hbm>>) target_semaphore(%run_scoped3A : memref<!tpu.dma_semaphore, #tpu.memory_space<semaphore_mem>>)
      %dma_wait3A = tpu.memref_slice %arg8[%select_n3A, %mul3A_32] : memref<4x3072xi32, #tpu.memory_space<hbm>> -> memref<1x384xi32, #tpu.memory_space<hbm>>
      %dma_wait3A_50 = tpu.memref_squeeze %dma_wait3A : memref<1x384xi32, #tpu.memory_space<hbm>> -> memref<384xi32, #tpu.memory_space<hbm>>
      %dma_wait3A_51 = tpu.memref_slice %arg8[%select_n3A, %mul3A_32] : memref<4x3072xi32, #tpu.memory_space<hbm>> -> memref<1x384xi32, #tpu.memory_space<hbm>>
      %dma_wait3A_52 = tpu.memref_squeeze %dma_wait3A_51 : memref<1x384xi32, #tpu.memory_space<hbm>> -> memref<384xi32, #tpu.memory_space<hbm>>
      tpu.wait_dma2 semaphore(%run_scoped3A : memref<!tpu.dma_semaphore, #tpu.memory_space<semaphore_mem>>) src(%arg21 : memref<384xi32, #tpu.memory_space<vmem>>) dst(%dma_wait3A_52 : memref<384xi32, #tpu.memory_space<hbm>>)
      tpu.yield
    }) : () -> ()
    "tpu.region"() ({
      %run_scoped3A = tpu.sem_alloc : memref<!tpu.dma_semaphore, #tpu.memory_space<semaphore_mem>>
      %dma_start3A = tpu.memref_slice %arg9[%select_n3A, %mul3A_32] : memref<4x3072xi32, #tpu.memory_space<hbm>> -> memref<1x384xi32, #tpu.memory_space<hbm>>
      %dma_start3A_47 = tpu.memref_squeeze %dma_start3A : memref<1x384xi32, #tpu.memory_space<hbm>> -> memref<384xi32, #tpu.memory_space<hbm>>
      %dma_start3A_48 = tpu.memref_slice %arg9[%select_n3A, %mul3A_32] : memref<4x3072xi32, #tpu.memory_space<hbm>> -> memref<1x384xi32, #tpu.memory_space<hbm>>
      %dma_start3A_49 = tpu.memref_squeeze %dma_start3A_48 : memref<1x384xi32, #tpu.memory_space<hbm>> -> memref<384xi32, #tpu.memory_space<hbm>>
      tpu.enqueue_dma source(%arg22 : memref<384xi32, #tpu.memory_space<vmem>>) target(%dma_start3A_49 : memref<384xi32, #tpu.memory_space<hbm>>) target_semaphore(%run_scoped3A : memref<!tpu.dma_semaphore, #tpu.memory_space<semaphore_mem>>)
      %dma_wait3A = tpu.memref_slice %arg9[%select_n3A, %mul3A_32] : memref<4x3072xi32, #tpu.memory_space<hbm>> -> memref<1x384xi32, #tpu.memory_space<hbm>>
      %dma_wait3A_50 = tpu.memref_squeeze %dma_wait3A : memref<1x384xi32, #tpu.memory_space<hbm>> -> memref<384xi32, #tpu.memory_space<hbm>>
      %dma_wait3A_51 = tpu.memref_slice %arg9[%select_n3A, %mul3A_32] : memref<4x3072xi32, #tpu.memory_space<hbm>> -> memref<1x384xi32, #tpu.memory_space<hbm>>
      %dma_wait3A_52 = tpu.memref_squeeze %dma_wait3A_51 : memref<1x384xi32, #tpu.memory_space<hbm>> -> memref<384xi32, #tpu.memory_space<hbm>>
      tpu.wait_dma2 semaphore(%run_scoped3A : memref<!tpu.dma_semaphore, #tpu.memory_space<semaphore_mem>>) src(%arg22 : memref<384xi32, #tpu.memory_space<vmem>>) dst(%dma_wait3A_52 : memref<384xi32, #tpu.memory_space<hbm>>)
      tpu.yield
    }) : () -> ()
    "tpu.region"() ({
      %run_scoped3A = tpu.sem_alloc : memref<!tpu.dma_semaphore, #tpu.memory_space<semaphore_mem>>
      %dma_start3A = tpu.memref_slice %arg10[%select_n3A, %mul3A_32] : memref<4x3072xi32, #tpu.memory_space<hbm>> -> memref<1x384xi32, #tpu.memory_space<hbm>>
      %dma_start3A_47 = tpu.memref_squeeze %dma_start3A : memref<1x384xi32, #tpu.memory_space<hbm>> -> memref<384xi32, #tpu.memory_space<hbm>>
      %dma_start3A_48 = tpu.memref_slice %arg10[%select_n3A, %mul3A_32] : memref<4x3072xi32, #tpu.memory_space<hbm>> -> memref<1x384xi32, #tpu.memory_space<hbm>>
      %dma_start3A_49 = tpu.memref_squeeze %dma_start3A_48 : memref<1x384xi32, #tpu.memory_space<hbm>> -> memref<384xi32, #tpu.memory_space<hbm>>
      tpu.enqueue_dma source(%arg23 : memref<384xi32, #tpu.memory_space<vmem>>) target(%dma_start3A_49 : memref<384xi32, #tpu.memory_space<hbm>>) target_semaphore(%run_scoped3A : memref<!tpu.dma_semaphore, #tpu.memory_space<semaphore_mem>>)
      %dma_wait3A = tpu.memref_slice %arg10[%select_n3A, %mul3A_32] : memref<4x3072xi32, #tpu.memory_space<hbm>> -> memref<1x384xi32, #tpu.memory_space<hbm>>
      %dma_wait3A_50 = tpu.memref_squeeze %dma_wait3A : memref<1x384xi32, #tpu.memory_space<hbm>> -> memref<384xi32, #tpu.memory_space<hbm>>
      %dma_wait3A_51 = tpu.memref_slice %arg10[%select_n3A, %mul3A_32] : memref<4x3072xi32, #tpu.memory_space<hbm>> -> memref<1x384xi32, #tpu.memory_space<hbm>>
      %dma_wait3A_52 = tpu.memref_squeeze %dma_wait3A_51 : memref<1x384xi32, #tpu.memory_space<hbm>> -> memref<384xi32, #tpu.memory_space<hbm>>
      tpu.wait_dma2 semaphore(%run_scoped3A : memref<!tpu.dma_semaphore, #tpu.memory_space<semaphore_mem>>) src(%arg23 : memref<384xi32, #tpu.memory_space<vmem>>) dst(%dma_wait3A_52 : memref<384xi32, #tpu.memory_space<hbm>>)
      tpu.yield
    }) : () -> ()
    "tpu.region"() ({
      %run_scoped3A = tpu.sem_alloc : memref<!tpu.dma_semaphore, #tpu.memory_space<semaphore_mem>>
      %dma_start3A = tpu.memref_slice %arg11[%select_n3A, %mul3A_32] : memref<4x3072xf32, #tpu.memory_space<hbm>> -> memref<1x384xf32, #tpu.memory_space<hbm>>
      %dma_start3A_47 = tpu.memref_squeeze %dma_start3A : memref<1x384xf32, #tpu.memory_space<hbm>> -> memref<384xf32, #tpu.memory_space<hbm>>
      %dma_start3A_48 = tpu.memref_slice %arg11[%select_n3A, %mul3A_32] : memref<4x3072xf32, #tpu.memory_space<hbm>> -> memref<1x384xf32, #tpu.memory_space<hbm>>
      %dma_start3A_49 = tpu.memref_squeeze %dma_start3A_48 : memref<1x384xf32, #tpu.memory_space<hbm>> -> memref<384xf32, #tpu.memory_space<hbm>>
      tpu.enqueue_dma source(%arg24 : memref<384xf32, #tpu.memory_space<vmem>>) target(%dma_start3A_49 : memref<384xf32, #tpu.memory_space<hbm>>) target_semaphore(%run_scoped3A : memref<!tpu.dma_semaphore, #tpu.memory_space<semaphore_mem>>)
      %dma_wait3A = tpu.memref_slice %arg11[%select_n3A, %mul3A_32] : memref<4x3072xf32, #tpu.memory_space<hbm>> -> memref<1x384xf32, #tpu.memory_space<hbm>>
      %dma_wait3A_50 = tpu.memref_squeeze %dma_wait3A : memref<1x384xf32, #tpu.memory_space<hbm>> -> memref<384xf32, #tpu.memory_space<hbm>>
      %dma_wait3A_51 = tpu.memref_slice %arg11[%select_n3A, %mul3A_32] : memref<4x3072xf32, #tpu.memory_space<hbm>> -> memref<1x384xf32, #tpu.memory_space<hbm>>
      %dma_wait3A_52 = tpu.memref_squeeze %dma_wait3A_51 : memref<1x384xf32, #tpu.memory_space<hbm>> -> memref<384xf32, #tpu.memory_space<hbm>>
      tpu.wait_dma2 semaphore(%run_scoped3A : memref<!tpu.dma_semaphore, #tpu.memory_space<semaphore_mem>>) src(%arg24 : memref<384xf32, #tpu.memory_space<vmem>>) dst(%dma_wait3A_52 : memref<384xf32, #tpu.memory_space<hbm>>)
      tpu.yield
    }) : () -> ()
    "tpu.region"() ({
      %run_scoped3A = tpu.sem_alloc : memref<!tpu.dma_semaphore, #tpu.memory_space<semaphore_mem>>
      %dma_start3A = tpu.memref_slice %arg12[%select_n3A, %mul3A_32] : memref<4x3072xf32, #tpu.memory_space<hbm>> -> memref<1x384xf32, #tpu.memory_space<hbm>>
      %dma_start3A_47 = tpu.memref_squeeze %dma_start3A : memref<1x384xf32, #tpu.memory_space<hbm>> -> memref<384xf32, #tpu.memory_space<hbm>>
      %dma_start3A_48 = tpu.memref_slice %arg12[%select_n3A, %mul3A_32] : memref<4x3072xf32, #tpu.memory_space<hbm>> -> memref<1x384xf32, #tpu.memory_space<hbm>>
      %dma_start3A_49 = tpu.memref_squeeze %dma_start3A_48 : memref<1x384xf32, #tpu.memory_space<hbm>> -> memref<384xf32, #tpu.memory_space<hbm>>
      tpu.enqueue_dma source(%arg25 : memref<384xf32, #tpu.memory_space<vmem>>) target(%dma_start3A_49 : memref<384xf32, #tpu.memory_space<hbm>>) target_semaphore(%run_scoped3A : memref<!tpu.dma_semaphore, #tpu.memory_space<semaphore_mem>>)
      %dma_wait3A = tpu.memref_slice %arg12[%select_n3A, %mul3A_32] : memref<4x3072xf32, #tpu.memory_space<hbm>> -> memref<1x384xf32, #tpu.memory_space<hbm>>
      %dma_wait3A_50 = tpu.memref_squeeze %dma_wait3A : memref<1x384xf32, #tpu.memory_space<hbm>> -> memref<384xf32, #tpu.memory_space<hbm>>
      %dma_wait3A_51 = tpu.memref_slice %arg12[%select_n3A, %mul3A_32] : memref<4x3072xf32, #tpu.memory_space<hbm>> -> memref<1x384xf32, #tpu.memory_space<hbm>>
      %dma_wait3A_52 = tpu.memref_squeeze %dma_wait3A_51 : memref<1x384xf32, #tpu.memory_space<hbm>> -> memref<384xf32, #tpu.memory_space<hbm>>
      tpu.wait_dma2 semaphore(%run_scoped3A : memref<!tpu.dma_semaphore, #tpu.memory_space<semaphore_mem>>) src(%arg25 : memref<384xf32, #tpu.memory_space<vmem>>) dst(%dma_wait3A_52 : memref<384xf32, #tpu.memory_space<hbm>>)
      tpu.yield
    }) : () -> ()
    "tpu.region"() ({
      %run_scoped3A = tpu.sem_alloc : memref<!tpu.dma_semaphore, #tpu.memory_space<semaphore_mem>>
      %dma_start3A = tpu.memref_slice %arg13[%select_n3A, %mul3A_32] : memref<4x3072xf32, #tpu.memory_space<hbm>> -> memref<1x384xf32, #tpu.memory_space<hbm>>
      %dma_start3A_47 = tpu.memref_squeeze %dma_start3A : memref<1x384xf32, #tpu.memory_space<hbm>> -> memref<384xf32, #tpu.memory_space<hbm>>
      %dma_start3A_48 = tpu.memref_slice %arg13[%select_n3A, %mul3A_32] : memref<4x3072xf32, #tpu.memory_space<hbm>> -> memref<1x384xf32, #tpu.memory_space<hbm>>
      %dma_start3A_49 = tpu.memref_squeeze %dma_start3A_48 : memref<1x384xf32, #tpu.memory_space<hbm>> -> memref<384xf32, #tpu.memory_space<hbm>>
      tpu.enqueue_dma source(%arg26 : memref<384xf32, #tpu.memory_space<vmem>>) target(%dma_start3A_49 : memref<384xf32, #tpu.memory_space<hbm>>) target_semaphore(%run_scoped3A : memref<!tpu.dma_semaphore, #tpu.memory_space<semaphore_mem>>)
      %dma_wait3A = tpu.memref_slice %arg13[%select_n3A, %mul3A_32] : memref<4x3072xf32, #tpu.memory_space<hbm>> -> memref<1x384xf32, #tpu.memory_space<hbm>>
      %dma_wait3A_50 = tpu.memref_squeeze %dma_wait3A : memref<1x384xf32, #tpu.memory_space<hbm>> -> memref<384xf32, #tpu.memory_space<hbm>>
      %dma_wait3A_51 = tpu.memref_slice %arg13[%select_n3A, %mul3A_32] : memref<4x3072xf32, #tpu.memory_space<hbm>> -> memref<1x384xf32, #tpu.memory_space<hbm>>
      %dma_wait3A_52 = tpu.memref_squeeze %dma_wait3A_51 : memref<1x384xf32, #tpu.memory_space<hbm>> -> memref<384xf32, #tpu.memory_space<hbm>>
      tpu.wait_dma2 semaphore(%run_scoped3A : memref<!tpu.dma_semaphore, #tpu.memory_space<semaphore_mem>>) src(%arg26 : memref<384xf32, #tpu.memory_space<vmem>>) dst(%dma_wait3A_52 : memref<384xf32, #tpu.memory_space<hbm>>)
      tpu.yield
    }) : () -> ()
    return
  }
}

module attributes {stable_mosaic.version = 14 : i64} {
  func.func @_tc_body(%arg0: i32, %arg1: i32, %arg2: memref<1x1x1x256xf32, #tpu.memory_space<vmem>>, %arg3: memref<1x1x1x256xf32, #tpu.memory_space<vmem>>, %arg4: memref<1x1x1x256xf32, #tpu.memory_space<vmem>>, %arg5: memref<1x2048x1xf32, #tpu.memory_space<vmem>>, %arg6: memref<1x2048x1xf32, #tpu.memory_space<vmem>>, %arg7: memref<1x2048x1xf32, #tpu.memory_space<vmem>>, %arg8: memref<1x1x1x256xi32, #tpu.memory_space<vmem>>, %arg9: memref<1x1x1x256xi32, #tpu.memory_space<vmem>>, %arg10: memref<1x1x1x256xi32, #tpu.memory_space<vmem>>, %arg11: memref<1x1x1x256xf32, #tpu.memory_space<vmem>>, %arg12: memref<1x1x1x256xf32, #tpu.memory_space<vmem>>, %arg13: memref<1x1x1x256xf32, #tpu.memory_space<vmem>>) attributes {dimension_semantics = [#tpu.dimension_semantics<arbitrary>, #tpu.dimension_semantics<arbitrary>], iteration_bounds = array<i64: 4, 20>, scalar_prefetch = 0 : i64, scratch_operands = 0 : i64, tpu.core_type = #tpu.core_type<tc>, window_params = [{transform_indices = @transform_0, window_bounds = array<i64: 1, 1, 1, 256>}, {transform_indices = @transform_1, window_bounds = array<i64: 1, 1, 1, 256>}, {transform_indices = @transform_2, window_bounds = array<i64: 1, 1, 1, 256>}, {transform_indices = @transform_3, window_bounds = array<i64: 1, 2048, 1>}, {transform_indices = @transform_4, window_bounds = array<i64: 1, 2048, 1>}, {transform_indices = @transform_5, window_bounds = array<i64: 1, 2048, 1>}, {transform_indices = @transform_6, window_bounds = array<i64: 1, 1, 1, 256>}, {transform_indices = @transform_7, window_bounds = array<i64: 1, 1, 1, 256>}, {transform_indices = @transform_8, window_bounds = array<i64: 1, 1, 1, 256>}, {transform_indices = @transform_9, window_bounds = array<i64: 1, 1, 1, 256>}, {transform_indices = @transform_10, window_bounds = array<i64: 1, 1, 1, 256>}, {transform_indices = @transform_11, window_bounds = array<i64: 1, 1, 1, 256>}]} {
    %get3A = arith.constant 0 : index
    %get3A_0 = arith.constant 0 : index
    %get3A_1 = arith.constant 0 : index
    %get3A_2 = arith.constant 0 : index
    %get3A_3 = vector.load %arg2[%get3A, %get3A_0, %get3A_1, %get3A_2] : memref<1x1x1x256xf32, #tpu.memory_space<vmem>>, vector<1x1x1x256xf32>
    %get3A_4 = vector.shape_cast %get3A_3 : vector<1x1x1x256xf32> to vector<1x256xf32>
    %get3A_5 = arith.constant 0 : index
    %get3A_6 = arith.constant 0 : index
    %get3A_7 = arith.constant 0 : index
    %get3A_8 = arith.constant 0 : index
    %get3A_9 = vector.load %arg3[%get3A_5, %get3A_6, %get3A_7, %get3A_8] : memref<1x1x1x256xf32, #tpu.memory_space<vmem>>, vector<1x1x1x256xf32>
    %get3A_10 = vector.shape_cast %get3A_9 : vector<1x1x1x256xf32> to vector<1x256xf32>
    %get3A_11 = arith.constant 0 : index
    %get3A_12 = arith.constant 0 : index
    %get3A_13 = arith.constant 0 : index
    %get3A_14 = arith.constant 0 : index
    %get3A_15 = vector.load %arg4[%get3A_11, %get3A_12, %get3A_13, %get3A_14] : memref<1x1x1x256xf32, #tpu.memory_space<vmem>>, vector<1x1x1x256xf32>
    %get3A_16 = vector.shape_cast %get3A_15 : vector<1x1x1x256xf32> to vector<1x256xf32>
    %get3A_17 = arith.constant 0 : index
    %get3A_18 = arith.constant 0 : index
    %get3A_19 = arith.constant 0 : index
    %get3A_20 = vector.load %arg5[%get3A_17, %get3A_18, %get3A_19] : memref<1x2048x1xf32, #tpu.memory_space<vmem>>, vector<1x2048x1xf32>
    %get3A_21 = vector.shape_cast %get3A_20 : vector<1x2048x1xf32> to vector<2048x1xf32>
    %get3A_22 = arith.constant 0 : index
    %get3A_23 = arith.constant 0 : index
    %get3A_24 = arith.constant 0 : index
    %get3A_25 = vector.load %arg6[%get3A_22, %get3A_23, %get3A_24] : memref<1x2048x1xf32, #tpu.memory_space<vmem>>, vector<1x2048x1xf32>
    %get3A_26 = vector.shape_cast %get3A_25 : vector<1x2048x1xf32> to vector<2048x1xf32>
    %get3A_27 = arith.constant 0 : index
    %get3A_28 = arith.constant 0 : index
    %get3A_29 = arith.constant 0 : index
    %get3A_30 = vector.load %arg7[%get3A_27, %get3A_28, %get3A_29] : memref<1x2048x1xf32, #tpu.memory_space<vmem>>, vector<1x2048x1xf32>
    %get3A_31 = vector.shape_cast %get3A_30 : vector<1x2048x1xf32> to vector<2048x1xf32>
    %mul3A = arith.mulf %get3A_4, %get3A_4 : vector<1x256xf32>
    %mul3A_32 = arith.mulf %get3A_10, %get3A_10 : vector<1x256xf32>
    %add3A = arith.addf %mul3A, %mul3A_32 : vector<1x256xf32>
    %mul3A_33 = arith.mulf %get3A_16, %get3A_16 : vector<1x256xf32>
    %add3A_34 = arith.addf %add3A, %mul3A_33 : vector<1x256xf32>
    %mul3A_35 = arith.mulf %get3A_21, %get3A_21 : vector<2048x1xf32>
    %mul3A_36 = arith.mulf %get3A_26, %get3A_26 : vector<2048x1xf32>
    %add3A_37 = arith.addf %mul3A_35, %mul3A_36 : vector<2048x1xf32>
    %mul3A_38 = arith.mulf %get3A_31, %get3A_31 : vector<2048x1xf32>
    %add3A_39 = arith.addf %add3A_37, %mul3A_38 : vector<2048x1xf32>
    %mul3A_40 = arith.constant 2.000000e+00 : f32
    %mul3A_41 = vector.broadcast %mul3A_40 : f32 to vector<2048x1xf32>
    %mul3A_42 = arith.mulf %mul3A_41, %get3A_21 : vector<2048x1xf32>
    %convert_element_type3A = arith.truncf %mul3A_42 : vector<2048x1xf32> to vector<2048x1xbf16>
    %mul3A_43 = arith.constant 2.000000e+00 : f32
    %mul3A_44 = vector.broadcast %mul3A_43 : f32 to vector<2048x1xf32>
    %mul3A_45 = arith.mulf %mul3A_44, %get3A_26 : vector<2048x1xf32>
    %convert_element_type3A_46 = arith.truncf %mul3A_45 : vector<2048x1xf32> to vector<2048x1xbf16>
    %mul3A_47 = arith.constant 2.000000e+00 : f32
    %mul3A_48 = vector.broadcast %mul3A_47 : f32 to vector<2048x1xf32>
    %mul3A_49 = arith.mulf %mul3A_48, %get3A_31 : vector<2048x1xf32>
    %convert_element_type3A_50 = arith.truncf %mul3A_49 : vector<2048x1xf32> to vector<2048x1xbf16>
    %concatenate3A = tpu.concatenate %convert_element_type3A, %convert_element_type3A_46, %convert_element_type3A_50 in 1 : vector<2048x1xbf16>, vector<2048x1xbf16>, vector<2048x1xbf16> -> vector<2048x3xbf16>
    %convert_element_type3A_51 = arith.truncf %get3A_4 : vector<1x256xf32> to vector<1x256xbf16>
    %convert_element_type3A_52 = arith.truncf %get3A_10 : vector<1x256xf32> to vector<1x256xbf16>
    %convert_element_type3A_53 = arith.truncf %get3A_16 : vector<1x256xf32> to vector<1x256xbf16>
    %concatenate3A_54 = tpu.concatenate %convert_element_type3A_51, %convert_element_type3A_52, %convert_element_type3A_53 in 0 : vector<1x256xbf16>, vector<1x256xbf16>, vector<1x256xbf16> -> vector<3x256xbf16>
    %dot_general3A = arith.constant dense<0.000000e+00> : vector<2048x256xf32>
    %dot_general3A_55 = tpu.matmul %concatenate3A, %concatenate3A_54, %dot_general3A {dimension_numbers = #tpu.dot_dimension_numbers<[1], [0], [0], [1], [0, 0, 1, 1], [], []>, transpose_lhs_hint = false} : vector<2048x3xbf16>, vector<3x256xbf16>, vector<2048x256xf32> -> vector<2048x256xf32>
    %add3A_56 = vector.broadcast %add3A_34 : vector<1x256xf32> to vector<2048x256xf32>
    %add3A_57 = vector.broadcast %add3A_39 : vector<2048x1xf32> to vector<2048x256xf32>
    %add3A_58 = arith.addf %add3A_56, %add3A_57 : vector<2048x256xf32>
    %sub3A = arith.subf %add3A_58, %dot_general3A_55 : vector<2048x256xf32>
    %max3A = arith.constant 0.000000e+00 : f32
    %max3A_59 = vector.broadcast %max3A : f32 to vector<2048x256xf32>
    %max3A_60 = arith.maximumf %sub3A, %max3A_59 : vector<2048x256xf32>
    %iota3A = tpu.iota {dimensions = array<i32: 0>} : vector<2048x256xi32>
    %reduce_min3A = arith.constant dense<0x7F800000> : vector<256xf32>
    %reduce_min3A_61 = vector.multi_reduction <minimumf>, %max3A_60, %reduce_min3A [0] : vector<2048x256xf32> to vector<256xf32>
    %broadcast_in_dim3A = vector.shape_cast %reduce_min3A_61 : vector<256xf32> to vector<1x256xf32>
    %eq3A = vector.broadcast %broadcast_in_dim3A : vector<1x256xf32> to vector<2048x256xf32>
    %eq3A_62 = arith.cmpf oeq, %max3A_60, %eq3A : vector<2048x256xf32>
    %jit3A = arith.constant 2048 : i32
    %broadcast_in_dim3A_63 = vector.broadcast %jit3A : i32 to vector<2048x256xi32>
    %select_n3A = arith.select %eq3A_62, %iota3A, %broadcast_in_dim3A_63 : vector<2048x256xi1>, vector<2048x256xi32>
    %reduce_min3A_64 = arith.constant dense<2147483647> : vector<256xi32>
    %reduce_min3A_65 = vector.multi_reduction <minsi>, %select_n3A, %reduce_min3A_64 [0] : vector<2048x256xi32> to vector<256xi32>
    %broadcast_in_dim3A_66 = vector.shape_cast %reduce_min3A_65 : vector<256xi32> to vector<1x256xi32>
    %eq3A_67 = vector.broadcast %broadcast_in_dim3A_66 : vector<1x256xi32> to vector<2048x256xi32>
    %eq3A_68 = arith.cmpi eq, %iota3A, %eq3A_67 : vector<2048x256xi32>
    %jit3A_69 = arith.constant 0x7F800000 : f32
    %broadcast_in_dim3A_70 = vector.broadcast %jit3A_69 : f32 to vector<2048x256xf32>
    %select_n3A_71 = arith.select %eq3A_68, %broadcast_in_dim3A_70, %max3A_60 : vector<2048x256xi1>, vector<2048x256xf32>
    %reduce_min3A_72 = arith.constant dense<0x7F800000> : vector<256xf32>
    %reduce_min3A_73 = vector.multi_reduction <minimumf>, %select_n3A_71, %reduce_min3A_72 [0] : vector<2048x256xf32> to vector<256xf32>
    %broadcast_in_dim3A_74 = vector.shape_cast %reduce_min3A_73 : vector<256xf32> to vector<1x256xf32>
    %eq3A_75 = vector.broadcast %broadcast_in_dim3A_74 : vector<1x256xf32> to vector<2048x256xf32>
    %eq3A_76 = arith.cmpf oeq, %select_n3A_71, %eq3A_75 : vector<2048x256xf32>
    %jit3A_77 = arith.constant 2048 : i32
    %broadcast_in_dim3A_78 = vector.broadcast %jit3A_77 : i32 to vector<2048x256xi32>
    %select_n3A_79 = arith.select %eq3A_76, %iota3A, %broadcast_in_dim3A_78 : vector<2048x256xi1>, vector<2048x256xi32>
    %reduce_min3A_80 = arith.constant dense<2147483647> : vector<256xi32>
    %reduce_min3A_81 = vector.multi_reduction <minsi>, %select_n3A_79, %reduce_min3A_80 [0] : vector<2048x256xi32> to vector<256xi32>
    %broadcast_in_dim3A_82 = vector.shape_cast %reduce_min3A_81 : vector<256xi32> to vector<1x256xi32>
    %eq3A_83 = vector.broadcast %broadcast_in_dim3A_82 : vector<1x256xi32> to vector<2048x256xi32>
    %eq3A_84 = arith.cmpi eq, %iota3A, %eq3A_83 : vector<2048x256xi32>
    %jit3A_85 = arith.constant 0x7F800000 : f32
    %broadcast_in_dim3A_86 = vector.broadcast %jit3A_85 : f32 to vector<2048x256xf32>
    %select_n3A_87 = arith.select %eq3A_84, %broadcast_in_dim3A_86, %select_n3A_71 : vector<2048x256xi1>, vector<2048x256xf32>
    %reduce_min3A_88 = arith.constant dense<0x7F800000> : vector<256xf32>
    %reduce_min3A_89 = vector.multi_reduction <minimumf>, %select_n3A_87, %reduce_min3A_88 [0] : vector<2048x256xf32> to vector<256xf32>
    %broadcast_in_dim3A_90 = vector.shape_cast %reduce_min3A_89 : vector<256xf32> to vector<1x256xf32>
    %eq3A_91 = vector.broadcast %broadcast_in_dim3A_90 : vector<1x256xf32> to vector<2048x256xf32>
    %eq3A_92 = arith.cmpf oeq, %select_n3A_87, %eq3A_91 : vector<2048x256xf32>
    %jit3A_93 = arith.constant 2048 : i32
    %broadcast_in_dim3A_94 = vector.broadcast %jit3A_93 : i32 to vector<2048x256xi32>
    %select_n3A_95 = arith.select %eq3A_92, %iota3A, %broadcast_in_dim3A_94 : vector<2048x256xi1>, vector<2048x256xi32>
    %reduce_min3A_96 = arith.constant dense<2147483647> : vector<256xi32>
    %reduce_min3A_97 = vector.multi_reduction <minsi>, %select_n3A_95, %reduce_min3A_96 [0] : vector<2048x256xi32> to vector<256xi32>
    %broadcast_in_dim3A_98 = vector.shape_cast %reduce_min3A_97 : vector<256xi32> to vector<1x256xi32>
    %lt3A = arith.constant 9.99999968E-21 : f32
    %lt3A_99 = vector.broadcast %lt3A : f32 to vector<1x256xf32>
    %lt3A_100 = arith.cmpf olt, %broadcast_in_dim3A, %lt3A_99 : vector<1x256xf32>
    %sqrt3A = math.sqrt %broadcast_in_dim3A : vector<1x256xf32>
    %div3A = arith.constant 1.000000e+00 : f32
    %div3A_101 = vector.broadcast %div3A : f32 to vector<1x256xf32>
    %div3A_102 = arith.divf %div3A_101, %sqrt3A : vector<1x256xf32>
    %jit3A_103 = arith.constant 1.000000e+10 : f32
    %broadcast_in_dim3A_104 = vector.broadcast %jit3A_103 : f32 to vector<1x256xf32>
    %select_n3A_105 = arith.select %lt3A_100, %broadcast_in_dim3A_104, %div3A_102 : vector<1x256xi1>, vector<1x256xf32>
    %lt3A_106 = arith.constant 9.99999968E-21 : f32
    %lt3A_107 = vector.broadcast %lt3A_106 : f32 to vector<1x256xf32>
    %lt3A_108 = arith.cmpf olt, %broadcast_in_dim3A_74, %lt3A_107 : vector<1x256xf32>
    %sqrt3A_109 = math.sqrt %broadcast_in_dim3A_74 : vector<1x256xf32>
    %div3A_110 = arith.constant 1.000000e+00 : f32
    %div3A_111 = vector.broadcast %div3A_110 : f32 to vector<1x256xf32>
    %div3A_112 = arith.divf %div3A_111, %sqrt3A_109 : vector<1x256xf32>
    %jit3A_113 = arith.constant 1.000000e+10 : f32
    %broadcast_in_dim3A_114 = vector.broadcast %jit3A_113 : f32 to vector<1x256xf32>
    %select_n3A_115 = arith.select %lt3A_108, %broadcast_in_dim3A_114, %div3A_112 : vector<1x256xi1>, vector<1x256xf32>
    %lt3A_116 = arith.constant 9.99999968E-21 : f32
    %lt3A_117 = vector.broadcast %lt3A_116 : f32 to vector<1x256xf32>
    %lt3A_118 = arith.cmpf olt, %broadcast_in_dim3A_90, %lt3A_117 : vector<1x256xf32>
    %sqrt3A_119 = math.sqrt %broadcast_in_dim3A_90 : vector<1x256xf32>
    %div3A_120 = arith.constant 1.000000e+00 : f32
    %div3A_121 = vector.broadcast %div3A_120 : f32 to vector<1x256xf32>
    %div3A_122 = arith.divf %div3A_121, %sqrt3A_119 : vector<1x256xf32>
    %jit3A_123 = arith.constant 1.000000e+10 : f32
    %broadcast_in_dim3A_124 = vector.broadcast %jit3A_123 : f32 to vector<1x256xf32>
    %select_n3A_125 = arith.select %lt3A_118, %broadcast_in_dim3A_124, %div3A_122 : vector<1x256xi1>, vector<1x256xf32>
    %add3A_126 = arith.addf %select_n3A_105, %select_n3A_115 : vector<1x256xf32>
    %add3A_127 = arith.addf %add3A_126, %select_n3A_125 : vector<1x256xf32>
    %swap3A = arith.constant 0 : index
    %swap3A_128 = arith.constant 0 : index
    %swap3A_129 = arith.constant 0 : index
    %swap3A_130 = arith.constant 0 : index
    %swap3A_131 = vector.load %arg8[%swap3A, %swap3A_128, %swap3A_129, %swap3A_130] : memref<1x1x1x256xi32, #tpu.memory_space<vmem>>, vector<1x1x1x256xi32>
    %swap3A_132 = vector.shape_cast %swap3A_131 : vector<1x1x1x256xi32> to vector<1x256xi32>
    %swap3A_133 = vector.shape_cast %broadcast_in_dim3A_66 : vector<1x256xi32> to vector<1x1x1x256xi32>
    tpu.vector_store %arg8[%swap3A, %swap3A_128, %swap3A_129, %swap3A_130], %swap3A_133 {strides = array<i32>} : memref<1x1x1x256xi32, #tpu.memory_space<vmem>>, vector<1x1x1x256xi32>,
    %swap3A_134 = arith.constant 0 : index
    %swap3A_135 = arith.constant 0 : index
    %swap3A_136 = arith.constant 0 : index
    %swap3A_137 = arith.constant 0 : index
    %swap3A_138 = vector.load %arg9[%swap3A_134, %swap3A_135, %swap3A_136, %swap3A_137] : memref<1x1x1x256xi32, #tpu.memory_space<vmem>>, vector<1x1x1x256xi32>
    %swap3A_139 = vector.shape_cast %swap3A_138 : vector<1x1x1x256xi32> to vector<1x256xi32>
    %swap3A_140 = vector.shape_cast %broadcast_in_dim3A_82 : vector<1x256xi32> to vector<1x1x1x256xi32>
    tpu.vector_store %arg9[%swap3A_134, %swap3A_135, %swap3A_136, %swap3A_137], %swap3A_140 {strides = array<i32>} : memref<1x1x1x256xi32, #tpu.memory_space<vmem>>, vector<1x1x1x256xi32>,
    %swap3A_141 = arith.constant 0 : index
    %swap3A_142 = arith.constant 0 : index
    %swap3A_143 = arith.constant 0 : index
    %swap3A_144 = arith.constant 0 : index
    %swap3A_145 = vector.load %arg10[%swap3A_141, %swap3A_142, %swap3A_143, %swap3A_144] : memref<1x1x1x256xi32, #tpu.memory_space<vmem>>, vector<1x1x1x256xi32>
    %swap3A_146 = vector.shape_cast %swap3A_145 : vector<1x1x1x256xi32> to vector<1x256xi32>
    %swap3A_147 = vector.shape_cast %broadcast_in_dim3A_98 : vector<1x256xi32> to vector<1x1x1x256xi32>
    tpu.vector_store %arg10[%swap3A_141, %swap3A_142, %swap3A_143, %swap3A_144], %swap3A_147 {strides = array<i32>} : memref<1x1x1x256xi32, #tpu.memory_space<vmem>>, vector<1x1x1x256xi32>,
    %div3A_148 = arith.divf %select_n3A_105, %add3A_127 : vector<1x256xf32>
    %swap3A_149 = arith.constant 0 : index
    %swap3A_150 = arith.constant 0 : index
    %swap3A_151 = arith.constant 0 : index
    %swap3A_152 = arith.constant 0 : index
    %swap3A_153 = vector.load %arg11[%swap3A_149, %swap3A_150, %swap3A_151, %swap3A_152] : memref<1x1x1x256xf32, #tpu.memory_space<vmem>>, vector<1x1x1x256xf32>
    %swap3A_154 = vector.shape_cast %swap3A_153 : vector<1x1x1x256xf32> to vector<1x256xf32>
    %swap3A_155 = vector.shape_cast %div3A_148 : vector<1x256xf32> to vector<1x1x1x256xf32>
    tpu.vector_store %arg11[%swap3A_149, %swap3A_150, %swap3A_151, %swap3A_152], %swap3A_155 {strides = array<i32>} : memref<1x1x1x256xf32, #tpu.memory_space<vmem>>, vector<1x1x1x256xf32>,
    %div3A_156 = arith.divf %select_n3A_115, %add3A_127 : vector<1x256xf32>
    %swap3A_157 = arith.constant 0 : index
    %swap3A_158 = arith.constant 0 : index
    %swap3A_159 = arith.constant 0 : index
    %swap3A_160 = arith.constant 0 : index
    %swap3A_161 = vector.load %arg12[%swap3A_157, %swap3A_158, %swap3A_159, %swap3A_160] : memref<1x1x1x256xf32, #tpu.memory_space<vmem>>, vector<1x1x1x256xf32>
    %swap3A_162 = vector.shape_cast %swap3A_161 : vector<1x1x1x256xf32> to vector<1x256xf32>
    %swap3A_163 = vector.shape_cast %div3A_156 : vector<1x256xf32> to vector<1x1x1x256xf32>
    tpu.vector_store %arg12[%swap3A_157, %swap3A_158, %swap3A_159, %swap3A_160], %swap3A_163 {strides = array<i32>} : memref<1x1x1x256xf32, #tpu.memory_space<vmem>>, vector<1x1x1x256xf32>,
    %div3A_164 = arith.divf %select_n3A_125, %add3A_127 : vector<1x256xf32>
    %swap3A_165 = arith.constant 0 : index
    %swap3A_166 = arith.constant 0 : index
    %swap3A_167 = arith.constant 0 : index
    %swap3A_168 = arith.constant 0 : index
    %swap3A_169 = vector.load %arg13[%swap3A_165, %swap3A_166, %swap3A_167, %swap3A_168] : memref<1x1x1x256xf32, #tpu.memory_space<vmem>>, vector<1x1x1x256xf32>
    %swap3A_170 = vector.shape_cast %swap3A_169 : vector<1x1x1x256xf32> to vector<1x256xf32>
    %swap3A_171 = vector.shape_cast %div3A_164 : vector<1x256xf32> to vector<1x1x1x256xf32>
    tpu.vector_store %arg13[%swap3A_165, %swap3A_166, %swap3A_167, %swap3A_168], %swap3A_171 {strides = array<i32>} : memref<1x1x1x256xf32, #tpu.memory_space<vmem>>, vector<1x1x1x256xf32>,
    return
  }
  func.func @transform_0(%arg0: i32, %arg1: i32) -> (i32, i32, i32, i32) {
    %c0_i32 = arith.constant 0 : i32
    %c0_i32_0 = arith.constant 0 : i32
    %c0_i32_1 = arith.constant 0 : i32
    return %arg0, %arg1, %c0_i32, %c0_i32_0 : i32, i32, i32, i32
  }
  func.func @transform_1(%arg0: i32, %arg1: i32) -> (i32, i32, i32, i32) {
    %c0_i32 = arith.constant 0 : i32
    %c0_i32_0 = arith.constant 0 : i32
    %c0_i32_1 = arith.constant 0 : i32
    return %arg0, %arg1, %c0_i32, %c0_i32_0 : i32, i32, i32, i32
  }
  func.func @transform_2(%arg0: i32, %arg1: i32) -> (i32, i32, i32, i32) {
    %c0_i32 = arith.constant 0 : i32
    %c0_i32_0 = arith.constant 0 : i32
    %c0_i32_1 = arith.constant 0 : i32
    return %arg0, %arg1, %c0_i32, %c0_i32_0 : i32, i32, i32, i32
  }
  func.func @transform_3(%arg0: i32, %arg1: i32) -> (i32, i32, i32) {
    %c0_i32 = arith.constant 0 : i32
    %c0_i32_0 = arith.constant 0 : i32
    %c0_i32_1 = arith.constant 0 : i32
    return %arg0, %c0_i32, %c0_i32_0 : i32, i32, i32
  }
  func.func @transform_4(%arg0: i32, %arg1: i32) -> (i32, i32, i32) {
    %c0_i32 = arith.constant 0 : i32
    %c0_i32_0 = arith.constant 0 : i32
    %c0_i32_1 = arith.constant 0 : i32
    return %arg0, %c0_i32, %c0_i32_0 : i32, i32, i32
  }
  func.func @transform_5(%arg0: i32, %arg1: i32) -> (i32, i32, i32) {
    %c0_i32 = arith.constant 0 : i32
    %c0_i32_0 = arith.constant 0 : i32
    %c0_i32_1 = arith.constant 0 : i32
    return %arg0, %c0_i32, %c0_i32_0 : i32, i32, i32
  }
  func.func @transform_6(%arg0: i32, %arg1: i32) -> (i32, i32, i32, i32) {
    %c0_i32 = arith.constant 0 : i32
    %c0_i32_0 = arith.constant 0 : i32
    %c0_i32_1 = arith.constant 0 : i32
    return %arg0, %arg1, %c0_i32, %c0_i32_0 : i32, i32, i32, i32
  }
  func.func @transform_7(%arg0: i32, %arg1: i32) -> (i32, i32, i32, i32) {
    %c0_i32 = arith.constant 0 : i32
    %c0_i32_0 = arith.constant 0 : i32
    %c0_i32_1 = arith.constant 0 : i32
    return %arg0, %arg1, %c0_i32, %c0_i32_0 : i32, i32, i32, i32
  }
  func.func @transform_8(%arg0: i32, %arg1: i32) -> (i32, i32, i32, i32) {
    %c0_i32 = arith.constant 0 : i32
    %c0_i32_0 = arith.constant 0 : i32
    %c0_i32_1 = arith.constant 0 : i32
    return %arg0, %arg1, %c0_i32, %c0_i32_0 : i32, i32, i32, i32
  }
  func.func @transform_9(%arg0: i32, %arg1: i32) -> (i32, i32, i32, i32) {
    %c0_i32 = arith.constant 0 : i32
    %c0_i32_0 = arith.constant 0 : i32
    %c0_i32_1 = arith.constant 0 : i32
    return %arg0, %arg1, %c0_i32, %c0_i32_0 : i32, i32, i32, i32
  }
  func.func @transform_10(%arg0: i32, %arg1: i32) -> (i32, i32, i32, i32) {
    %c0_i32 = arith.constant 0 : i32
    %c0_i32_0 = arith.constant 0 : i32
    %c0_i32_1 = arith.constant 0 : i32
    return %arg0, %arg1, %c0_i32, %c0_i32_0 : i32, i32, i32, i32
  }
  func.func @transform_11(%arg0: i32, %arg1: i32) -> (i32, i32, i32, i32) {
    %c0_i32 = arith.constant 0 : i32
    %c0_i32_0 = arith.constant 0 : i32
    %c0_i32_1 = arith.constant 0 : i32
    return %arg0, %arg1, %c0_i32, %c0_i32_0 : i32, i32, i32, i32
  }
}

</mosaic_0001>

<sc_bundles>
// kernel: kernel.4.cloned.1.call-start
scs
__scs_entry_jumppad:
0x0: {  	(pc) =	sbr.rel $0x88, $3  }
0x1: {  	(tag) =	ssettag $0x0;
	lr =	simm.s32 $0x1  }
0x2: {  	[smem:$0x3F9F] =	sst lr;
	_ =	strace $0xD0000000  }
0x3: {  	_ = 	snop  }
0x4: {  	_ = 	snop  }
0x5: {  	_ = 	snop  }
0x6: {  	_ = 	snop  }
0x7: {  	_ = 	snop  }
__scs_overlays_trampoline_lowered:
0x8: {  	[smem:$0x3FAE] =	sst s0  }
0x9: {  	[smem:$0x3FAF] =	sst s1  }
0xa: {  	[smem:$0x3FB0] =	sst s2  }
0xb: {  	[smem:$0x3FB1] =	sst s3  }
0xc: {  	[smem:$0x3FB2] =	sst s4  }
0xd: {  	[smem:$0x3FB3] =	sst s5  }
0xe: {  	[smem:$0x3FB4] =	sst s6  }
0xf: {  	[smem:$0x3FB5] =	sst s7  }
0x10: {  	[smem:$0x3FB6] =	sst s8  }
0x11: {  	[smem:$0x3FB7] =	sst s9;
	s0 =	simm.s32 @!p0 $0x0  }
0x12: {  	s1 =	sld [smem:$0x3F9D];
	s0 =	simm.s32 @p0 $0x1  }
0x13: {  	[smem:$0x3FB8] =	sst s0;
	s0 =	simm.s32 @!p1 $0x0  }
0x14: {  	s2 =	sld [smem:$0x3F9C];
	s0 =	simm.s32 @p1 $0x1  }
0x15: {  	[smem:$0x3FB9] =	sst s0;
	s0 =	simm.s32 @!p2 $0x0  }
0x16: {  	s3 =	sld [smem:$0x3FDB];
	s0 =	simm.s32 @p2 $0x1  }
0x17: {  	s4 =	simm.s32 $0x1BF5;
	[smem:$0x3FBB] =	sst s0  }
0x18: {  	s0 =	sld [smem:$0x3F9E];
	_ =	swait.ge [sflag:s4], $0x0  }
0x19: {  	s7 =	sld [smem:$0x3F9F]  }
0x1a: {  	s8 =	sadd.s32 $0xFFFFE003, lr  }
0x1b: {  	s9 =	sadd.s32 $0xFFFFFEF7, lr;
	s5 =	simm.s32 $0xFFFFFFFF;
	p2 =	slt.u32 s8, $0xFFFFF086  }
0x1c: {  	p1 =	slt.u32 s9, $0xF7A;
	s5 =	simm.s32 @!p2 $0x0  }
0x1d: {  	s5 =	simm.s32 @p1 $0x1;
	p0 =	seq.s32 s7, s2  }
0x1e: {  	s7 =	smul.u32 @!p0 $0xF7A, s2;
	p2 =	seq.s32 @!p0 s5, $0x0  }
0x1f: {  	s9 =	smul.u32 $0xF7A, s1;
	s8 =	simm.s32 @!p0 $0x1BF5;
	p2 =	por !p2, p0  }
0x20: {  	[sflag:s8] =	ssyncset.s32 @!p0 $0xFFFFF086;
	s6 =	sadd.s32 @!p0 s3, s7;
	s7 =	simm.s32 @!p0 $0x108  }
0x21: {  	s3 =	sadd.s32 s3, s9;
	s6 =	sadd.s32 @!p0 $0x88, s6;
	s7 =	simm.s32 @p2 $0x1082  }
0x22: {  	[simem:s7], [sflag:s8] =	dma.local @!p0 [hbm:s6], $0xF7A  }
0x23: {  	s9 =	sor.u32 $0xD0000000, s2;
	s6 =	simm.s32 $0x108;
	_ =	swait.ge @!p0 [sflag:s8], $0x0  }
0x24: {  	s3 =	sadd.s32 $0x88, s3;
	s6 =	simm.s32 @!p1 $0x1082;
	[sflag:s4] =	ssyncset.s32 $0xFFFFF086  }
0x25: {  	[simem:s6], [sflag:s4] =	dma.local [hbm:s3], $0xF7A  }
0x26: {  	[smem:$0x3F9F] =	sst s1;
	(tag) =	ssettag s2;
	_ =	strace s9  }
0x27: {  	s1 =	sld [smem:$0x3FAF]  }
0x28: {  	s2 =	sld [smem:$0x3FB0]  }
0x29: {  	s4 =	sld [smem:$0x3FB2]  }
0x2a: {  	p0 =	seq.s32 s5, $0x0;
	s5 =	sld [smem:$0x3FB3]  }
0x2b: {  	s6 =	sld [smem:$0x3FB4]  }
0x2c: {  	s7 =	sld [smem:$0x3FB5]  }
0x2d: {  	s3 =	simm.s32 $0x108;
	s8 =	sld [smem:$0x3FB6]  }
0x2e: {  	s3 =	simm.s32 @!p0 $0x1082;
	s9 =	sld [smem:$0x3FB7]  }
0x2f: {  	lr =	sadd.s32 s0, s3;
	s0 =	sld [smem:$0x3FAE]  }
0x30: {  	s3 =	sld [smem:$0x3FB1]  }
0x31: {  	[smem:$0x3FBA] =	sst s10  }
0x32: {  	s10 =	sld [smem:$0x3FB8];
	_ =	sdelay $0x3  }
0x33: {  	p0 =	seq.s32 s10, $0x1;
	s10 =	sld [smem:$0x3FBA];
	_ =	sdelay $0x3  }
0x34: {  	[smem:$0x3FBA] =	sst s10  }
0x35: {  	s10 =	sld [smem:$0x3FB9];
	_ =	sdelay $0x3  }
0x36: {  	p1 =	seq.s32 s10, $0x1;
	s10 =	sld [smem:$0x3FBA];
	_ =	sdelay $0x3  }
0x37: {  	[smem:$0x3FBA] =	sst s10  }
0x38: {  	s10 =	sld [smem:$0x3FBB]  }
0x39: {  	_ = 	snop;
	(pc) =	sbr.ind lr, $3  }
0x3a: {  	_ = 	snop  }
0x3b: {  	_ = 	snop  }
0x3c: {  	p2 =	seq.s32 s10, $0x1;
	s10 =	sld [smem:$0x3FBA]  }
0x3d: {  	_ =	shalt  }
0x3e: {  	_ =	shalt  }
0x3f: {  	_ =	shalt  }
0x40: {  	_ =	shalt  }
0x41: {  	_ =	shalt  }
0x42: {  	_ =	shalt  }
0x43: {  	_ =	shalt  }
0x44: {  	_ =	shalt  }
0x45: {  	_ =	shalt  }
0x46: {  	_ =	shalt  }
0x47: {  	_ =	shalt  }
0x48: {  	_ =	shalt  }
0x49: {  	_ =	shalt  }
0x4a: {  	_ =	shalt  }
0x4b: {  	_ =	shalt  }
0x4c: {  	_ =	shalt  }
0x4d: {  	_ =	shalt  }
0x4e: {  	_ =	shalt  }
0x4f: {  	_ =	shalt  }
0x50: {  	_ =	shalt  }
0x51: {  	_ =	shalt  }
0x52: {  	_ =	shalt  }
0x53: {  	_ =	shalt  }
0x54: {  	_ =	shalt  }
0x55: {  	_ =	shalt  }
0x56: {  	_ =	shalt  }
0x57: {  	_ =	shalt  }
0x58: {  	_ =	shalt  }
0x59: {  	_ =	shalt  }
0x5a: {  	_ =	shalt  }
0x5b: {  	_ =	shalt  }
0x5c: {  	_ =	shalt  }
0x5d: {  	_ =	shalt  }
0x5e: {  	_ =	shalt  }
0x5f: {  	_ =	shalt  }
0x60: {  	_ =	shalt  }
0x61: {  	_ =	shalt  }
0x62: {  	_ =	shalt  }
0x63: {  	_ =	shalt  }
0x64: {  	_ =	shalt  }
0x65: {  	_ =	shalt  }
0x66: {  	_ =	shalt  }
0x67: {  	_ =	shalt  }
0x68: {  	_ =	shalt  }
0x69: {  	_ =	shalt  }
0x6a: {  	_ =	shalt  }
0x6b: {  	_ =	shalt  }
0x6c: {  	_ =	shalt  }
0x6d: {  	_ =	shalt  }
0x6e: {  	_ =	shalt  }
0x6f: {  	_ =	shalt  }
0x70: {  	_ =	shalt  }
0x71: {  	_ =	shalt  }
0x72: {  	_ =	shalt  }
0x73: {  	_ =	shalt  }
0x74: {  	_ =	shalt  }
0x75: {  	_ =	shalt  }
0x76: {  	_ =	shalt  }
0x77: {  	_ =	shalt  }
0x78: {  	_ =	shalt  }
0x79: {  	_ =	shalt  }
0x7a: {  	_ =	shalt  }
0x7b: {  	_ =	shalt  }
0x7c: {  	_ =	shalt  }
0x7d: {  	_ =	shalt  }
0x7e: {  	_ =	shalt  }
0x7f: {  	_ =	shalt  }
0x80: {  	_ =	shalt  }
0x81: {  	_ =	shalt  }
0x82: {  	_ =	shalt  }
0x83: {  	_ =	shalt  }
0x84: {  	_ =	shalt  }
0x85: {  	_ =	shalt  }
0x86: {  	_ =	shalt  }
0x87: {  	_ =	shalt  }
.Lfunc_end0:
.L_simem_size_0:
called_computation_lowered:
.L_overlay_start_0:
0x88: {  	s2 =	sld [smem:$0x3FD9]  }
0x89: {  	s3 =	sld [smem:$0x3FFE];
	_ =	sdelay $0x1  }
0x8a: {  	s1 =	srdreg.scid  }
0x8b: {  	s0 =	sand.u32 $0x1, s1  }
0x8c: {  	s14 =	sshll.u32 s0, $0xA;
	s2 =	sadd.s32 s3, s2  }
0x8d: {  	s2 =	sadd.s32 s2, s14  }
0x8e: {  	[smem:$0x3FC6] =	sst s2  }
0x8f: {  	_ = 	snop  }
0x90: {  	s2 =	sld [smem:$0x3FD0];
	_ =	sdelay $0x2  }
0x91: {  	s15 =	simm.s32 $0xA;
	s4 =	simm.s32 $0x10  }
0x92: {  	[smem:s4], [sflag:s15] =	dma.local [hbm:s2], $0x1  }
0x93: {  	_ =	swait.eq [sflag:s15], $0x1  }
0x94: {  	[sflag:s15] =	ssyncset.done $0x0  }
0x95: {  	s16 =	sld [smem:$0x10];
	[sflag:s15] =	ssyncadd.s32 $0xFFFFFFFF  }
0x96: {  	s17 =	sld [smem:$0x11];
	(tm) =	ssettm $0x1  }
0x97: {  	s18 =	sld [smem:$0x3FFB];
	_ =	sdelay $0x3  }
0x98: {  	_ =	strace s18  }
0x99: {  	s4 =	sld [smem:$0x3FFC];
	_ =	sdelay $0x3  }
0x9a: {  	_ =	strace s4  }
0x9b: {  	s4 =	sld [smem:$0x3FFD];
	_ =	sdelay $0x3  }
0x9c: {  	_ =	strace s4  }
0x9d: {  	_ =	strace $0x8FFFFFFF  }
0x9e: {  	s19 =	sld [smem:$0x3FDB];
	_ =	sdelay $0x1  }
0x9f: {  	s5 =	simm.s32 $_scs_section_size  }
0xa0: {  	s6 =	simm.s32 $_size__tile_overlayer_lowered;
	s7 =	simm.s32 $_tile_overlayer_lowered  }
0xa1: {  	s22 =	simm.s32 $0x1BFF;
	s21 =	sshll.u32 s7, $0x1;
	s4 =	sadd.s32 s5, s19  }
0xa2: {  	s8 =	simm.s32 $0x0;
	s20 =	sshll.u32 s6, $0x1;
	s6 =	sadd.s32 s21, s4  }
0xa3: {  	[timem:s8], [sflag:s22] =	dma.local [hbm:s6], s20  }
0xa4: {  	_ =	swait.ge [sflag:s22], s20  }
0xa5: {  	s5 =	ssub.s32 $0x0, s20;
	[sflag:s22] =	ssyncset.done $0x0  }
0xa6: {  	[sflag:s22] =	ssyncadd.s32 s5;
	_ =	sdelay $0x1  }
0xa7: {  	s23 =	simm.s32 $0x1B8B  }
0xa8: {  	_ =	swait.ge [sflag:s23], $0x1  }
0xa9: {  	[sflag:s23] =	ssyncset.done $0x0  }
0xaa: {  	s25 =	simm.s32 $0x1B8E;
	s24 =	sld [smem:$0x3FFE];
	[sflag:s23] =	ssyncadd.s32 $0xFFFFFFFF  }
0xab: {  	s26 =	simm.s32 $execute0_lowered;
	[smem:$0x3FD2] =	sst s25  }
0xac: {  	s6 =	sshll.u32 s26, $0x1;
	_ =	strace $0x80000046;
	[dreg:$0x1] =	wrdreg $0xFFFFFFFF  }
0xad: {  	s28 =	simm.s32 $_size_execute0_lowered;
	s4 =	sadd.s32 s4, s6;
	[dreg:$0x0] =	wrdreg $0x0  }
0xae: {  	s6 =	sshll.u32 s28, $0x1;
	[dreg:$0x2] =	wrdreg s4  }
0xaf: {  	[dreg:$0x3] =	wrdreg s6  }
0xb0: {  	[dreg:$0x4] =	wrdreg $0xC0  }
0xb1: {  	_ =	task [dreg:s8], $0x5FFFF  }
0xb2: {  	[dreg:$0x1] =	wrdreg $0xFFFFFFFF  }
0xb3: {  	[dreg:$0x0] =	wrdreg $0x60  }
0xb4: {  	[dreg:$0x2] =	wrdreg s17  }
0xb5: {  	[dreg:$0x3] =	wrdreg s16  }
0xb6: {  	[dreg:$0x4] =	wrdreg s24  }
0xb7: {  	[dreg:$0x5] =	wrdreg $0x9  }
0xb8: {  	_ =	task.clear_ibuf [dreg:s8], $0x6FFFF;
	_ =	strace $0x90000046  }
0xb9: {  	s29 =	simm.s32 $0x9;
	_ =	strace $0x80000048  }
0xba: {  	_ =	swait.ge [sflag:s29], $0x1  }
0xbb: {  	[sflag:s29] =	ssyncadd.s32 $0xFFFFFFFF  }
0xbc: {  	_ =	strace $0x90000048  }
0xbd: {  	_ =	sfence  }
0xbe: {  	s30 =	sld [smem:$0x0];
	_ =	sdelay $0x2  }
0xbf: {  	s31 =	sshll.u32 s1, $0xD;
	s1 =	sshrl.u32 s1, $0x2  }
0xc0: {  	s3 =	sand.u32 $0x4000, s31;
	s1 =	sadd.s32 s1, s30  }
0xc1: {  	s0 =	sor.u32 s3, s0;
	s1 =	sshll.u32 s1, $0x11  }
0xc2: {  	s0 =	sor.u32 s1, s0  }
0xc3: {  	s0 =	sadd.s32 $0x8F2B, s0  }
0xc4: {  	[sflag:s0] =	ssyncadd.remote.s32 $0x1  }
0xc5: {  	_ =	sfence.sel $0xFFFF  }
0xc6: {  	[dreg:$0x0] =	wrdreg $0xFFFFFFFF;
	(pc) =	sbr.abs _section_cstart, $3  }
0xc7: {  	[dreg:$0x1] =	wrdreg $0xFFFFFFFF  }
0xc8: {  	_ =	task.clear_ibuf [dreg:s8], $0x2FFFF;
	_ =	strace $0x9FFFFFFF  }
0xc9: {  	(tm) =	ssettm $0x7FFFFFFF  }
tec
execute0_lowered:
.L_overlay_start_1:
0x0: {  	(tag) =	ssettag $0x1  }
0x1: {  	s3 =	rddreg [dreg:$0x0]  }
0x2: {  	s2 =	stileid.u32;
	s4 =	rddreg [dreg:$0x1]  }
0x3: {  	s0 =	srdreg.scid;
	s6 =	rddreg [dreg:$0x2]  }
0x4: {  	s16 =	simm.s32 $0x80;
	s17 =	simm.s32 $0x200;
	s18 =	simm.s32 $0x1  }
0x5: {  	s25 =	simm.s32 $0x2600;
	s28 =	simm.s32 $0x2900;
	s1 =	sshll.u32 s2, $0x1  }
0x6: {  	s29 =	simm.s32 $0x2A80;
	s0 =	sand.u32 $0x1, s0;
	s1 =	sand.u32 $0x6, s1  }
0x7: {  	s30 =	simm.s32 $0x2C00;
	s2 =	sshll.u32 s2, $0x5;
	s1 =	sor.u32 s0, s1  }
0x8: {  	s5 =	sand.u32 $0x180, s2;
	s2 =	simm.s32 $0x0;
	s1 =	smul.u32 $0x600, s1  }
0x9: {  	s31 =	simm.s32 $0x0;
	[smem:$0x7FF] =	sst s2;
	s0 =	ssub.s32 $0x2, s0  }
0xa: {  	s26 =	sshrl.u32 s5, $0x3;
	s7 =	sshrl.u32 s0, $0x1;
	s1 =	sor.u32 s5, s1  }
0xb: {  	_ =	strace $0x80000047;
	s0 =	ssub.s32 s0, s7;
	s1 =	sshrl.u32 s1, $0x3  }
0xc: {  	s15 =	smax.u32 s0, $0x1;
	s14 =	sadd.s32 s1, s6;
	s3 =	sadd.s32 s3, s1  }
0xd: {  	s4 =	sadd.s32 s4, s1;
	s6 =	sadd.s32 s6, s26;
	s26 =	simm.s32 $0x2780  }
0xe: {  	s5 =	sadd.s32 $0xC00, s14;
	s7 =	sadd.s32 $0x400, s6;
	s8 =	sadd.s32 $0x800, s6  }
0xf: {  	s9 =	sadd.s32 $0x2A00, s14;
	s10 =	sadd.s32 $0x3000, s14;
	s11 =	sadd.s32 $0x2400, s14  }
0x10: {  	s12 =	sadd.s32 $0x1800, s14;
	s13 =	sadd.s32 $0x1E00, s14;
	s14 =	sadd.s32 $0x1200, s14  }
.LBB2_1:
0x11: {  	[tilespmem:s2], [sflag:$0x1] =	stream.strided.gather [hbm4b:s3+s16], $0x180, s17, s16, $0x38;
	[tilespmem:$0x2D80] =	vst v63  }
0x12: {  	_ =	swait.ge [sflag:s18], $0x180  }
0x13: {  	[sflag:s18] =	ssyncset.done $0x0  }
0x14: {  	s0 =	simm.s32 $0x180;
	[sflag:s18] =	ssyncadd.s32 $0xFFFFFE80  }
0x15: {  	[tilespmem:s0], [sflag:$0x1] =	stream.strided.gather [hbm4b:s4+s16], $0x180, s17, s16, $0x38;
	[tilespmem:$0x2D80] =	vst v63  }
0x16: {  	_ =	swait.ge [sflag:s18], $0x180  }
0x17: {  	[sflag:s18] =	ssyncset.done $0x0  }
0x18: {  	s21 =	simm.s32 $0x300;
	[sflag:s18] =	ssyncadd.s32 $0xFFFFFE80  }
0x19: {  	[tilespmem:s21], [sflag:$0x1] =	stream.strided.gather [hbm4b:s5+s16], $0x180, s17, s16, $0x38;
	[tilespmem:$0x2D80] =	vst v63  }
0x1a: {  	_ =	swait.ge [sflag:s18], $0x180  }
0x1b: {  	[sflag:s18] =	ssyncset.done $0x0  }
0x1c: {  	s22 =	simm.s32 $0x480;
	[sflag:s18] =	ssyncadd.s32 $0xFFFFFE80  }
0x1d: {  	[tilespmem:s22], [sflag:$0x1] =	stream.strided.gather [hbm4b:s7+s16], $0x800, s17, s16, $0x38;
	[tilespmem:$0x2D80] =	vst v63  }
0x1e: {  	_ =	swait.ge [sflag:s18], $0x800  }
0x1f: {  	[sflag:s18] =	ssyncset.done $0x0  }
0x20: {  	s23 =	simm.s32 $0xC80;
	[sflag:s18] =	ssyncadd.s32 $0xFFFFF800  }
0x21: {  	[tilespmem:s23], [sflag:$0x1] =	stream.strided.gather [hbm4b:s8+s16], $0x800, s17, s16, $0x38;
	[tilespmem:$0x2D80] =	vst v63  }
0x22: {  	_ =	swait.ge [sflag:s18], $0x800  }
0x23: {  	[sflag:s18] =	ssyncset.done $0x0  }
0x24: {  	s24 =	simm.s32 $0x1480;
	[sflag:s18] =	ssyncadd.s32 $0xFFFFF800  }
0x25: {  	[tilespmem:s24], [sflag:$0x1] =	stream.strided.gather [hbm4b:s6+s16], $0x800, s17, s16, $0x38;
	[tilespmem:$0x2D80] =	vst v63  }
0x26: {  	_ =	swait.ge [sflag:s18], $0x800  }
0x27: {  	[sflag:s18] =	ssyncset.done $0x0  }
0x28: {  	s0 =	simm.s32 $0x0;
	[sflag:s18] =	ssyncadd.s32 $0xFFFFF800  }
0x29: {  	v0 =	vld [tilespmem:s0+$0x480]  }
0x2a: {  	v1 =	vld [tilespmem:s0+$0xC80]  }
0x2b: {  	v2 =	vld [tilespmem:s0+$0x1480];
	_ =	sdelay $0x2  }
0x2c: {  	v3 =	vshrl.u32 v0, $0x10  }
0x2d: {  	v3 =	vand.u32 $0x1, v3  }
0x2e: {  	v4 =	vshrl.u32 v1, $0x10;
	v5 =	vshrl.u32 v2, $0x10;
	v3 =	vadd.s32 v3, v0  }
0x2f: {  	v6 =	vmul.f32 v1, v1;
	v4 =	vand.u32 $0x1, v4;
	v3 =	vadd.s32 $0x7FFF, v3  }
0x30: {  	v5 =	vand.u32 $0x1, v5;
	v4 =	vadd.s32 v4, v1;
	v3 =	vand.u32 $0xFFFF0000, v3  }
0x31: {  	v5 =	vadd.s32 v5, v2;
	v4 =	vadd.s32 $0x7FFF, v4;
	v3 =	vadd.f32 v3, v3  }
0x32: {  	v0 =	vmul.f32 v0, v0;
	v1 =	vadd.s32 $0x7FFF, v5;
	v4 =	vand.u32 $0xFFFF0000, v4  }
0x33: {  	v4 =	vadd.f32 v4, v4;
	[tilespmem:s0+$0x480] =	vst v3;
	v3 =	vand.u32 $0xFFFF0000, v1  }
0x34: {  	s1 =	simm.s32 $0x10;
	v2 =	vmul.f32 v2, v2;
	v63 =	vadd.f32 v6, v0;
	v3 =	vadd.f32 v3, v3  }
0x35: {  	v1 =	vld [tilespmem:s1+$0x480];
	[tilespmem:s0+$0xC80] =	vst v4  }
0x36: {  	s19 =	simm.s32 $0x80;
	v2 =	vadd.f32 v2, v63;
	v0 =	vld [tilespmem:s1+$0xC80];
	[tilespmem:s0+$0x1480] =	vst v3  }
.LBB2_2:
0x37: {  	p0 =	sne.s32 s19, $0x1FC0;
	v3 =	vld [tilespmem:s1+$0x1480]  }
0x38: {  	[tilespmem:s0+$0x1C80] =	vst v2;
	s0 =	smov.u32 s1;
	_ =	sdelay $0x1  }
0x39: {  	v2 =	vmul.f32 v1, v1;
	v4 =	vshrl.u32 v1, $0x10  }
0x3a: {  	v5 =	vmul.f32 v0, v0;
	v4 =	vand.u32 $0x1, v4;
	v6 =	vshrl.u32 v0, $0x10  }
0x3b: {  	v1 =	vadd.s32 v4, v1;
	v4 =	vand.u32 $0x1, v6;
	v6 =	vshrl.u32 v3, $0x10  }
0x3c: {  	v1 =	vadd.s32 $0x7FFF, v1;
	v0 =	vadd.s32 v4, v0;
	v4 =	vand.u32 $0x1, v6  }
0x3d: {  	v1 =	vand.u32 $0xFFFF0000, v1;
	v0 =	vadd.s32 $0x7FFF, v0;
	v4 =	vadd.s32 v4, v3  }
.Ltmp0:
0x3e: {  	v1 =	vadd.f32 v1, v1;
	v0 =	vand.u32 $0xFFFF0000, v0;
	v4 =	vadd.s32 $0x7FFF, v4;
	(pc) =	sbr.rel @p0 .LBB2_2-.Ltmp0, $4  }
0x3f: {  	v2 =	vadd.f32 v5, v2;
	v0 =	vadd.f32 v0, v0;
	v4 =	vand.u32 $0xFFFF0000, v4  }
0x40: {  	s1 =	sshra.s32 s19, $0x2;
	v3 =	vmul.f32 v3, v3;
	[tilespmem:s0+$0x480] =	vst v1;
	v4 =	vadd.f32 v4, v4  }
0x41: {  	v1 =	vld [tilespmem:s1+$0x480];
	[tilespmem:s0+$0xC80] =	vst v0  }
0x42: {  	s19 =	sadd.s32 $0x40, s19;
	v2 =	vadd.f32 v3, v2;
	v0 =	vld [tilespmem:s1+$0xC80];
	[tilespmem:s0+$0x1480] =	vst v4  }
0x43: {  	_ = 	snop  }
0x44: {  	v3 =	vld [tilespmem:s1+$0x1480];
	_ =	sdelay $0x1  }
0x45: {  	v4 =	vshrl.u32 v1, $0x10  }
0x46: {  	v6 =	vmul.f32 v1, v1;
	v4 =	vand.u32 $0x1, v4  }
0x47: {  	v5 =	vshrl.u32 v0, $0x10;
	v60 =	vmul.f32 v0, v0;
	v57 =	vadd.s32 v4, v1  }
0x48: {  	v58 =	vand.u32 $0x1, v5;
	v59 =	vshrl.u32 v3, $0x10;
	v1 =	vadd.s32 $0x7FFF, v57  }
0x49: {  	v4 =	vadd.s32 v58, v0;
	v5 =	vand.u32 $0x1, v59;
	v0 =	vadd.f32 v60, v6  }
0x4a: {  	v1 =	vand.u32 $0xFFFF0000, v1;
	v4 =	vadd.s32 $0x7FFF, v4;
	v5 =	vadd.s32 v5, v3  }
0x4b: {  	v3 =	vmul.f32 v3, v3;
	v1 =	vadd.f32 v1, v1;
	v4 =	vand.u32 $0xFFFF0000, v4  }
0x4c: {  	[tilespmem:s0+$0x1C80] =	vst v2;
	v5 =	vadd.s32 $0x7FFF, v5;
	v61 =	vadd.f32 v4, v4  }
0x4d: {  	v62 =	vand.u32 $0xFFFF0000, v5;
	v0 =	vadd.f32 v3, v0;
	[tilespmem:s1+$0x480] =	vst v1  }
0x4e: {  	v63 =	vadd.f32 v62, v62;
	[tilespmem:s1+$0xC80] =	vst v61  }
0x4f: {  	[tilespmem:s1+$0x1C80] =	vst v0  }
0x50: {  	[tilespmem:s1+$0x1480] =	vst v63;
	s1 =	simm.s32 $0x0  }
.LBB2_4:
0x51: {  	s0 =	sshll.u32 s1, $0x4  }
0x52: {  	v0 =	vld [tilespmem:s0+$0x0]  }
0x53: {  	v1 =	vld [tilespmem:s0+$0x180]  }
0x54: {  	v2 =	vld [tilespmem:s0+$0x300];
	_ =	sdelay $0x1  }
0x55: {  	v11 =	vimm.f32 $+Inf;
	v10 =	vimm.s32 $0x0  }
0x56: {  	v8 =	vimm.s32 $0x0;
	v9 =	vimm.s32 $0x0;
	v12 =	vimm.f32 $+Inf  }
0x57: {  	v13 =	vimm.f32 $+Inf;
	v3 =	vshrl.u32 v0, $0x10;
	v4 =	vshrl.u32 v1, $0x10  }
0x58: {  	v5 =	vshrl.u32 v2, $0x10;
	v6 =	vmul.f32 v1, v1;
	v3 =	vand.u32 $0x1, v3  }
0x59: {  	v4 =	vand.u32 $0x1, v4;
	v3 =	vadd.s32 v3, v0;
	v0 =	vmul.f32 v0, v0  }
0x5a: {  	v1 =	vadd.s32 v4, v1;
	v4 =	vand.u32 $0x1, v5;
	v3 =	vadd.s32 $0x7FFF, v3  }
0x5b: {  	v4 =	vadd.s32 v4, v2;
	v5 =	vadd.f32 v6, v0;
	v6 =	vmul.f32 v2, v2  }
0x5c: {  	s19 =	simm.s32 $0x1F;
	s20 =	simm.s32 $0xC90;
	v1 =	vadd.s32 $0x7FFF, v1;
	v0 =	vand.u32 $0xFFFF0000, v3;
	v2 =	vadd.s32 $0x7FFF, v4  }
0x5d: {  	s21 =	simm.s32 $0x1490;
	s22 =	simm.s32 $0x1C90;
	s23 =	simm.s32 $0x490;
	v1 =	vand.u32 $0xFFFF0000, v1;
	v2 =	vand.u32 $0xFFFF0000, v2;
	v3 =	vadd.f32 v6, v5  }
.LBB2_5:
0x5e: {  	v7 =	vld [tilespmem:s23+$0xFFFFFFF0]  }
0x5f: {  	v5 =	vld [tilespmem:s20+$0xFFFFFFF0]  }
0x60: {  	v4 =	vld [tilespmem:s21+$0xFFFFFFF0]  }
0x61: {  	v6 =	vld [tilespmem:s22+$0xFFFFFFF0];
	_ =	sdelay $0x2  }
0x62: {  	v14 =	vbroadcast v7, $0x0  }
0x63: {  	v15 =	vbroadcast v5, $0x0;
	v16 =	vbroadcast v4, $0x0  }
0x64: {  	v56 =	vbroadcast v6, $0x0;
	v57 =	vbroadcast v7, $0x1  }
0x65: {  	v17 =	vbroadcast v5, $0x1;
	v59 =	vbroadcast v4, $0x1  }
0x66: {  	v18 =	vbroadcast v6, $0x1;
	v63 =	vbroadcast v5, $0x2  }
0x67: {  	v22 =	vbroadcast v7, $0x3;
	v23 =	vbroadcast v4, $0x3  }
0x68: {  	v24 =	vbroadcast v6, $0x3;
	v27 =	vbroadcast v7, $0x4  }
0x69: {  	v29 =	vbroadcast v6, $0x4;
	v30 =	vbroadcast v7, $0x5  }
0x6a: {  	v31 =	vbroadcast v5, $0x5;
	v33 =	vbroadcast v4, $0x5  }
0x6b: {  	v36 =	vbroadcast v6, $0x5;
	v39 =	vbroadcast v5, $0x6  }
0x6c: {  	v40 =	vbroadcast v4, $0x6;
	v42 =	vbroadcast v7, $0x7  }
0x6d: {  	v44 =	vbroadcast v4, $0x7;
	v46 =	vbroadcast v6, $0x7  }
0x6e: {  	v14 =	vmul.f32 v0, v14;
	v15 =	vmul.f32 v1, v15  }
0x6f: {  	v47 =	vbroadcast v5, $0x8;
	v48 =	vbroadcast v4, $0x8  }
0x70: {  	v50 =	vbroadcast v6, $0x8;
	v14 =	vadd.f32 v15, v14;
	v15 =	vmul.f32 v2, v16  }
0x71: {  	v52 =	vbroadcast v7, $0x9;
	v53 =	vbroadcast v4, $0x9  }
0x72: {  	v55 =	vbroadcast v7, $0xA;
	v14 =	vadd.f32 v15, v14;
	v15 =	vadd.f32 v56, v3  }
0x73: {  	v58 =	vmul.f32 v1, v17;
	v60 =	vmul.f32 v2, v59;
	v18 =	vadd.f32 v18, v3  }
0x74: {  	v32 =	vmul.f32 v1, v31;
	v35 =	vmul.f32 v2, v33;
	v14 =	vsub.f32 v15, v14  }
0x75: {  	v37 =	vadd.f32 v36, v3;
	v59 =	vbroadcast v6, $0xA;
	v15 =	vmul.f32 v0, v57  }
0x76: {  	v31 =	vbroadcast v4, $0xE;
	v33 =	vbroadcast v6, $0xE;
	v14 =	vmax.f32 v14, $0.0e+00  }
0x77: {  	v57 =	vbroadcast v4, $0xA;
	v15 =	vadd.f32 v58, v15;
	vm0 =	vlt.f32 v14, v13  }
0x78: {  	vm1 =	vlt.f32 v14, v12;
	v61 =	vmin.f32 v14, v12;
	vm2 =	vlt.f32 v14, v11  }
0x79: {  	s24 =	sadd.s32 $0xFFFFFFE1, s19;
	v11 =	vmin.f32 v14, v11;
	v17 =	vsel vm0, v13, v61;
	v15 =	vadd.f32 v60, v15  }
0x7a: {  	v62 =	vsel vm1, s24, v8;
	v11 =	vsel vm1, v12, v11;
	v12 =	vbroadcast v7, $0x2  }
0x7b: {  	v10 =	vsel vm2, s24, v10;
	v60 =	vbroadcast v5, $0xB;
	v61 =	vbroadcast v4, $0xB  }
0x7c: {  	v16 =	vsel vm0, v9, v62;
	v8 =	vsel vm1, v8, v10;
	v15 =	vsub.f32 v18, v15  }
0x7d: {  	v10 =	vmin.f32 v14, v13;
	v14 =	vmul.f32 v1, v63;
	v12 =	vmul.f32 v0, v12  }
0x7e: {  	v9 =	vsel vm0, s24, v9;
	v63 =	vbroadcast v6, $0xB;
	v13 =	vmax.f32 v15, $0.0e+00  }
0x7f: {  	v15 =	vbroadcast v4, $0x2;
	v12 =	vadd.f32 v14, v12;
	vm7 =	vlt.f32 v13, v10  }
0x80: {  	v21 =	vmin.f32 v13, v17;
	vm8 =	vlt.f32 v13, v17;
	vm9 =	vlt.f32 v13, v11  }
0x81: {  	v11 =	vmin.f32 v13, v11;
	v14 =	vmul.f32 v2, v15;
	v15 =	vbroadcast v6, $0x2  }
0x82: {  	v18 =	vsel vm7, v10, v21;
	v11 =	vsel vm8, v17, v11;
	v10 =	vmin.f32 v13, v10  }
0x83: {  	s24 =	sadd.s32 $0xFFFFFFE2, s19;
	v13 =	vmul.f32 v0, v22;
	v12 =	vadd.f32 v14, v12;
	v14 =	vadd.f32 v15, v3  }
0x84: {  	v8 =	vsel vm9, s24, v8;
	v17 =	vmul.f32 v0, v27;
	v22 =	vbroadcast v7, $0xC  }
0x85: {  	v27 =	vbroadcast v4, $0xD;
	v12 =	vsub.f32 v14, v12;
	v14 =	vbroadcast v5, $0x3  }
0x86: {  	v8 =	vsel vm8, v16, v8;
	v15 =	vsel vm8, s24, v16;
	v16 =	vmul.f32 v0, v42  }
0x87: {  	v15 =	vsel vm7, v9, v15;
	v12 =	vmax.f32 v12, $0.0e+00;
	v14 =	vmul.f32 v1, v14  }
0x88: {  	v9 =	vsel vm7, s24, v9;
	vm10 =	vlt.f32 v12, v10;
	vm11 =	vlt.f32 v12, v18  }
0x89: {  	v25 =	vmin.f32 v12, v18;
	v13 =	vadd.f32 v14, v13;
	v14 =	vmul.f32 v2, v23  }
0x8a: {  	vm12 =	vlt.f32 v12, v11;
	v11 =	vmin.f32 v12, v11;
	v26 =	vsel vm10, v10, v25  }
0x8b: {  	s24 =	sadd.s32 $0xFFFFFFE3, s19;
	v11 =	vsel vm11, v18, v11;
	v13 =	vadd.f32 v14, v13;
	v14 =	vadd.f32 v24, v3  }
0x8c: {  	v28 =	vsel vm11, s24, v15;
	v8 =	vsel vm12, s24, v8;
	v10 =	vmin.f32 v12, v10  }
0x8d: {  	v23 =	vbroadcast v4, $0xC;
	v13 =	vsub.f32 v14, v13;
	v14 =	vbroadcast v5, $0x4  }
0x8e: {  	v25 =	vbroadcast v7, $0xD;
	v18 =	vsel vm10, v9, v28;
	v8 =	vsel vm11, v15, v8  }
0x8f: {  	v15 =	vbroadcast v4, $0x4;
	v14 =	vmul.f32 v1, v14;
	v12 =	vmax.f32 v13, $0.0e+00  }
0x90: {  	v9 =	vsel vm10, s24, v9;
	vm13 =	vlt.f32 v12, v10;
	vm14 =	vlt.f32 v12, v26  }
0x91: {  	vm15 =	vlt.f32 v12, v11;
	v13 =	vadd.f32 v14, v17;
	v14 =	vmul.f32 v2, v15  }
0x92: {  	s24 =	sadd.s32 $0xFFFFFFE4, s19;
	v11 =	vmin.f32 v12, v11;
	v15 =	vmin.f32 v12, v26;
	v17 =	vadd.f32 v29, v3  }
0x93: {  	v11 =	vsel vm14, v26, v11;
	v8 =	vsel vm15, s24, v8;
	v13 =	vadd.f32 v14, v13  }
0x94: {  	v15 =	vsel vm13, v10, v15;
	v10 =	vmin.f32 v12, v10;
	v12 =	vmul.f32 v0, v30  }
0x95: {  	v29 =	vbroadcast v6, $0xD;
	v8 =	vsel vm14, v18, v8;
	v13 =	vsub.f32 v17, v13  }
0x96: {  	v30 =	vbroadcast v5, $0xE;
	v14 =	vsel vm14, s24, v18;
	v12 =	vadd.f32 v32, v12  }
0x97: {  	v14 =	vsel vm13, v9, v14;
	v9 =	vsel vm13, s24, v9;
	v13 =	vmax.f32 v13, $0.0e+00  }
0x98: {  	v12 =	vadd.f32 v35, v12;
	vm4 =	vlt.f32 v13, v10;
	v34 =	vmin.f32 v13, v15  }
0x99: {  	s24 =	sadd.s32 $0xFFFFFFE5, s19;
	vm5 =	vlt.f32 v13, v15;
	vm6 =	vlt.f32 v13, v11;
	v11 =	vmin.f32 v13, v11  }
0x9a: {  	v12 =	vsub.f32 v37, v12;
	v18 =	vsel vm4, v10, v34;
	v38 =	vsel vm5, s24, v14  }
0x9b: {  	v11 =	vsel vm5, v15, v11;
	v15 =	vbroadcast v7, $0x6;
	v8 =	vsel vm6, s24, v8  }
0x9c: {  	v10 =	vmin.f32 v13, v10;
	v34 =	vbroadcast v4, $0xF;
	v17 =	vsel vm4, v9, v38  }
0x9d: {  	v12 =	vmax.f32 v12, $0.0e+00;
	v8 =	vsel vm5, v14, v8;
	v14 =	vmul.f32 v2, v40  }
0x9e: {  	v9 =	vsel vm4, s24, v9;
	v13 =	vmul.f32 v0, v15;
	v15 =	vmul.f32 v1, v39  }
0x9f: {  	vm7 =	vlt.f32 v12, v10;
	vm8 =	vlt.f32 v12, v18;
	vm9 =	vlt.f32 v12, v11  }
0xa0: {  	v4 =	vld [tilespmem:s23+$0x0];
	s24 =	sadd.s32 $0xFFFFFFE6, s19;
	v11 =	vmin.f32 v12, v11;
	v13 =	vadd.f32 v15, v13;
	v15 =	vbroadcast v6, $0x6  }
0xa1: {  	v41 =	vmin.f32 v12, v18;
	v11 =	vsel vm8, v18, v11;
	v43 =	vsel vm8, s24, v17  }
0xa2: {  	v8 =	vsel vm9, s24, v8;
	v13 =	vadd.f32 v14, v13;
	v14 =	vadd.f32 v15, v3  }
0xa3: {  	v18 =	vsel vm7, v9, v43;
	v8 =	vsel vm8, v17, v8;
	v9 =	vsel vm7, s24, v9  }
0xa4: {  	v17 =	vadd.f32 v46, v3;
	v13 =	vsub.f32 v14, v13;
	v14 =	vbroadcast v5, $0x7  }
0xa5: {  	v36 =	vbroadcast v4, $0x0;
	v15 =	vsel vm7, v10, v41;
	v10 =	vmin.f32 v12, v10  }
0xa6: {  	v41 =	vbroadcast v4, $0x1;
	v14 =	vmul.f32 v1, v14;
	v12 =	vmax.f32 v13, $0.0e+00  }
0xa7: {  	vm10 =	vlt.f32 v12, v10;
	vm11 =	vlt.f32 v12, v15;
	vm12 =	vlt.f32 v12, v11  }
0xa8: {  	v11 =	vmin.f32 v12, v11;
	v13 =	vadd.f32 v14, v16;
	v14 =	vmul.f32 v2, v44  }
0xa9: {  	s24 =	sadd.s32 $0xFFFFFFE7, s19;
	v45 =	vmin.f32 v12, v15;
	v11 =	vsel vm11, v15, v11;
	v15 =	vbroadcast v7, $0x8  }
0xaa: {  	v16 =	vsel vm10, v10, v45;
	v8 =	vsel vm12, s24, v8;
	v13 =	vadd.f32 v14, v13  }
0xab: {  	v10 =	vmin.f32 v12, v10;
	v12 =	vmul.f32 v0, v15;
	v15 =	vmul.f32 v1, v47  }
0xac: {  	v8 =	vsel vm11, v18, v8;
	v14 =	vsel vm11, s24, v18;
	v13 =	vsub.f32 v17, v13  }
0xad: {  	v47 =	vbroadcast v4, $0x2;
	v12 =	vadd.f32 v15, v12;
	v15 =	vmul.f32 v2, v48  }
0xae: {  	v14 =	vsel vm10, v9, v14;
	v9 =	vsel vm10, s24, v9;
	v13 =	vmax.f32 v13, $0.0e+00  }
0xaf: {  	v12 =	vadd.f32 v15, v12;
	v15 =	vadd.f32 v50, v3;
	v50 =	vbroadcast v4, $0x3  }
0xb0: {  	vm13 =	vlt.f32 v13, v10;
	v49 =	vmin.f32 v13, v16;
	vm14 =	vlt.f32 v13, v16  }
0xb1: {  	s24 =	sadd.s32 $0xFFFFFFE8, s19;
	vm15 =	vlt.f32 v13, v11;
	v11 =	vmin.f32 v13, v11;
	v18 =	vsel vm13, v10, v49  }
0xb2: {  	v51 =	vsel vm14, s24, v14;
	v11 =	vsel vm14, v16, v11;
	v12 =	vsub.f32 v15, v12  }
0xb3: {  	v15 =	vbroadcast v5, $0x9;
	v8 =	vsel vm15, s24, v8;
	v10 =	vmin.f32 v13, v10  }
0xb4: {  	v13 =	vmul.f32 v0, v52;
	v16 =	vmul.f32 v0, v55;
	v17 =	vsel vm13, v9, v51  }
0xb5: {  	v8 =	vsel vm14, v14, v8;
	v12 =	vmax.f32 v12, $0.0e+00;
	v15 =	vmul.f32 v1, v15  }
0xb6: {  	v9 =	vsel vm13, s24, v9;
	v14 =	vmul.f32 v2, v53;
	vm4 =	vlt.f32 v12, v10  }
0xb7: {  	vm5 =	vlt.f32 v12, v18;
	v13 =	vadd.f32 v15, v13;
	v15 =	vbroadcast v6, $0x9  }
0xb8: {  	s24 =	sadd.s32 $0xFFFFFFE9, s19;
	vm6 =	vlt.f32 v12, v11;
	v54 =	vmin.f32 v12, v18;
	v11 =	vmin.f32 v12, v11  }
0xb9: {  	v56 =	vsel vm5, s24, v17;
	v13 =	vadd.f32 v14, v13;
	v14 =	vadd.f32 v15, v3  }
0xba: {  	v11 =	vsel vm5, v18, v11;
	v8 =	vsel vm6, s24, v8;
	v18 =	vsel vm4, v9, v56  }
0xbb: {  	v8 =	vsel vm5, v17, v8;
	v13 =	vsub.f32 v14, v13;
	v14 =	vbroadcast v5, $0xA  }
0xbc: {  	v9 =	vsel vm4, s24, v9;
	v17 =	vadd.f32 v59, v3;
	v15 =	vsel vm4, v10, v54  }
0xbd: {  	v10 =	vmin.f32 v12, v10;
	v14 =	vmul.f32 v1, v14;
	v12 =	vmax.f32 v13, $0.0e+00  }
0xbe: {  	vm7 =	vlt.f32 v12, v10;
	vm8 =	vlt.f32 v12, v15;
	vm9 =	vlt.f32 v12, v11  }
0xbf: {  	v11 =	vmin.f32 v12, v11;
	v13 =	vadd.f32 v14, v16;
	v14 =	vmul.f32 v2, v57  }
0xc0: {  	s24 =	sadd.s32 $0xFFFFFFEA, s19;
	v58 =	vmin.f32 v12, v15;
	v11 =	vsel vm8, v15, v11;
	v15 =	vbroadcast v7, $0xB  }
0xc1: {  	v16 =	vsel vm7, v10, v58;
	v8 =	vsel vm9, s24, v8;
	v13 =	vadd.f32 v14, v13  }
0xc2: {  	v10 =	vmin.f32 v12, v10;
	v12 =	vmul.f32 v0, v15;
	v15 =	vmul.f32 v1, v60  }
0xc3: {  	v8 =	vsel vm8, v18, v8;
	v14 =	vsel vm8, s24, v18;
	v13 =	vsub.f32 v17, v13  }
0xc4: {  	v60 =	vbroadcast v4, $0x5;
	v12 =	vadd.f32 v15, v12;
	v15 =	vmul.f32 v2, v61  }
0xc5: {  	v14 =	vsel vm7, v9, v14;
	v9 =	vsel vm7, s24, v9;
	v13 =	vmax.f32 v13, $0.0e+00  }
0xc6: {  	v12 =	vadd.f32 v15, v12;
	v15 =	vadd.f32 v63, v3;
	v63 =	vbroadcast v4, $0x6  }
0xc7: {  	vm10 =	vlt.f32 v13, v10;
	v62 =	vmin.f32 v13, v16;
	vm11 =	vlt.f32 v13, v16  }
0xc8: {  	s24 =	sadd.s32 $0xFFFFFFEB, s19;
	vm12 =	vlt.f32 v13, v11;
	v11 =	vmin.f32 v13, v11;
	v18 =	vsel vm10, v10, v62  }
0xc9: {  	v21 =	vsel vm11, s24, v14;
	v11 =	vsel vm11, v16, v11;
	v12 =	vsub.f32 v15, v12  }
0xca: {  	v15 =	vbroadcast v5, $0xC;
	v8 =	vsel vm12, s24, v8;
	v10 =	vmin.f32 v13, v10  }
0xcb: {  	v13 =	vmul.f32 v0, v22;
	v16 =	vmul.f32 v0, v25;
	v17 =	vsel vm10, v9, v21  }
0xcc: {  	v8 =	vsel vm11, v14, v8;
	v12 =	vmax.f32 v12, $0.0e+00;
	v15 =	vmul.f32 v1, v15  }
0xcd: {  	v9 =	vsel vm10, s24, v9;
	v14 =	vmul.f32 v2, v23;
	vm13 =	vlt.f32 v12, v10  }
0xce: {  	vm14 =	vlt.f32 v12, v18;
	v13 =	vadd.f32 v15, v13;
	v15 =	vbroadcast v6, $0xC  }
0xcf: {  	s24 =	sadd.s32 $0xFFFFFFEC, s19;
	vm15 =	vlt.f32 v12, v11;
	v24 =	vmin.f32 v12, v18;
	v11 =	vmin.f32 v12, v11  }
0xd0: {  	v26 =	vsel vm14, s24, v17;
	v13 =	vadd.f32 v14, v13;
	v14 =	vadd.f32 v15, v3  }
0xd1: {  	v11 =	vsel vm14, v18, v11;
	v8 =	vsel vm15, s24, v8;
	v18 =	vsel vm13, v9, v26  }
0xd2: {  	v8 =	vsel vm14, v17, v8;
	v9 =	vsel vm13, s24, v9;
	v13 =	vsub.f32 v14, v13  }
0xd3: {  	v17 =	vadd.f32 v29, v3;
	v15 =	vsel vm13, v10, v24;
	v14 =	vbroadcast v5, $0xD  }
0xd4: {  	v10 =	vmin.f32 v12, v10;
	v5 =	vbroadcast v5, $0xF;
	v12 =	vmax.f32 v13, $0.0e+00  }
0xd5: {  	v14 =	vmul.f32 v1, v14;
	vm4 =	vlt.f32 v12, v10;
	vm5 =	vlt.f32 v12, v15  }
0xd6: {  	v28 =	vmin.f32 v12, v15;
	vm6 =	vlt.f32 v12, v11;
	v11 =	vmin.f32 v12, v11  }
0xd7: {  	s24 =	sadd.s32 $0xFFFFFFED, s19;
	v13 =	vadd.f32 v14, v16;
	v14 =	vmul.f32 v2, v27;
	v16 =	vsel vm4, v10, v28  }
0xd8: {  	v11 =	vsel vm5, v15, v11;
	v15 =	vbroadcast v7, $0xE;
	v8 =	vsel vm6, s24, v8  }
0xd9: {  	v10 =	vmin.f32 v12, v10;
	v7 =	vbroadcast v7, $0xF;
	v8 =	vsel vm5, v18, v8  }
0xda: {  	v13 =	vadd.f32 v14, v13;
	v12 =	vmul.f32 v0, v15;
	v15 =	vmul.f32 v1, v30  }
0xdb: {  	v14 =	vsel vm5, s24, v18;
	v7 =	vmul.f32 v0, v7;
	v30 =	vbroadcast v4, $0x8  }
0xdc: {  	v13 =	vsub.f32 v17, v13;
	v12 =	vadd.f32 v15, v12;
	v15 =	vmul.f32 v2, v31  }
0xdd: {  	v14 =	vsel vm4, v9, v14;
	v9 =	vsel vm4, s24, v9;
	v17 =	vadd.f32 v33, v3  }
0xde: {  	v33 =	vbroadcast v4, $0x9;
	v13 =	vmax.f32 v13, $0.0e+00;
	v12 =	vadd.f32 v15, v12  }
0xdf: {  	vm7 =	vlt.f32 v13, v10;
	v32 =	vmin.f32 v13, v16;
	vm8 =	vlt.f32 v13, v16  }
0xe0: {  	s24 =	sadd.s32 $0xFFFFFFEE, s19;
	vm9 =	vlt.f32 v13, v11;
	v11 =	vmin.f32 v13, v11;
	v18 =	vsel vm7, v10, v32  }
0xe1: {  	v15 =	vsel vm8, s24, v14;
	v11 =	vsel vm8, v16, v11;
	v12 =	vsub.f32 v17, v12  }
0xe2: {  	v8 =	vsel vm9, s24, v8;
	v10 =	vmin.f32 v13, v10;
	v13 =	vmul.f32 v1, v5  }
0xe3: {  	v17 =	vmul.f32 v0, v36;
	v15 =	vsel vm7, v9, v15;
	v8 =	vsel vm8, v14, v8  }
0xe4: {  	v5 =	vld [tilespmem:s20+$0x0];
	v9 =	vsel vm7, s24, v9;
	v14 =	vbroadcast v6, $0xF;
	v12 =	vmax.f32 v12, $0.0e+00  }
0xe5: {  	v7 =	vadd.f32 v13, v7;
	v13 =	vmul.f32 v2, v34;
	vm10 =	vlt.f32 v12, v10  }
0xe6: {  	v6 =	vld [tilespmem:s21+$0x0];
	vm11 =	vlt.f32 v12, v18;
	vm12 =	vlt.f32 v12, v11;
	v35 =	vmin.f32 v12, v18  }
0xe7: {  	s24 =	sadd.s32 $0xFFFFFFEF, s19;
	v11 =	vmin.f32 v12, v11;
	v16 =	vsel vm10, v10, v35;
	v7 =	vadd.f32 v13, v7  }
0xe8: {  	v13 =	vadd.f32 v14, v3;
	v14 =	vsel vm11, s24, v15;
	v11 =	vsel vm11, v18, v11  }
0xe9: {  	v8 =	vsel vm12, s24, v8;
	v37 =	vbroadcast v5, $0x0;
	v42 =	vbroadcast v5, $0x1  }
0xea: {  	v10 =	vmin.f32 v12, v10;
	v55 =	vbroadcast v5, $0x4;
	v25 =	vbroadcast v5, $0x7  }
0xeb: {  	v14 =	vsel vm10, v9, v14;
	v38 =	vbroadcast v6, $0x0;
	v43 =	vbroadcast v6, $0x1  }
0xec: {  	v8 =	vsel vm11, v15, v8;
	v48 =	vbroadcast v6, $0x2;
	v52 =	vbroadcast v6, $0x3  }
0xed: {  	v13 =	vsub.f32 v13, v7;
	v56 =	vbroadcast v6, $0x4;
	v61 =	vbroadcast v6, $0x5  }
0xee: {  	v9 =	vsel vm10, s24, v9;
	v22 =	vbroadcast v6, $0x6;
	v15 =	vmul.f32 v1, v37  }
0xef: {  	v7 =	vld [tilespmem:s22+$0x0];
	v26 =	vbroadcast v6, $0x7;
	v31 =	vbroadcast v6, $0x8;
	v12 =	vmax.f32 v13, $0.0e+00  }
0xf0: {  	v35 =	vbroadcast v6, $0x9;
	vm13 =	vlt.f32 v12, v10;
	v13 =	vadd.f32 v15, v17  }
0xf1: {  	v15 =	vmul.f32 v2, v38;
	vm14 =	vlt.f32 v12, v16;
	v39 =	vmin.f32 v12, v16  }
0xf2: {  	s24 =	sadd.s32 $0xFFFFFFF0, s19;
	vm15 =	vlt.f32 v12, v11;
	v11 =	vmin.f32 v12, v11;
	v17 =	vsel vm13, v10, v39  }
0xf3: {  	v8 =	vsel vm15, s24, v8;
	v10 =	vmin.f32 v12, v10;
	v12 =	vmul.f32 v0, v41  }
0xf4: {  	v39 =	vbroadcast v4, $0xA;
	v40 =	vbroadcast v7, $0x0;
	v13 =	vadd.f32 v15, v13  }
0xf5: {  	v15 =	vsel vm14, s24, v14;
	v8 =	vsel vm14, v14, v8;
	v14 =	vmul.f32 v1, v42  }
0xf6: {  	v11 =	vsel vm14, v16, v11;
	v45 =	vbroadcast v7, $0x1;
	v54 =	vbroadcast v7, $0x3  }
0xf7: {  	v58 =	vbroadcast v7, $0x4;
	v24 =	vbroadcast v7, $0x6;
	v18 =	vadd.f32 v40, v3  }
0xf8: {  	v28 =	vbroadcast v7, $0x7;
	v12 =	vadd.f32 v14, v12;
	v14 =	vmul.f32 v2, v43  }
0xf9: {  	v36 =	vbroadcast v7, $0x9;
	v41 =	vbroadcast v7, $0xA;
	v13 =	vsub.f32 v18, v13  }
0xfa: {  	v15 =	vsel vm13, v9, v15;
	v12 =	vadd.f32 v14, v12;
	v14 =	vadd.f32 v45, v3  }
0xfb: {  	v9 =	vsel vm13, s24, v9;
	v40 =	vbroadcast v6, $0xA;
	v45 =	vbroadcast v6, $0xB  }
0xfc: {  	v13 =	vmax.f32 v13, $0.0e+00;
	v12 =	vsub.f32 v14, v12;
	v14 =	vbroadcast v5, $0x2  }
0xfd: {  	vm4 =	vlt.f32 v13, v10;
	v44 =	vmin.f32 v13, v17;
	vm5 =	vlt.f32 v13, v17  }
0xfe: {  	s24 =	sadd.s32 $0xFFFFFFF1, s19;
	vm6 =	vlt.f32 v13, v11;
	v11 =	vmin.f32 v13, v11;
	v18 =	vsel vm4, v10, v44  }
0xff: {  	v46 =	vsel vm5, s24, v15;
	v11 =	vsel vm5, v17, v11;
	v8 =	vsel vm6, s24, v8  }
0x100: {  	v10 =	vmin.f32 v13, v10;
	v13 =	vmul.f32 v0, v47;
	v14 =	vmul.f32 v1, v14  }
0x101: {  	v12 =	vmax.f32 v12, $0.0e+00;
	v17 =	vmul.f32 v0, v50;
	v47 =	vbroadcast v4, $0xC  }
0x102: {  	v16 =	vsel vm4, v9, v46;
	v8 =	vsel vm5, v15, v8;
	v9 =	vsel vm4, s24, v9  }
0x103: {  	vm7 =	vlt.f32 v12, v10;
	v15 =	vbroadcast v7, $0x2;
	vm8 =	vlt.f32 v12, v18  }
0x104: {  	vm9 =	vlt.f32 v12, v11;
	v13 =	vadd.f32 v14, v13;
	v14 =	vmul.f32 v2, v48  }
0x105: {  	v49 =	vmin.f32 v12, v18;
	v11 =	vmin.f32 v12, v11;
	v46 =	vbroadcast v7, $0xB  }
0x106: {  	s24 =	sadd.s32 $0xFFFFFFF2, s19;
	v11 =	vsel vm8, v18, v11;
	v13 =	vadd.f32 v14, v13;
	v14 =	vadd.f32 v15, v3  }
0x107: {  	v51 =	vsel vm8, s24, v16;
	v8 =	vsel vm9, s24, v8;
	v48 =	vbroadcast v5, $0xC  }
0x108: {  	v18 =	vsel vm7, v9, v51;
	v8 =	vsel vm8, v16, v8;
	v13 =	vsub.f32 v14, v13  }
0x109: {  	v15 =	vsel vm7, v10, v49;
	v49 =	vbroadcast v6, $0xC;
	v14 =	vbroadcast v5, $0x3  }
0x10a: {  	v9 =	vsel vm7, s24, v9;
	v10 =	vmin.f32 v12, v10;
	v12 =	vmax.f32 v13, $0.0e+00  }
0x10b: {  	v51 =	vmul.f32 v2, v49;
	v14 =	vmul.f32 v1, v14;
	vm10 =	vlt.f32 v12, v10  }
0x10c: {  	vm11 =	vlt.f32 v12, v15;
	v53 =	vmin.f32 v12, v15;
	vm12 =	vlt.f32 v12, v11  }
0x10d: {  	v11 =	vmin.f32 v12, v11;
	v13 =	vadd.f32 v14, v17;
	v14 =	vmul.f32 v2, v52  }
0x10e: {  	s24 =	sadd.s32 $0xFFFFFFF3, s19;
	v16 =	vsel vm10, v10, v53;
	v17 =	vadd.f32 v54, v3;
	v11 =	vsel vm11, v15, v11  }
0x10f: {  	v15 =	vbroadcast v4, $0x4;
	v8 =	vsel vm12, s24, v8;
	v10 =	vmin.f32 v12, v10  }
0x110: {  	v52 =	vbroadcast v7, $0xC;
	v8 =	vsel vm11, v18, v8;
	v13 =	vadd.f32 v14, v13  }
0x111: {  	v14 =	vsel vm11, s24, v18;
	v12 =	vmul.f32 v0, v15;
	v15 =	vmul.f32 v1, v55  }
0x112: {  	v53 =	vadd.f32 v52, v3;
	v55 =	vbroadcast v4, $0xD;
	v13 =	vsub.f32 v17, v13  }
0x113: {  	v14 =	vsel vm10, v9, v14;
	v12 =	vadd.f32 v15, v12;
	v15 =	vmul.f32 v2, v56  }
0x114: {  	v9 =	vsel vm10, s24, v9;
	v56 =	vbroadcast v5, $0xD;
	v13 =	vmax.f32 v13, $0.0e+00  }
0x115: {  	v12 =	vadd.f32 v15, v12;
	v15 =	vadd.f32 v58, v3;
	vm13 =	vlt.f32 v13, v10  }
0x116: {  	s24 =	sadd.s32 $0xFFFFFFF4, s19;
	v57 =	vmin.f32 v13, v16;
	vm14 =	vlt.f32 v13, v16;
	vm15 =	vlt.f32 v13, v11  }
0x117: {  	v11 =	vmin.f32 v13, v11;
	v18 =	vsel vm13, v10, v57;
	v59 =	vsel vm14, s24, v14  }
0x118: {  	v11 =	vsel vm14, v16, v11;
	v12 =	vsub.f32 v15, v12;
	v15 =	vbroadcast v5, $0x5  }
0x119: {  	v10 =	vmin.f32 v13, v10;
	v13 =	vmul.f32 v0, v60;
	v16 =	vmul.f32 v0, v63  }
0x11a: {  	v8 =	vsel vm15, s24, v8;
	v57 =	vbroadcast v6, $0xD;
	v60 =	vbroadcast v4, $0xE  }
0x11b: {  	v63 =	vbroadcast v7, $0xE;
	v17 =	vsel vm13, v9, v59;
	v8 =	vsel vm14, v14, v8  }
0x11c: {  	v9 =	vsel vm13, s24, v9;
	v14 =	vmul.f32 v2, v61;
	v15 =	vmul.f32 v1, v15  }
0x11d: {  	v59 =	vbroadcast v7, $0xD;
	v61 =	vbroadcast v5, $0xE;
	v12 =	vmax.f32 v12, $0.0e+00  }
0x11e: {  	vm4 =	vlt.f32 v12, v10;
	v13 =	vadd.f32 v15, v13;
	v15 =	vbroadcast v7, $0x5  }
0x11f: {  	vm5 =	vlt.f32 v12, v18;
	vm6 =	vlt.f32 v12, v11;
	v62 =	vmin.f32 v12, v18  }
0x120: {  	s24 =	sadd.s32 $0xFFFFFFF5, s19;
	v11 =	vmin.f32 v12, v11;
	v13 =	vadd.f32 v14, v13;
	v14 =	vadd.f32 v15, v3  }
0x121: {  	v11 =	vsel vm5, v18, v11;
	v21 =	vsel vm5, s24, v17;
	v8 =	vsel vm6, s24, v8  }
0x122: {  	v18 =	vsel vm4, v9, v21;
	v13 =	vsub.f32 v14, v13;
	v14 =	vbroadcast v5, $0x6  }
0x123: {  	v8 =	vsel vm5, v17, v8;
	v9 =	vsel vm4, s24, v9;
	v15 =	vsel vm4, v10, v62  }
0x124: {  	v10 =	vmin.f32 v12, v10;
	v14 =	vmul.f32 v1, v14;
	v12 =	vmax.f32 v13, $0.0e+00  }
0x125: {  	vm7 =	vlt.f32 v12, v10;
	vm8 =	vlt.f32 v12, v15;
	v23 =	vmin.f32 v12, v15  }
0x126: {  	vm9 =	vlt.f32 v12, v11;
	v11 =	vmin.f32 v12, v11;
	v13 =	vadd.f32 v14, v16  }
0x127: {  	v14 =	vmul.f32 v2, v22;
	v11 =	vsel vm8, v15, v11;
	v15 =	vbroadcast v4, $0x7  }
0x128: {  	v17 =	vadd.f32 v24, v3;
	v16 =	vsel vm7, v10, v23;
	v10 =	vmin.f32 v12, v10  }
0x129: {  	s24 =	sadd.s32 $0xFFFFFFF6, s19;
	v13 =	vadd.f32 v14, v13;
	v12 =	vmul.f32 v0, v15;
	v15 =	vmul.f32 v1, v25  }
0x12a: {  	v62 =	vmul.f32 v1, v61;
	v8 =	vsel vm9, s24, v8;
	v14 =	vsel vm8, s24, v18  }
0x12b: {  	v13 =	vsub.f32 v17, v13;
	v12 =	vadd.f32 v15, v12;
	v15 =	vmul.f32 v2, v26  }
0x12c: {  	v8 =	vsel vm8, v18, v8;
	v14 =	vsel vm7, v9, v14;
	v9 =	vsel vm7, s24, v9  }
0x12d: {  	v13 =	vmax.f32 v13, $0.0e+00;
	v12 =	vadd.f32 v15, v12;
	v15 =	vadd.f32 v28, v3  }
0x12e: {  	vm10 =	vlt.f32 v13, v10;
	v27 =	vmin.f32 v13, v16;
	vm11 =	vlt.f32 v13, v16  }
0x12f: {  	s24 =	sadd.s32 $0xFFFFFFF7, s19;
	vm12 =	vlt.f32 v13, v11;
	v11 =	vmin.f32 v13, v11;
	v18 =	vsel vm10, v10, v27  }
0x130: {  	v29 =	vsel vm11, s24, v14;
	v12 =	vsub.f32 v15, v12;
	v15 =	vbroadcast v5, $0x8  }
0x131: {  	v11 =	vsel vm11, v16, v11;
	v10 =	vmin.f32 v13, v10;
	v13 =	vmul.f32 v0, v30  }
0x132: {  	v8 =	vsel vm12, s24, v8;
	v16 =	vmul.f32 v0, v33;
	v15 =	vmul.f32 v1, v15  }
0x133: {  	v17 =	vsel vm10, v9, v29;
	v8 =	vsel vm11, v14, v8;
	v14 =	vmul.f32 v2, v31  }
0x134: {  	v12 =	vmax.f32 v12, $0.0e+00;
	v13 =	vadd.f32 v15, v13;
	v15 =	vbroadcast v7, $0x8  }
0x135: {  	v9 =	vsel vm10, s24, v9;
	vm13 =	vlt.f32 v12, v10;
	vm14 =	vlt.f32 v12, v18  }
0x136: {  	s24 =	sadd.s32 $0xFFFFFFF8, s19;
	vm15 =	vlt.f32 v12, v11;
	v13 =	vadd.f32 v14, v13;
	v14 =	vadd.f32 v15, v3  }
0x137: {  	v32 =	vmin.f32 v12, v18;
	v11 =	vmin.f32 v12, v11;
	v34 =	vsel vm14, s24, v17  }
0x138: {  	v8 =	vsel vm15, s24, v8;
	v13 =	vsub.f32 v14, v13;
	v14 =	vbroadcast v5, $0x9  }
0x139: {  	v11 =	vsel vm14, v18, v11;
	v18 =	vsel vm13, v9, v34;
	v8 =	vsel vm14, v17, v8  }
0x13a: {  	v9 =	vsel vm13, s24, v9;
	v17 =	vmul.f32 v0, v39;
	v14 =	vmul.f32 v1, v14  }
0x13b: {  	v15 =	vsel vm13, v10, v32;
	v10 =	vmin.f32 v12, v10;
	v12 =	vmax.f32 v13, $0.0e+00  }
0x13c: {  	vm4 =	vlt.f32 v12, v10;
	v13 =	vadd.f32 v14, v16;
	v14 =	vmul.f32 v2, v35  }
0x13d: {  	vm5 =	vlt.f32 v12, v15;
	vm6 =	vlt.f32 v12, v11;
	v37 =	vmin.f32 v12, v15  }
0x13e: {  	s24 =	sadd.s32 $0xFFFFFFF9, s19;
	v11 =	vmin.f32 v12, v11;
	v13 =	vadd.f32 v14, v13;
	v14 =	vadd.f32 v36, v3  }
0x13f: {  	v38 =	vsel vm4, v10, v37;
	v11 =	vsel vm5, v15, v11;
	v15 =	vsel vm5, s24, v18  }
0x140: {  	v8 =	vsel vm6, s24, v8;
	v10 =	vmin.f32 v12, v10;
	v13 =	vsub.f32 v14, v13  }
0x141: {  	v16 =	vadd.f32 v46, v3;
	v8 =	vsel vm5, v18, v8;
	v14 =	vbroadcast v5, $0xA  }
0x142: {  	v15 =	vsel vm4, v9, v15;
	v9 =	vsel vm4, s24, v9;
	v12 =	vmax.f32 v13, $0.0e+00  }
0x143: {  	v14 =	vmul.f32 v1, v14;
	vm7 =	vlt.f32 v12, v10;
	vm8 =	vlt.f32 v12, v38  }
0x144: {  	v42 =	vmin.f32 v12, v38;
	vm9 =	vlt.f32 v12, v11;
	v11 =	vmin.f32 v12, v11  }
0x145: {  	s24 =	sadd.s32 $0xFFFFFFFA, s19;
	v13 =	vadd.f32 v14, v17;
	v14 =	vmul.f32 v2, v40;
	v43 =	vsel vm7, v10, v42  }
0x146: {  	v44 =	vsel vm8, s24, v15;
	v11 =	vsel vm8, v38, v11;
	v8 =	vsel vm9, s24, v8  }
0x147: {  	v10 =	vmin.f32 v12, v10;
	v13 =	vadd.f32 v14, v13;
	v14 =	vadd.f32 v41, v3  }
0x148: {  	v18 =	vsel vm7, v9, v44;
	v8 =	vsel vm8, v15, v8;
	v15 =	vbroadcast v5, $0xB  }
0x149: {  	v5 =	vbroadcast v5, $0xF;
	v13 =	vsub.f32 v14, v13;
	v14 =	vbroadcast v4, $0xB  }
0x14a: {  	v9 =	vsel vm7, s24, v9;
	v15 =	vmul.f32 v1, v15;
	v4 =	vbroadcast v4, $0xF  }
0x14b: {  	v5 =	vmul.f32 v1, v5;
	v13 =	vmax.f32 v13, $0.0e+00;
	v12 =	vmul.f32 v0, v14  }
0x14c: {  	v4 =	vmul.f32 v0, v4;
	vm10 =	vlt.f32 v13, v43;
	v14 =	vmin.f32 v13, v11  }
0x14d: {  	vm11 =	vlt.f32 v13, v10;
	v12 =	vadd.f32 v15, v12;
	v15 =	vmul.f32 v2, v45  }
0x14e: {  	s24 =	sadd.s32 $0xFFFFFFFB, s19;
	v17 =	vmin.f32 v13, v43;
	vm12 =	vlt.f32 v13, v11;
	v14 =	vsel vm10, v43, v14  }
0x14f: {  	v11 =	vsel vm11, v10, v17;
	v8 =	vsel vm12, s24, v8;
	v12 =	vadd.f32 v15, v12  }
0x150: {  	v10 =	vmin.f32 v13, v10;
	v13 =	vmul.f32 v0, v47;
	v4 =	vadd.f32 v5, v4  }
0x151: {  	v15 =	vsel vm10, s24, v18;
	v12 =	vsub.f32 v16, v12;
	v16 =	vmul.f32 v1, v48  }
0x152: {  	v8 =	vsel vm10, v18, v8;
	v15 =	vsel vm11, v9, v15;
	v9 =	vsel vm11, s24, v9  }
0x153: {  	v12 =	vmax.f32 v12, $0.0e+00;
	v13 =	vadd.f32 v16, v13;
	v16 =	vmul.f32 v0, v60  }
0x154: {  	vm13 =	vlt.f32 v12, v10;
	vm14 =	vlt.f32 v12, v11;
	v50 =	vmin.f32 v12, v14  }
0x155: {  	s24 =	sadd.s32 $0xFFFFFFFC, s19;
	vm15 =	vlt.f32 v12, v14;
	v14 =	vsel vm14, v11, v50;
	v11 =	vmin.f32 v12, v11  }
0x156: {  	v13 =	vadd.f32 v51, v13;
	v54 =	vsel vm14, s24, v15;
	v8 =	vsel vm15, s24, v8  }
0x157: {  	v11 =	vsel vm13, v10, v11;
	v8 =	vsel vm14, v15, v8;
	v10 =	vmin.f32 v12, v10  }
0x158: {  	v12 =	vmul.f32 v0, v55;
	v15 =	vmul.f32 v1, v56;
	v13 =	vsub.f32 v53, v13  }
0x159: {  	v16 =	vadd.f32 v62, v16;
	v17 =	vsel vm13, v9, v54;
	v9 =	vsel vm13, s24, v9  }
0x15a: {  	v12 =	vadd.f32 v15, v12;
	v15 =	vmul.f32 v2, v57;
	v13 =	vmax.f32 v13, $0.0e+00  }
0x15b: {  	vm4 =	vlt.f32 v13, v11;
	v58 =	vmin.f32 v13, v14;
	vm5 =	vlt.f32 v13, v10  }
0x15c: {  	s24 =	sadd.s32 $0xFFFFFFFD, s19;
	vm6 =	vlt.f32 v13, v14;
	v12 =	vadd.f32 v15, v12;
	v15 =	vadd.f32 v59, v3  }
0x15d: {  	v14 =	vsel vm4, v11, v58;
	v11 =	vmin.f32 v13, v11;
	v8 =	vsel vm6, s24, v8  }
0x15e: {  	v12 =	vsub.f32 v15, v12;
	v11 =	vsel vm5, v10, v11;
	v15 =	vsel vm4, s24, v17  }
0x15f: {  	v10 =	vmin.f32 v13, v10;
	v13 =	vbroadcast v6, $0xE;
	v6 =	vbroadcast v6, $0xF  }
0x160: {  	v8 =	vsel vm4, v17, v8;
	v15 =	vsel vm5, v9, v15;
	v9 =	vsel vm5, s24, v9  }
0x161: {  	v12 =	vmax.f32 v12, $0.0e+00;
	v13 =	vmul.f32 v2, v13;
	v5 =	vmul.f32 v2, v6  }
0x162: {  	v6 =	vbroadcast v7, $0xF;
	vm7 =	vlt.f32 v12, v11;
	vm8 =	vlt.f32 v12, v14  }
0x163: {  	v14 =	vmin.f32 v12, v14;
	vm9 =	vlt.f32 v12, v10;
	v7 =	vmin.f32 v12, v10  }
0x164: {  	s24 =	sadd.s32 $0xFFFFFFFE, s19;
	v14 =	vsel vm7, v11, v14;
	v13 =	vadd.f32 v13, v16;
	v16 =	vadd.f32 v63, v3  }
0x165: {  	v8 =	vsel vm8, s24, v8;
	v4 =	vadd.f32 v5, v4;
	v5 =	vadd.f32 v6, v3  }
0x166: {  	v11 =	vmin.f32 v12, v11;
	v8 =	vsel vm7, v15, v8;
	v13 =	vsub.f32 v16, v13  }
0x167: {  	v15 =	vsel vm7, s24, v15;
	v11 =	vsel vm9, v10, v11;
	v4 =	vsub.f32 v5, v4  }
0x168: {  	v15 =	vsel vm9, v9, v15;
	v9 =	vsel vm9, s24, v9;
	v10 =	vmax.f32 v13, $0.0e+00  }
0x169: {  	v4 =	vmax.f32 v4, $0.0e+00;
	vm10 =	vlt.f32 v10, v7;
	v6 =	vmin.f32 v10, v11  }
0x16a: {  	s24 =	sadd.s32 $0xFFFFFFFF, s19;
	vm11 =	vlt.f32 v10, v11;
	vm12 =	vlt.f32 v10, v14;
	v6 =	vsel vm10, v7, v6  }
0x16b: {  	v12 =	vsel vm11, s24, v15;
	v8 =	vsel vm12, s24, v8;
	v7 =	vmin.f32 v10, v7  }
0x16c: {  	p0 =	sne.s32 s19, $0x7FF;
	v5 =	vsel vm10, v9, v12;
	v12 =	vmin.f32 v10, v14;
	v13 =	vsel vm11, v15, v8  }
.Ltmp1:
0x16d: {  	v9 =	vsel vm10, s24, v9;
	vm13 =	vlt.f32 v4, v6;
	vm14 =	vlt.f32 v4, v7;
	(pc) =	sbr.rel @p0 .LBB2_5-.Ltmp1, $4  }
0x16e: {  	v8 =	vmin.f32 v4, v6;
	v11 =	vsel vm11, v11, v12;
	v10 =	vsel vm13, s19, v5  }
0x16f: {  	v12 =	vsel vm14, v7, v8;
	vm15 =	vlt.f32 v4, v11;
	v8 =	vsel vm14, v9, v10  }
0x170: {  	s23 =	sadd.s32 $0x20, s23;
	s20 =	sadd.s32 $0x20, s20;
	v10 =	vmin.f32 v4, v11;
	v9 =	vsel vm14, s19, v9;
	v13 =	vsel vm15, s19, v13  }
0x171: {  	s21 =	sadd.s32 $0x20, s21;
	s22 =	sadd.s32 $0x20, s22;
	v11 =	vsel vm13, v6, v10;
	s19 =	sadd.s32 $0x20, s19;
	v10 =	vsel vm13, v5, v13;
	v13 =	vmin.f32 v4, v7  }
0x172: {  	v0 =	vmax.f32 v13, $0.0e+00;
	v3 =	vmax.f32 v12, $0.0e+00  }
0x173: {  	v7 =	vmax.f32 v11, $0.0e+00;
	v1 =	vshrl.u32 v0, $0x1;
	v2 =	vmul.f32 $5.000000000e-01, v0  }
0x174: {  	v4 =	vshrl.u32 v3, $0x1;
	v5 =	vmul.f32 $5.000000000e-01, v3;
	v50 =	vshrl.u32 v7, $0x1  }
0x175: {  	v51 =	vmul.f32 $5.000000000e-01, v7;
	v1 =	vsub.s32 $0x5F3759DF, v1;
	v4 =	vsub.s32 $0x5F3759DF, v4  }
0x176: {  	v12 =	vsub.s32 $0x5F3759DF, v50;
	v6 =	vmul.f32 v1, v2;
	v49 =	vmul.f32 v4, v5  }
0x177: {  	v14 =	vmul.f32 v12, v51  }
0x178: {  	v6 =	vmul.f32 v1, v6;
	v11 =	vmul.f32 v4, v49  }
0x179: {  	v14 =	vmul.f32 v12, v14  }
0x17a: {  	v6 =	vsub.f32 $1.500000000e+00, v6;
	v11 =	vsub.f32 $1.500000000e+00, v11  }
0x17b: {  	v52 =	vsub.f32 $1.500000000e+00, v14  }
0x17c: {  	v1 =	vmul.f32 v1, v6;
	v4 =	vmul.f32 v4, v11  }
0x17d: {  	v6 =	vmul.f32 v12, v52  }
0x17e: {  	v53 =	vmul.f32 v1, v2;
	v54 =	vmul.f32 v4, v5  }
0x17f: {  	v56 =	vmul.f32 v6, v51  }
0x180: {  	v11 =	vmul.f32 v53, v1;
	v55 =	vmul.f32 v54, v4  }
0x181: {  	v14 =	vmul.f32 v56, v6  }
0x182: {  	v11 =	vsub.f32 $1.500000000e+00, v11;
	v12 =	vsub.f32 $1.500000000e+00, v55  }
0x183: {  	v57 =	vsub.f32 $1.500000000e+00, v14  }
0x184: {  	v1 =	vmul.f32 v11, v1;
	v4 =	vmul.f32 v12, v4  }
0x185: {  	v6 =	vmul.f32 v57, v6  }
0x186: {  	v2 =	vmul.f32 v1, v2;
	v5 =	vmul.f32 v4, v5  }
0x187: {  	v11 =	vmul.f32 v6, v51  }
0x188: {  	v2 =	vmul.f32 v2, v1;
	v5 =	vmul.f32 v5, v4;
	_ =	sdelay $0x1  }
0x189: {  	v11 =	vmul.f32 v11, v6;
	v2 =	vsub.f32 $1.500000000e+00, v2;
	v5 =	vsub.f32 $1.500000000e+00, v5;
	_ =	sdelay $0x1  }
0x18a: {  	v59 =	vsub.f32 $1.500000000e+00, v11;
	v1 =	vmul.f32 v2, v1;
	v58 =	vmul.f32 v5, v4  }
0x18b: {  	vm0 =	vlt.f32 v0, $9.999999680e-21;
	vm1 =	vlt.f32 v3, $9.999999680e-21  }
0x18c: {  	v61 =	vmul.f32 v59, v6;
	v0 =	vsel vm0, $0x501502F9, v1;
	v60 =	vsel vm1, $0x501502F9, v58  }
0x18d: {  	vm15 =	vlt.f32 v7, $9.999999680e-21;
	v62 =	vadd.f32 v60, v0  }
0x18e: {  	v2 =	vsel vm15, $0x501502F9, v61  }
0x18f: {  	v3 =	vadd.f32 v2, v62;
	_ =	sdelay $0x1  }
0x190: {  	(erf) = vrcp.f32 v3;
	_ =	sdelay $0x7  }
0x191: {  	s1 =	sadd.s32 $0x1, s1  }
0x192: {  	[tilespmem:s0+$0x2480] =	vst v9;
	p0 =	sne.s32 s1, $0x18;
	v3 =	vpop (erf)  }
.Ltmp2:
0x193: {  	[tilespmem:s0+$0x2600] =	vst v8;
	v0 =	vmul.f32 v3, v0;
	(pc) =	sbr.rel @p0 .LBB2_4-.Ltmp2, $4  }
0x194: {  	[tilespmem:s0+$0x2780] =	vst v10;
	v1 =	vmul.f32 v3, v60  }
0x195: {  	v63 =	vmul.f32 v3, v2;
	[tilespmem:s0+$0x2900] =	vst v0  }
0x196: {  	[tilespmem:s0+$0x2A80] =	vst v1  }
0x197: {  	[tilespmem:s0+$0x2C00] =	vst v63  }
0x198: {  	s0 =	simm.s32 $0x2480  }
0x199: {  	[hbm4b:s9+s16] =	stream.strided.scatter [tilespmem:s0], [sflag:$0x1], $0x180, s17, s16, $0x38;
	[tilespmem:$0x2D80] =	vst v63  }
0x19a: {  	_ =	swait.ge [sflag:s18], $0x180  }
0x19b: {  	[sflag:s18] =	ssyncset.done $0x0  }
0x19c: {  	[sflag:s18] =	ssyncadd.s32 $0xFFFFFE80  }
0x19d: {  	[hbm4b:s10+s16] =	stream.strided.scatter [tilespmem:s25], [sflag:$0x1], $0x180, s17, s16, $0x38;
	[tilespmem:$0x2D80] =	vst v63  }
0x19e: {  	_ =	swait.ge [sflag:s18], $0x180  }
0x19f: {  	[sflag:s18] =	ssyncset.done $0x0  }
0x1a0: {  	[sflag:s18] =	ssyncadd.s32 $0xFFFFFE80  }
0x1a1: {  	[hbm4b:s11+s16] =	stream.strided.scatter [tilespmem:s26], [sflag:$0x1], $0x180, s17, s16, $0x38;
	[tilespmem:$0x2D80] =	vst v63  }
0x1a2: {  	_ =	swait.ge [sflag:s18], $0x180  }
0x1a3: {  	[sflag:s18] =	ssyncset.done $0x0  }
0x1a4: {  	[sflag:s18] =	ssyncadd.s32 $0xFFFFFE80  }
0x1a5: {  	[hbm4b:s12+s16] =	stream.strided.scatter [tilespmem:s28], [sflag:$0x1], $0x180, s17, s16, $0x38;
	[tilespmem:$0x2D80] =	vst v63  }
0x1a6: {  	_ =	swait.ge [sflag:s18], $0x180  }
0x1a7: {  	[sflag:s18] =	ssyncset.done $0x0  }
0x1a8: {  	[sflag:s18] =	ssyncadd.s32 $0xFFFFFE80  }
0x1a9: {  	[hbm4b:s13+s16] =	stream.strided.scatter [tilespmem:s29], [sflag:$0x1], $0x180, s17, s16, $0x38;
	[tilespmem:$0x2D80] =	vst v63  }
0x1aa: {  	s31 =	sadd.s32 $0x1, s31;
	_ =	swait.ge [sflag:s18], $0x180  }
0x1ab: {  	p0 =	sne.s32 s31, s15;
	[sflag:s18] =	ssyncset.done $0x0  }
.Ltmp3:
0x1ac: {  	[sflag:s18] =	ssyncadd.s32 $0xFFFFFE80;
	(pc) =	sbr.rel @p0 .LBB2_1-.Ltmp3, $4  }
0x1ad: {  	[hbm4b:s14+s16] =	stream.strided.scatter [tilespmem:s30], [sflag:$0x1], $0x180, s17, s16, $0x38;
	[tilespmem:$0x2D80] =	vst v63  }
0x1ae: {  	_ =	swait.ge [sflag:s18], $0x180  }
0x1af: {  	[sflag:s18] =	ssyncset.done $0x0  }
0x1b0: {  	[sflag:s18] =	ssyncadd.s32 $0xFFFFFE80  }
0x1b1: {  	_ =	sfence.sel $0x180000  }
0x1b2: {  	[bflag:$0x0] =	sbarrier.arrive $0xFFFF  }
0x1b3: {  	_ =	strace $0x90000047  }
0x1b4: {  	s0 =	stileid.u32;
	[bflag:$0x2] =	sbarrier.arrive $0xFFFF  }
0x1b5: {  	p0 =	sne.s32 s0, $0x0;
	s0 =	rddreg [dreg:$0x3]  }
0x1b6: {  	s0 =	sadd.s32 @!p0 $0x100000, s0  }
0x1b7: {  	[sflag:s0] =	ssyncadd.tile.s32 @!p0 $0x1;
	_ =	shalt  }
.Lfunc_end2:
_tile_overlayer_lowered:
.L_overlay_start_2:
0x1b8: {  	(tag) =	ssettag $0x2  }
0x1b9: {  	s0 =	rddreg [dreg:$0x0];
	s2 =	stileid.u32  }
0x1ba: {  	s1 =	rddreg [dreg:$0x1];
	p0 =	sne.s32 s2, $0x0  }
0x1bb: {  	s3 =	rddreg [dreg:$0x2];
	[bflag:$0x3] =	sbarrier.arrive $0xFFFF;
	s2 =	simm.s32 @!p0 $0x1C01  }
0x1bc: {  	[timem:s3], [sflag:s2] =	dma.local @!p0 [hbm:s0], s1  }
0x1bd: {  	s0 =	simm.s32 @!p0 $0x1  }
0x1be: {  	_ =	swait.ge @!p0 [sflag:s0], s1  }
0x1bf: {  	s1 =	ssub.s32 @!p0 $0x0, s1;
	[sflag:s0] =	ssyncset.done @!p0 $0x0  }
0x1c0: {  	[sflag:s0] =	ssyncadd.s32 @!p0 s1  }
0x1c1: {  	[bflag:$0x3] =	sbarrier.arrive $0xFFFF  }
0x1c2: {  	_ =	shalt  }

</sc_bundles>
